<compile_context>
chip_gen: v7x
topology: tpu7x:2x2x1
jax: 0.10.2.dev20260603
libtpu: 0.0.44.dev20260713+nightly
codegen_flags: <defaults>
</compile_context>

<pallas_src>
import functools

import jax
import jax.numpy as jnp
from jax import lax
from jax.experimental import pallas as pl
from jax.experimental.pallas import tpu as pltpu
from jax.experimental.pallas import tpu_sc as plsc

N_NODES = 10000
D_FEAT = 128
N_PAIRS = 320000

NC = 2
NS = 16
NW = NC * NS
P_W = N_PAIRS // NW
CHUNK = 80
NCHUNK = P_W // CHUNK
NBUF = 3


def _make_sc_kernel():
    mesh = plsc.VectorSubcoreMesh(core_axis_name="c", subcore_axis_name="s")

    row_buf = pltpu.VMEM((CHUNK, D_FEAT // 2), jnp.int32)

    @functools.partial(
        pl.kernel,
        mesh=mesh,
        compiler_params=pltpu.CompilerParams(needs_layout_passes=False,
                                             use_tc_tiling_on_sc=False),
        out_type=jax.ShapeDtypeStruct((NW, 16), jnp.float32),
        scratch_types=(
            [pltpu.VMEM((P_W,), jnp.int32)] * 3
            + [row_buf] * (3 * NBUF)
            + [pltpu.VMEM((16,), jnp.float32)] * 2
            + [pltpu.VMEM_SHARED((N_NODES, D_FEAT // 2), jnp.int32)]
            + [pltpu.SemaphoreType.DMA] * NBUF
        ),
    )
    def sc_loss(tab_hbm, left_hbm, pos_hbm, neg_hbm, gam_hbm, out_hbm,
                lidx, pidx, nidx,
                lr0, pr0, nr0, lr1, pr1, nr1, lr2, pr2, nr2,
                gv, resv, stab, sem0, sem1, sem2):
        cid = lax.axis_index("c")
        sid = lax.axis_index("s")
        wid = sid * NC + cid
        base = wid * P_W

        pltpu.sync_copy(left_hbm.at[pl.ds(base, P_W)], lidx)
        pltpu.sync_copy(pos_hbm.at[pl.ds(base, P_W)], pidx)
        pltpu.sync_copy(neg_hbm.at[pl.ds(base, P_W)], nidx)
        pltpu.sync_copy(gam_hbm, gv)

        rows_per_sub = N_NODES // NS
        pltpu.sync_copy(tab_hbm.at[pl.ds(sid * rows_per_sub, rows_per_sub)],
                        stab.at[pl.ds(sid * rows_per_sub, rows_per_sub)])
        plsc.subcore_barrier()
        g0 = gv[...][0]
        zero16 = jnp.zeros((16,), jnp.float32)

        bufs = ((lr0, pr0, nr0, sem0), (lr1, pr1, nr1, sem1),
                (lr2, pr2, nr2, sem2))

        def start(b, ci):
            lr, pr, nr, sem = bufs[b]
            off = ci * CHUNK
            pltpu.async_copy(stab.at[lidx.at[pl.ds(off, CHUNK)]], lr, sem)
            pltpu.async_copy(stab.at[pidx.at[pl.ds(off, CHUNK)]], pr, sem)
            pltpu.async_copy(stab.at[nidx.at[pl.ds(off, CHUNK)]], nr, sem)

        def wait(b):
            lr, pr, nr, sem = bufs[b]
            for dst in (lr, pr, nr):
                pltpu.make_async_copy(tab_hbm.at[pl.ds(0, CHUNK)], dst,
                                      sem).wait()

        def compute(b, loss):
            lr, pr, nr, _ = bufs[b]

            def pair_body(p, loss):
                acc_a = zero16
                acc_b = zero16
                for c in range(D_FEAT // 32):
                    sl = pl.ds(c * 16, 16)
                    l32 = plsc.bitcast(lr[p, sl], jnp.bfloat16)
                    d32 = (plsc.bitcast(nr[p, sl], jnp.bfloat16)
                           - plsc.bitcast(pr[p, sl], jnp.bfloat16))
                    prod = l32 * d32
                    pa, pb = plsc.unpack(
                        prod, format=plsc.PackFormat.INTERLEAVED,
                        preferred_element_type=jnp.float32)
                    acc_a = acc_a + pa
                    acc_b = acc_b + pb
                m = jnp.sum(acc_a + acc_b) + g0
                return loss + jnp.maximum(m, 0.0)

            return plsc.parallel_loop(0, CHUNK, carry=loss,
                                      unroll=8)(pair_body)

        for b in range(NBUF):
            start(b, b)

        def body(i, loss):
            c0 = 3 * i
            for b in range(NBUF):
                wait(b)
                loss = compute(b, loss)

                @pl.when(c0 + b + 3 < NCHUNK)
                def _():
                    start(b, c0 + b + 3)

            return loss

        loss = lax.fori_loop(0, NCHUNK // 3, body, jnp.float32(0.0))
        for k in range(NCHUNK % 3):
            b = (NCHUNK - (NCHUNK % 3) + k) % 3
            wait(b)
            loss = compute(b, loss)
        resv[...] = jnp.full((16,), loss, jnp.float32)
        pltpu.sync_copy(resv, out_hbm.at[wid])

    return sc_loss


_sc_loss = _make_sc_kernel()


def kernel(out, left, pos_right, neg_right, single_gamma):
    out = lax.bitcast_convert_type(
        out.astype(jnp.bfloat16).reshape(N_NODES, D_FEAT // 2, 2),
        jnp.int32)
    left = left.astype(jnp.int32)
    pos_right = pos_right.astype(jnp.int32)
    neg_right = neg_right.astype(jnp.int32)
    gam = jnp.full((16,), single_gamma, jnp.float32)
    partials = _sc_loss(out, left, pos_right, neg_right, gam)
    return jnp.sum(partials[:, 0]) / left.shape[0]

# --- scband reference (transcript-rebuilt; emitter-appended) ---
"""Pipeline reference for scband-ranking-single-loss-61443802137251 (READ-ONLY COPY).

The authoritative reference and input builder live on the scoring server;
editing this copy changes nothing except your own understanding.
"""

import jax, jax.numpy as jnp
import numpy as np

N_NODES = 10000
D_FEAT = 128
N_PAIRS = 320000

def setup_inputs(seed: int = 0) -> dict:
    key = jax.random.key(seed)
    k1, k2, k3, k4 = jax.random.split(key, 4)
    out = jax.random.normal(k1, (N_NODES, D_FEAT), dtype=jnp.float32)
    left = jax.random.randint(k2, (N_PAIRS,), 0, N_NODES, dtype=jnp.int64)
    pos_right = jax.random.randint(k3, (N_PAIRS,), 0, N_NODES, dtype=jnp.int64)
    neg_right = jax.random.randint(k4, (N_PAIRS,), 0, N_NODES, dtype=jnp.int64)
    single_gamma = jnp.float32(1.0)
    return {"out": out, "left": left, "pos_right": pos_right, "neg_right": neg_right, "single_gamma": single_gamma}

def reference(out, left, pos_right, neg_right, single_gamma):
    left_emd = jnp.take(out, left, axis=0)
    pos_right_emd = jnp.take(out, pos_right, axis=0)
    neg_right_emd = jnp.take(out, neg_right, axis=0)
    pos_res = jnp.sum(left_emd * pos_right_emd, axis=1)
    neg_res = jnp.sum(left_emd * neg_right_emd, axis=1)
    L1 = jnp.sum(jax.nn.relu(neg_res - pos_res + single_gamma))
    return L1 / left.shape[0]

if __name__ == "__main__":
    import jax
    _d = setup_inputs()
    print(jax.jit(kernel)(*tuple(_d.values())))

</pallas_src>

<mosaic_0001>
#map = affine_map<(d0, d1) -> (0, 0)>
#map1 = affine_map<(d0, d1) -> (0)>
module attributes {stable_mosaic.version = 14 : i64} {
  func.func @sc_loss(%arg0: i32, %arg1: i32, %arg2: memref<10000x64xi32, #tpu.memory_space<hbm>>, %arg3: memref<320000xi32, #tpu.memory_space<hbm>>, %arg4: memref<320000xi32, #tpu.memory_space<hbm>>, %arg5: memref<320000xi32, #tpu.memory_space<hbm>>, %arg6: memref<16xf32, #tpu.memory_space<hbm>>, %arg7: memref<32x16xf32, #tpu.memory_space<hbm>>, %arg8: memref<10000xi32, #tpu.memory_space<vmem>>, %arg9: memref<10000xi32, #tpu.memory_space<vmem>>, %arg10: memref<10000xi32, #tpu.memory_space<vmem>>, %arg11: memref<80x64xi32, #tpu.memory_space<vmem>>, %arg12: memref<80x64xi32, #tpu.memory_space<vmem>>, %arg13: memref<80x64xi32, #tpu.memory_space<vmem>>, %arg14: memref<80x64xi32, #tpu.memory_space<vmem>>, %arg15: memref<80x64xi32, #tpu.memory_space<vmem>>, %arg16: memref<80x64xi32, #tpu.memory_space<vmem>>, %arg17: memref<80x64xi32, #tpu.memory_space<vmem>>, %arg18: memref<80x64xi32, #tpu.memory_space<vmem>>, %arg19: memref<80x64xi32, #tpu.memory_space<vmem>>, %arg20: memref<16xf32, #tpu.memory_space<vmem>>, %arg21: memref<16xf32, #tpu.memory_space<vmem>>, %arg22: memref<10000x64xi32, #tpu.memory_space<vmem_shared>>, %arg23: memref<!tpu.dma_semaphore, #tpu.memory_space<semaphore_mem>>, %arg24: memref<!tpu.dma_semaphore, #tpu.memory_space<semaphore_mem>>, %arg25: memref<!tpu.dma_semaphore, #tpu.memory_space<semaphore_mem>>) attributes {dimension_semantics = [#tpu.dimension_semantics<core_parallel>, #tpu.dimension_semantics<subcore_parallel>], iteration_bounds = array<i64: 2, 16>, scalar_prefetch = 0 : i64, scratch_operands = 18 : i64, tpu.core_type = #tpu.core_type<sc_vector_subcore>, window_params = [{transform_indices = #map}, {transform_indices = #map1}, {transform_indices = #map1}, {transform_indices = #map1}, {transform_indices = #map1}, {transform_indices = #map}]} {
    %mul3A = arith.constant 2 : i32
    %mul3A_0 = arith.muli %arg1, %mul3A : i32
    %add3A = arith.addi %mul3A_0, %arg0 : i32
    %mul3A_1 = arith.constant 10000 : i32
    %mul3A_2 = arith.muli %add3A, %mul3A_1 : i32
    "tpu.region"() ({
      %run_scoped3A = tpu.sem_alloc : memref<!tpu.dma_semaphore, #tpu.memory_space<semaphore_mem>>
      %dma_start3A_103 = tpu.memref_slice %arg3[%mul3A_2] : memref<320000xi32, #tpu.memory_space<hbm>> -> memref<10000xi32, #tpu.memory_space<hbm>>
      %dma_start3A_104 = tpu.memref_slice %arg3[%mul3A_2] : memref<320000xi32, #tpu.memory_space<hbm>> -> memref<10000xi32, #tpu.memory_space<hbm>>
      tpu.enqueue_dma source(%dma_start3A_104 : memref<10000xi32, #tpu.memory_space<hbm>>) target(%arg8 : memref<10000xi32, #tpu.memory_space<vmem>>) target_semaphore(%run_scoped3A : memref<!tpu.dma_semaphore, #tpu.memory_space<semaphore_mem>>)
      %dma_wait3A_105 = tpu.memref_slice %arg3[%mul3A_2] : memref<320000xi32, #tpu.memory_space<hbm>> -> memref<10000xi32, #tpu.memory_space<hbm>>
      %dma_wait3A_106 = tpu.memref_slice %arg3[%mul3A_2] : memref<320000xi32, #tpu.memory_space<hbm>> -> memref<10000xi32, #tpu.memory_space<hbm>>
      tpu.wait_dma2 semaphore(%run_scoped3A : memref<!tpu.dma_semaphore, #tpu.memory_space<semaphore_mem>>) src(%dma_wait3A_106 : memref<10000xi32, #tpu.memory_space<hbm>>) dst(%arg8 : memref<10000xi32, #tpu.memory_space<vmem>>)
      tpu.yield
    }) : () -> ()
    "tpu.region"() ({
      %run_scoped3A = tpu.sem_alloc : memref<!tpu.dma_semaphore, #tpu.memory_space<semaphore_mem>>
      %dma_start3A_103 = tpu.memref_slice %arg4[%mul3A_2] : memref<320000xi32, #tpu.memory_space<hbm>> -> memref<10000xi32, #tpu.memory_space<hbm>>
      %dma_start3A_104 = tpu.memref_slice %arg4[%mul3A_2] : memref<320000xi32, #tpu.memory_space<hbm>> -> memref<10000xi32, #tpu.memory_space<hbm>>
      tpu.enqueue_dma source(%dma_start3A_104 : memref<10000xi32, #tpu.memory_space<hbm>>) target(%arg9 : memref<10000xi32, #tpu.memory_space<vmem>>) target_semaphore(%run_scoped3A : memref<!tpu.dma_semaphore, #tpu.memory_space<semaphore_mem>>)
      %dma_wait3A_105 = tpu.memref_slice %arg4[%mul3A_2] : memref<320000xi32, #tpu.memory_space<hbm>> -> memref<10000xi32, #tpu.memory_space<hbm>>
      %dma_wait3A_106 = tpu.memref_slice %arg4[%mul3A_2] : memref<320000xi32, #tpu.memory_space<hbm>> -> memref<10000xi32, #tpu.memory_space<hbm>>
      tpu.wait_dma2 semaphore(%run_scoped3A : memref<!tpu.dma_semaphore, #tpu.memory_space<semaphore_mem>>) src(%dma_wait3A_106 : memref<10000xi32, #tpu.memory_space<hbm>>) dst(%arg9 : memref<10000xi32, #tpu.memory_space<vmem>>)
      tpu.yield
    }) : () -> ()
    "tpu.region"() ({
      %run_scoped3A = tpu.sem_alloc : memref<!tpu.dma_semaphore, #tpu.memory_space<semaphore_mem>>
      %dma_start3A_103 = tpu.memref_slice %arg5[%mul3A_2] : memref<320000xi32, #tpu.memory_space<hbm>> -> memref<10000xi32, #tpu.memory_space<hbm>>
      %dma_start3A_104 = tpu.memref_slice %arg5[%mul3A_2] : memref<320000xi32, #tpu.memory_space<hbm>> -> memref<10000xi32, #tpu.memory_space<hbm>>
      tpu.enqueue_dma source(%dma_start3A_104 : memref<10000xi32, #tpu.memory_space<hbm>>) target(%arg10 : memref<10000xi32, #tpu.memory_space<vmem>>) target_semaphore(%run_scoped3A : memref<!tpu.dma_semaphore, #tpu.memory_space<semaphore_mem>>)
      %dma_wait3A_105 = tpu.memref_slice %arg5[%mul3A_2] : memref<320000xi32, #tpu.memory_space<hbm>> -> memref<10000xi32, #tpu.memory_space<hbm>>
      %dma_wait3A_106 = tpu.memref_slice %arg5[%mul3A_2] : memref<320000xi32, #tpu.memory_space<hbm>> -> memref<10000xi32, #tpu.memory_space<hbm>>
      tpu.wait_dma2 semaphore(%run_scoped3A : memref<!tpu.dma_semaphore, #tpu.memory_space<semaphore_mem>>) src(%dma_wait3A_106 : memref<10000xi32, #tpu.memory_space<hbm>>) dst(%arg10 : memref<10000xi32, #tpu.memory_space<vmem>>)
      tpu.yield
    }) : () -> ()
    "tpu.region"() ({
      %run_scoped3A = tpu.sem_alloc : memref<!tpu.dma_semaphore, #tpu.memory_space<semaphore_mem>>
      tpu.enqueue_dma source(%arg6 : memref<16xf32, #tpu.memory_space<hbm>>) target(%arg20 : memref<16xf32, #tpu.memory_space<vmem>>) target_semaphore(%run_scoped3A : memref<!tpu.dma_semaphore, #tpu.memory_space<semaphore_mem>>)
      tpu.wait_dma2 semaphore(%run_scoped3A : memref<!tpu.dma_semaphore, #tpu.memory_space<semaphore_mem>>) src(%arg6 : memref<16xf32, #tpu.memory_space<hbm>>) dst(%arg20 : memref<16xf32, #tpu.memory_space<vmem>>)
      tpu.yield
    }) : () -> ()
    %mul3A_3 = arith.constant 625 : i32
    %mul3A_4 = arith.muli %arg1, %mul3A_3 : i32
    %mul3A_5 = arith.constant 625 : i32
    %mul3A_6 = arith.muli %arg1, %mul3A_5 : i32
    "tpu.region"() ({
      %run_scoped3A = tpu.sem_alloc : memref<!tpu.dma_semaphore, #tpu.memory_space<semaphore_mem>>
      %dma_start3A_103 = arith.constant 0 : i32
      %dma_start3A_104 = tpu.memref_slice %arg22[%mul3A_6, %dma_start3A_103] : memref<10000x64xi32, #tpu.memory_space<vmem_shared>> -> memref<625x64xi32, #tpu.memory_space<vmem_shared>>
      %dma_start3A_105 = arith.constant 0 : i32
      %dma_start3A_106 = tpu.memref_slice %arg2[%mul3A_4, %dma_start3A_105] : memref<10000x64xi32, #tpu.memory_space<hbm>> -> memref<625x64xi32, #tpu.memory_space<hbm>>
      tpu.enqueue_dma source(%dma_start3A_106 : memref<625x64xi32, #tpu.memory_space<hbm>>) target(%dma_start3A_104 : memref<625x64xi32, #tpu.memory_space<vmem_shared>>) target_semaphore(%run_scoped3A : memref<!tpu.dma_semaphore, #tpu.memory_space<semaphore_mem>>)
      %dma_wait3A_107 = arith.constant 0 : i32
      %dma_wait3A_108 = tpu.memref_slice %arg22[%mul3A_6, %dma_wait3A_107] : memref<10000x64xi32, #tpu.memory_space<vmem_shared>> -> memref<625x64xi32, #tpu.memory_space<vmem_shared>>
      %dma_wait3A_109 = arith.constant 0 : i32
      %dma_wait3A_110 = tpu.memref_slice %arg2[%mul3A_4, %dma_wait3A_109] : memref<10000x64xi32, #tpu.memory_space<hbm>> -> memref<625x64xi32, #tpu.memory_space<hbm>>
      tpu.wait_dma2 semaphore(%run_scoped3A : memref<!tpu.dma_semaphore, #tpu.memory_space<semaphore_mem>>) src(%dma_wait3A_110 : memref<625x64xi32, #tpu.memory_space<hbm>>) dst(%dma_wait3A_108 : memref<625x64xi32, #tpu.memory_space<vmem_shared>>)
      tpu.yield
    }) : () -> ()
    %barrier3A = arith.constant 0 : index
    tpu.barrier barrier_id(%barrier3A)
    %get3A = arith.constant 0 : index
    %get3A_7 = tpu.vector_load %arg20[%get3A] {strides = array<i32>} : memref<16xf32, #tpu.memory_space<vmem>>, vector<16xf32>,
    %slice3A = vector.extract_strided_slice %get3A_7 {offsets = [0], sizes = [1], strides = [1]} : vector<16xf32> to vector<1xf32>
    %squeeze3A = vector.extract %slice3A[0] : f32 from vector<1xf32>
    %broadcast_in_dim3A = arith.constant 0.000000e+00 : f32
    %broadcast_in_dim3A_8 = vector.broadcast %broadcast_in_dim3A : f32 to vector<16xf32>
    %dma_start3A = arith.constant 0 : i32
    %dma_start3A_9 = tpu.memref_slice %arg8[%dma_start3A] : memref<10000xi32, #tpu.memory_space<vmem>> -> memref<80xi32, #tpu.memory_space<vmem>>
    %dma_start3A_10 = arith.constant 0 : i32
    %dma_start3A_11 = arith.constant 0 : i32
    %dma_start3A_12 = tpu.memref_slice %arg22[%dma_start3A_10, %dma_start3A_11] : memref<10000x64xi32, #tpu.memory_space<vmem_shared>> -> memref<10000x64xi32, #tpu.memory_space<vmem_shared>>
    tpu.enqueue_indirect_dma source(%dma_start3A_12 : memref<10000x64xi32, #tpu.memory_space<vmem_shared>>) target(%arg11 : memref<80x64xi32, #tpu.memory_space<vmem>>) offsets(%dma_start3A_9 : memref<80xi32, #tpu.memory_space<vmem>>) semaphore(%arg23 : memref<!tpu.dma_semaphore, #tpu.memory_space<semaphore_mem>>)
    %dma_start3A_13 = arith.constant 0 : i32
    %dma_start3A_14 = tpu.memref_slice %arg9[%dma_start3A_13] : memref<10000xi32, #tpu.memory_space<vmem>> -> memref<80xi32, #tpu.memory_space<vmem>>
    %dma_start3A_15 = arith.constant 0 : i32
    %dma_start3A_16 = arith.constant 0 : i32
    %dma_start3A_17 = tpu.memref_slice %arg22[%dma_start3A_15, %dma_start3A_16] : memref<10000x64xi32, #tpu.memory_space<vmem_shared>> -> memref<10000x64xi32, #tpu.memory_space<vmem_shared>>
    tpu.enqueue_indirect_dma source(%dma_start3A_17 : memref<10000x64xi32, #tpu.memory_space<vmem_shared>>) target(%arg12 : memref<80x64xi32, #tpu.memory_space<vmem>>) offsets(%dma_start3A_14 : memref<80xi32, #tpu.memory_space<vmem>>) semaphore(%arg23 : memref<!tpu.dma_semaphore, #tpu.memory_space<semaphore_mem>>)
    %dma_start3A_18 = arith.constant 0 : i32
    %dma_start3A_19 = tpu.memref_slice %arg10[%dma_start3A_18] : memref<10000xi32, #tpu.memory_space<vmem>> -> memref<80xi32, #tpu.memory_space<vmem>>
    %dma_start3A_20 = arith.constant 0 : i32
    %dma_start3A_21 = arith.constant 0 : i32
    %dma_start3A_22 = tpu.memref_slice %arg22[%dma_start3A_20, %dma_start3A_21] : memref<10000x64xi32, #tpu.memory_space<vmem_shared>> -> memref<10000x64xi32, #tpu.memory_space<vmem_shared>>
    tpu.enqueue_indirect_dma source(%dma_start3A_22 : memref<10000x64xi32, #tpu.memory_space<vmem_shared>>) target(%arg13 : memref<80x64xi32, #tpu.memory_space<vmem>>) offsets(%dma_start3A_19 : memref<80xi32, #tpu.memory_space<vmem>>) semaphore(%arg23 : memref<!tpu.dma_semaphore, #tpu.memory_space<semaphore_mem>>)
    %dma_start3A_23 = arith.constant 80 : i32
    %dma_start3A_24 = tpu.memref_slice %arg8[%dma_start3A_23] : memref<10000xi32, #tpu.memory_space<vmem>> -> memref<80xi32, #tpu.memory_space<vmem>>
    %dma_start3A_25 = arith.constant 0 : i32
    %dma_start3A_26 = arith.constant 0 : i32
    %dma_start3A_27 = tpu.memref_slice %arg22[%dma_start3A_25, %dma_start3A_26] : memref<10000x64xi32, #tpu.memory_space<vmem_shared>> -> memref<10000x64xi32, #tpu.memory_space<vmem_shared>>
    tpu.enqueue_indirect_dma source(%dma_start3A_27 : memref<10000x64xi32, #tpu.memory_space<vmem_shared>>) target(%arg14 : memref<80x64xi32, #tpu.memory_space<vmem>>) offsets(%dma_start3A_24 : memref<80xi32, #tpu.memory_space<vmem>>) semaphore(%arg24 : memref<!tpu.dma_semaphore, #tpu.memory_space<semaphore_mem>>)
    %dma_start3A_28 = arith.constant 80 : i32
    %dma_start3A_29 = tpu.memref_slice %arg9[%dma_start3A_28] : memref<10000xi32, #tpu.memory_space<vmem>> -> memref<80xi32, #tpu.memory_space<vmem>>
    %dma_start3A_30 = arith.constant 0 : i32
    %dma_start3A_31 = arith.constant 0 : i32
    %dma_start3A_32 = tpu.memref_slice %arg22[%dma_start3A_30, %dma_start3A_31] : memref<10000x64xi32, #tpu.memory_space<vmem_shared>> -> memref<10000x64xi32, #tpu.memory_space<vmem_shared>>
    tpu.enqueue_indirect_dma source(%dma_start3A_32 : memref<10000x64xi32, #tpu.memory_space<vmem_shared>>) target(%arg15 : memref<80x64xi32, #tpu.memory_space<vmem>>) offsets(%dma_start3A_29 : memref<80xi32, #tpu.memory_space<vmem>>) semaphore(%arg24 : memref<!tpu.dma_semaphore, #tpu.memory_space<semaphore_mem>>)
    %dma_start3A_33 = arith.constant 80 : i32
    %dma_start3A_34 = tpu.memref_slice %arg10[%dma_start3A_33] : memref<10000xi32, #tpu.memory_space<vmem>> -> memref<80xi32, #tpu.memory_space<vmem>>
    %dma_start3A_35 = arith.constant 0 : i32
    %dma_start3A_36 = arith.constant 0 : i32
    %dma_start3A_37 = tpu.memref_slice %arg22[%dma_start3A_35, %dma_start3A_36] : memref<10000x64xi32, #tpu.memory_space<vmem_shared>> -> memref<10000x64xi32, #tpu.memory_space<vmem_shared>>
    tpu.enqueue_indirect_dma source(%dma_start3A_37 : memref<10000x64xi32, #tpu.memory_space<vmem_shared>>) target(%arg16 : memref<80x64xi32, #tpu.memory_space<vmem>>) offsets(%dma_start3A_34 : memref<80xi32, #tpu.memory_space<vmem>>) semaphore(%arg24 : memref<!tpu.dma_semaphore, #tpu.memory_space<semaphore_mem>>)
    %dma_start3A_38 = arith.constant 160 : i32
    %dma_start3A_39 = tpu.memref_slice %arg8[%dma_start3A_38] : memref<10000xi32, #tpu.memory_space<vmem>> -> memref<80xi32, #tpu.memory_space<vmem>>
    %dma_start3A_40 = arith.constant 0 : i32
    %dma_start3A_41 = arith.constant 0 : i32
    %dma_start3A_42 = tpu.memref_slice %arg22[%dma_start3A_40, %dma_start3A_41] : memref<10000x64xi32, #tpu.memory_space<vmem_shared>> -> memref<10000x64xi32, #tpu.memory_space<vmem_shared>>
    tpu.enqueue_indirect_dma source(%dma_start3A_42 : memref<10000x64xi32, #tpu.memory_space<vmem_shared>>) target(%arg17 : memref<80x64xi32, #tpu.memory_space<vmem>>) offsets(%dma_start3A_39 : memref<80xi32, #tpu.memory_space<vmem>>) semaphore(%arg25 : memref<!tpu.dma_semaphore, #tpu.memory_space<semaphore_mem>>)
    %dma_start3A_43 = arith.constant 160 : i32
    %dma_start3A_44 = tpu.memref_slice %arg9[%dma_start3A_43] : memref<10000xi32, #tpu.memory_space<vmem>> -> memref<80xi32, #tpu.memory_space<vmem>>
    %dma_start3A_45 = arith.constant 0 : i32
    %dma_start3A_46 = arith.constant 0 : i32
    %dma_start3A_47 = tpu.memref_slice %arg22[%dma_start3A_45, %dma_start3A_46] : memref<10000x64xi32, #tpu.memory_space<vmem_shared>> -> memref<10000x64xi32, #tpu.memory_space<vmem_shared>>
    tpu.enqueue_indirect_dma source(%dma_start3A_47 : memref<10000x64xi32, #tpu.memory_space<vmem_shared>>) target(%arg18 : memref<80x64xi32, #tpu.memory_space<vmem>>) offsets(%dma_start3A_44 : memref<80xi32, #tpu.memory_space<vmem>>) semaphore(%arg25 : memref<!tpu.dma_semaphore, #tpu.memory_space<semaphore_mem>>)
    %dma_start3A_48 = arith.constant 160 : i32
    %dma_start3A_49 = tpu.memref_slice %arg10[%dma_start3A_48] : memref<10000xi32, #tpu.memory_space<vmem>> -> memref<80xi32, #tpu.memory_space<vmem>>
    %dma_start3A_50 = arith.constant 0 : i32
    %dma_start3A_51 = arith.constant 0 : i32
    %dma_start3A_52 = tpu.memref_slice %arg22[%dma_start3A_50, %dma_start3A_51] : memref<10000x64xi32, #tpu.memory_space<vmem_shared>> -> memref<10000x64xi32, #tpu.memory_space<vmem_shared>>
    tpu.enqueue_indirect_dma source(%dma_start3A_52 : memref<10000x64xi32, #tpu.memory_space<vmem_shared>>) target(%arg19 : memref<80x64xi32, #tpu.memory_space<vmem>>) offsets(%dma_start3A_49 : memref<80xi32, #tpu.memory_space<vmem>>) semaphore(%arg25 : memref<!tpu.dma_semaphore, #tpu.memory_space<semaphore_mem>>)
    %scan3A = arith.constant 0.000000e+00 : f32
    %scan3A_53 = arith.constant 0 : i32
    %scan3A_54 = arith.constant 41 : i32
    %scan3A_55 = arith.addi %scan3A_53, %scan3A_54 : i32
    %scan3A_56 = arith.constant 1 : i32
    %scan3A_57 = scf.for %scan3A_103 = %scan3A_53 to %scan3A_55 step %scan3A_56 iter_args(%scan3A_104 = %scan3A) -> (f32)  : i32 {
      %mul3A_105 = arith.constant 3 : i32
      %mul3A_106 = arith.muli %mul3A_105, %scan3A_103 : i32
      %dma_wait3A_107 = arith.constant 0 : i32
      %dma_wait3A_108 = arith.constant 0 : i32
      %dma_wait3A_109 = tpu.memref_slice %arg2[%dma_wait3A_107, %dma_wait3A_108] : memref<10000x64xi32, #tpu.memory_space<hbm>> -> memref<80x64xi32, #tpu.memory_space<hbm>>
      %dma_wait3A_110 = arith.constant 0 : i32
      %dma_wait3A_111 = arith.constant 0 : i32
      %dma_wait3A_112 = tpu.memref_slice %arg2[%dma_wait3A_110, %dma_wait3A_111] : memref<10000x64xi32, #tpu.memory_space<hbm>> -> memref<80x64xi32, #tpu.memory_space<hbm>>
      tpu.wait_dma2 semaphore(%arg23 : memref<!tpu.dma_semaphore, #tpu.memory_space<semaphore_mem>>) src(%dma_wait3A_112 : memref<80x64xi32, #tpu.memory_space<hbm>>) dst(%arg11 : memref<80x64xi32, #tpu.memory_space<vmem>>)
      %dma_wait3A_113 = arith.constant 0 : i32
      %dma_wait3A_114 = arith.constant 0 : i32
      %dma_wait3A_115 = tpu.memref_slice %arg2[%dma_wait3A_113, %dma_wait3A_114] : memref<10000x64xi32, #tpu.memory_space<hbm>> -> memref<80x64xi32, #tpu.memory_space<hbm>>
      %dma_wait3A_116 = arith.constant 0 : i32
      %dma_wait3A_117 = arith.constant 0 : i32
      %dma_wait3A_118 = tpu.memref_slice %arg2[%dma_wait3A_116, %dma_wait3A_117] : memref<10000x64xi32, #tpu.memory_space<hbm>> -> memref<80x64xi32, #tpu.memory_space<hbm>>
      tpu.wait_dma2 semaphore(%arg23 : memref<!tpu.dma_semaphore, #tpu.memory_space<semaphore_mem>>) src(%dma_wait3A_118 : memref<80x64xi32, #tpu.memory_space<hbm>>) dst(%arg12 : memref<80x64xi32, #tpu.memory_space<vmem>>)
      %dma_wait3A_119 = arith.constant 0 : i32
      %dma_wait3A_120 = arith.constant 0 : i32
      %dma_wait3A_121 = tpu.memref_slice %arg2[%dma_wait3A_119, %dma_wait3A_120] : memref<10000x64xi32, #tpu.memory_space<hbm>> -> memref<80x64xi32, #tpu.memory_space<hbm>>
      %dma_wait3A_122 = arith.constant 0 : i32
      %dma_wait3A_123 = arith.constant 0 : i32
      %dma_wait3A_124 = tpu.memref_slice %arg2[%dma_wait3A_122, %dma_wait3A_123] : memref<10000x64xi32, #tpu.memory_space<hbm>> -> memref<80x64xi32, #tpu.memory_space<hbm>>
      tpu.wait_dma2 semaphore(%arg23 : memref<!tpu.dma_semaphore, #tpu.memory_space<semaphore_mem>>) src(%dma_wait3A_124 : memref<80x64xi32, #tpu.memory_space<hbm>>) dst(%arg13 : memref<80x64xi32, #tpu.memory_space<vmem>>)
      %parallel_loop3A_125 = arith.constant 0 : i32
      %parallel_loop3A_126 = arith.constant 80 : i32
      %parallel_loop3A_127 = arith.constant 1 : i32
      %parallel_loop3A_128 = scf.for %parallel_loop3A_197 = %parallel_loop3A_125 to %parallel_loop3A_126 step %parallel_loop3A_127 iter_args(%parallel_loop3A_198 = %scan3A_104) -> (f32)  : i32 {
        %parallel_loop3A_199 = arith.index_cast %parallel_loop3A_197 : i32 to index
        %parallel_loop3A_200 = arith.constant 0 : index
        %parallel_loop3A_201 = tpu.vector_load %arg11[%parallel_loop3A_199, %parallel_loop3A_200] {strides = array<i32>} : memref<80x64xi32, #tpu.memory_space<vmem>>, vector<16xi32>,
        %parallel_loop3A_202 = vector.bitcast %parallel_loop3A_201 : vector<16xi32> to vector<32xbf16>
        %parallel_loop3A_203 = arith.index_cast %parallel_loop3A_197 : i32 to index
        %parallel_loop3A_204 = arith.constant 0 : index
        %parallel_loop3A_205 = tpu.vector_load %arg13[%parallel_loop3A_203, %parallel_loop3A_204] {strides = array<i32>} : memref<80x64xi32, #tpu.memory_space<vmem>>, vector<16xi32>,
        %parallel_loop3A_206 = vector.bitcast %parallel_loop3A_205 : vector<16xi32> to vector<32xbf16>
        %parallel_loop3A_207 = arith.index_cast %parallel_loop3A_197 : i32 to index
        %parallel_loop3A_208 = arith.constant 0 : index
        %parallel_loop3A_209 = tpu.vector_load %arg12[%parallel_loop3A_207, %parallel_loop3A_208] {strides = array<i32>} : memref<80x64xi32, #tpu.memory_space<vmem>>, vector<16xi32>,
        %parallel_loop3A_210 = vector.bitcast %parallel_loop3A_209 : vector<16xi32> to vector<32xbf16>
        %parallel_loop3A_211 = arith.subf %parallel_loop3A_206, %parallel_loop3A_210 : vector<32xbf16>
        %parallel_loop3A_212 = arith.mulf %parallel_loop3A_202, %parallel_loop3A_211 : vector<32xbf16>
        %parallel_loop3A_213 = tpu.unpack_subelements %parallel_loop3A_212, 0 {pack_format = #tpu.pack_format<interleaved>} : vector<32xbf16> -> vector<16xf32>
        %parallel_loop3A_214 = tpu.unpack_subelements %parallel_loop3A_212, 1 {pack_format = #tpu.pack_format<interleaved>} : vector<32xbf16> -> vector<16xf32>
        %parallel_loop3A_215 = arith.addf %broadcast_in_dim3A_8, %parallel_loop3A_213 : vector<16xf32>
        %parallel_loop3A_216 = arith.addf %broadcast_in_dim3A_8, %parallel_loop3A_214 : vector<16xf32>
        %parallel_loop3A_217 = arith.index_cast %parallel_loop3A_197 : i32 to index
        %parallel_loop3A_218 = arith.constant 16 : index
        %parallel_loop3A_219 = tpu.vector_load %arg11[%parallel_loop3A_217, %parallel_loop3A_218] {strides = array<i32>} : memref<80x64xi32, #tpu.memory_space<vmem>>, vector<16xi32>,
        %parallel_loop3A_220 = vector.bitcast %parallel_loop3A_219 : vector<16xi32> to vector<32xbf16>
        %parallel_loop3A_221 = arith.index_cast %parallel_loop3A_197 : i32 to index
        %parallel_loop3A_222 = arith.constant 16 : index
        %parallel_loop3A_223 = tpu.vector_load %arg13[%parallel_loop3A_221, %parallel_loop3A_222] {strides = array<i32>} : memref<80x64xi32, #tpu.memory_space<vmem>>, vector<16xi32>,
        %parallel_loop3A_224 = vector.bitcast %parallel_loop3A_223 : vector<16xi32> to vector<32xbf16>
        %parallel_loop3A_225 = arith.index_cast %parallel_loop3A_197 : i32 to index
        %parallel_loop3A_226 = arith.constant 16 : index
        %parallel_loop3A_227 = tpu.vector_load %arg12[%parallel_loop3A_225, %parallel_loop3A_226] {strides = array<i32>} : memref<80x64xi32, #tpu.memory_space<vmem>>, vector<16xi32>,
        %parallel_loop3A_228 = vector.bitcast %parallel_loop3A_227 : vector<16xi32> to vector<32xbf16>
        %parallel_loop3A_229 = arith.subf %parallel_loop3A_224, %parallel_loop3A_228 : vector<32xbf16>
        %parallel_loop3A_230 = arith.mulf %parallel_loop3A_220, %parallel_loop3A_229 : vector<32xbf16>
        %parallel_loop3A_231 = tpu.unpack_subelements %parallel_loop3A_230, 0 {pack_format = #tpu.pack_format<interleaved>} : vector<32xbf16> -> vector<16xf32>
        %parallel_loop3A_232 = tpu.unpack_subelements %parallel_loop3A_230, 1 {pack_format = #tpu.pack_format<interleaved>} : vector<32xbf16> -> vector<16xf32>
        %parallel_loop3A_233 = arith.addf %parallel_loop3A_215, %parallel_loop3A_231 : vector<16xf32>
        %parallel_loop3A_234 = arith.addf %parallel_loop3A_216, %parallel_loop3A_232 : vector<16xf32>
        %parallel_loop3A_235 = arith.index_cast %parallel_loop3A_197 : i32 to index
        %parallel_loop3A_236 = arith.constant 32 : index
        %parallel_loop3A_237 = tpu.vector_load %arg11[%parallel_loop3A_235, %parallel_loop3A_236] {strides = array<i32>} : memref<80x64xi32, #tpu.memory_space<vmem>>, vector<16xi32>,
        %parallel_loop3A_238 = vector.bitcast %parallel_loop3A_237 : vector<16xi32> to vector<32xbf16>
        %parallel_loop3A_239 = arith.index_cast %parallel_loop3A_197 : i32 to index
        %parallel_loop3A_240 = arith.constant 32 : index
        %parallel_loop3A_241 = tpu.vector_load %arg13[%parallel_loop3A_239, %parallel_loop3A_240] {strides = array<i32>} : memref<80x64xi32, #tpu.memory_space<vmem>>, vector<16xi32>,
        %parallel_loop3A_242 = vector.bitcast %parallel_loop3A_241 : vector<16xi32> to vector<32xbf16>
        %parallel_loop3A_243 = arith.index_cast %parallel_loop3A_197 : i32 to index
        %parallel_loop3A_244 = arith.constant 32 : index
        %parallel_loop3A_245 = tpu.vector_load %arg12[%parallel_loop3A_243, %parallel_loop3A_244] {strides = array<i32>} : memref<80x64xi32, #tpu.memory_space<vmem>>, vector<16xi32>,
        %parallel_loop3A_246 = vector.bitcast %parallel_loop3A_245 : vector<16xi32> to vector<32xbf16>
        %parallel_loop3A_247 = arith.subf %parallel_loop3A_242, %parallel_loop3A_246 : vector<32xbf16>
        %parallel_loop3A_248 = arith.mulf %parallel_loop3A_238, %parallel_loop3A_247 : vector<32xbf16>
        %parallel_loop3A_249 = tpu.unpack_subelements %parallel_loop3A_248, 0 {pack_format = #tpu.pack_format<interleaved>} : vector<32xbf16> -> vector<16xf32>
        %parallel_loop3A_250 = tpu.unpack_subelements %parallel_loop3A_248, 1 {pack_format = #tpu.pack_format<interleaved>} : vector<32xbf16> -> vector<16xf32>
        %parallel_loop3A_251 = arith.addf %parallel_loop3A_233, %parallel_loop3A_249 : vector<16xf32>
        %parallel_loop3A_252 = arith.addf %parallel_loop3A_234, %parallel_loop3A_250 : vector<16xf32>
        %parallel_loop3A_253 = arith.index_cast %parallel_loop3A_197 : i32 to index
        %parallel_loop3A_254 = arith.constant 48 : index
        %parallel_loop3A_255 = tpu.vector_load %arg11[%parallel_loop3A_253, %parallel_loop3A_254] {strides = array<i32>} : memref<80x64xi32, #tpu.memory_space<vmem>>, vector<16xi32>,
        %parallel_loop3A_256 = vector.bitcast %parallel_loop3A_255 : vector<16xi32> to vector<32xbf16>
        %parallel_loop3A_257 = arith.index_cast %parallel_loop3A_197 : i32 to index
        %parallel_loop3A_258 = arith.constant 48 : index
        %parallel_loop3A_259 = tpu.vector_load %arg13[%parallel_loop3A_257, %parallel_loop3A_258] {strides = array<i32>} : memref<80x64xi32, #tpu.memory_space<vmem>>, vector<16xi32>,
        %parallel_loop3A_260 = vector.bitcast %parallel_loop3A_259 : vector<16xi32> to vector<32xbf16>
        %parallel_loop3A_261 = arith.index_cast %parallel_loop3A_197 : i32 to index
        %parallel_loop3A_262 = arith.constant 48 : index
        %parallel_loop3A_263 = tpu.vector_load %arg12[%parallel_loop3A_261, %parallel_loop3A_262] {strides = array<i32>} : memref<80x64xi32, #tpu.memory_space<vmem>>, vector<16xi32>,
        %parallel_loop3A_264 = vector.bitcast %parallel_loop3A_263 : vector<16xi32> to vector<32xbf16>
        %parallel_loop3A_265 = arith.subf %parallel_loop3A_260, %parallel_loop3A_264 : vector<32xbf16>
        %parallel_loop3A_266 = arith.mulf %parallel_loop3A_256, %parallel_loop3A_265 : vector<32xbf16>
        %parallel_loop3A_267 = tpu.unpack_subelements %parallel_loop3A_266, 0 {pack_format = #tpu.pack_format<interleaved>} : vector<32xbf16> -> vector<16xf32>
        %parallel_loop3A_268 = tpu.unpack_subelements %parallel_loop3A_266, 1 {pack_format = #tpu.pack_format<interleaved>} : vector<32xbf16> -> vector<16xf32>
        %parallel_loop3A_269 = arith.addf %parallel_loop3A_251, %parallel_loop3A_267 : vector<16xf32>
        %parallel_loop3A_270 = arith.addf %parallel_loop3A_252, %parallel_loop3A_268 : vector<16xf32>
        %parallel_loop3A_271 = arith.addf %parallel_loop3A_269, %parallel_loop3A_270 : vector<16xf32>
        %parallel_loop3A_272 = arith.constant true
        %parallel_loop3A_273 = vector.broadcast %parallel_loop3A_272 : i1 to vector<16xi1>
        %parallel_loop3A_274 = tpu.scan <sum>, %parallel_loop3A_271 masked %parallel_loop3A_273 : vector<16xf32>, vector<16xi1> -> vector<16xf32>
        %parallel_loop3A_275 = vector.extract %parallel_loop3A_274[15] : f32 from vector<16xf32>
        %parallel_loop3A_276 = arith.addf %parallel_loop3A_275, %squeeze3A : f32
        %parallel_loop3A_277 = arith.constant 0.000000e+00 : f32
        %parallel_loop3A_278 = arith.maximumf %parallel_loop3A_276, %parallel_loop3A_277 : f32
        %parallel_loop3A_279 = arith.addf %parallel_loop3A_198, %parallel_loop3A_278 : f32
        scf.yield %parallel_loop3A_279 : f32
      } {sc.loop_unroll_factor = 8 : i64, sc.parallel_access}
      %add3A_129 = arith.constant 0 : i32
      %add3A_130 = arith.addi %mul3A_106, %add3A_129 : i32
      %add3A_131 = arith.constant 3 : i32
      %add3A_132 = arith.addi %add3A_130, %add3A_131 : i32
      %lt3A = arith.constant 125 : i32
      %lt3A_133 = arith.cmpi slt, %add3A_132, %lt3A : i32
      %convert_element_type3A = arith.extui %lt3A_133 : i1 to i32
      %cond3A = arith.constant 0 : i32
      %cond3A_134 = arith.cmpi ne, %convert_element_type3A, %cond3A : i32
      scf.if %cond3A_134 {
        %add3A_197 = arith.constant 0 : i32
        %add3A_198 = arith.addi %mul3A_106, %add3A_197 : i32
        %add3A_199 = arith.constant 3 : i32
        %add3A_200 = arith.addi %add3A_198, %add3A_199 : i32
        %mul3A_201 = arith.constant 80 : i32
        %mul3A_202 = arith.muli %add3A_200, %mul3A_201 : i32
        %dma_start3A_203 = tpu.memref_slice %arg8[%mul3A_202] : memref<10000xi32, #tpu.memory_space<vmem>> -> memref<80xi32, #tpu.memory_space<vmem>>
        %dma_start3A_204 = arith.constant 0 : i32
        %dma_start3A_205 = arith.constant 0 : i32
        %dma_start3A_206 = tpu.memref_slice %arg22[%dma_start3A_204, %dma_start3A_205] : memref<10000x64xi32, #tpu.memory_space<vmem_shared>> -> memref<10000x64xi32, #tpu.memory_space<vmem_shared>>
        tpu.enqueue_indirect_dma source(%dma_start3A_206 : memref<10000x64xi32, #tpu.memory_space<vmem_shared>>) target(%arg11 : memref<80x64xi32, #tpu.memory_space<vmem>>) offsets(%dma_start3A_203 : memref<80xi32, #tpu.memory_space<vmem>>) semaphore(%arg23 : memref<!tpu.dma_semaphore, #tpu.memory_space<semaphore_mem>>)
        %dma_start3A_207 = tpu.memref_slice %arg9[%mul3A_202] : memref<10000xi32, #tpu.memory_space<vmem>> -> memref<80xi32, #tpu.memory_space<vmem>>
        %dma_start3A_208 = arith.constant 0 : i32
        %dma_start3A_209 = arith.constant 0 : i32
        %dma_start3A_210 = tpu.memref_slice %arg22[%dma_start3A_208, %dma_start3A_209] : memref<10000x64xi32, #tpu.memory_space<vmem_shared>> -> memref<10000x64xi32, #tpu.memory_space<vmem_shared>>
        tpu.enqueue_indirect_dma source(%dma_start3A_210 : memref<10000x64xi32, #tpu.memory_space<vmem_shared>>) target(%arg12 : memref<80x64xi32, #tpu.memory_space<vmem>>) offsets(%dma_start3A_207 : memref<80xi32, #tpu.memory_space<vmem>>) semaphore(%arg23 : memref<!tpu.dma_semaphore, #tpu.memory_space<semaphore_mem>>)
        %dma_start3A_211 = tpu.memref_slice %arg10[%mul3A_202] : memref<10000xi32, #tpu.memory_space<vmem>> -> memref<80xi32, #tpu.memory_space<vmem>>
        %dma_start3A_212 = arith.constant 0 : i32
        %dma_start3A_213 = arith.constant 0 : i32
        %dma_start3A_214 = tpu.memref_slice %arg22[%dma_start3A_212, %dma_start3A_213] : memref<10000x64xi32, #tpu.memory_space<vmem_shared>> -> memref<10000x64xi32, #tpu.memory_space<vmem_shared>>
        tpu.enqueue_indirect_dma source(%dma_start3A_214 : memref<10000x64xi32, #tpu.memory_space<vmem_shared>>) target(%arg13 : memref<80x64xi32, #tpu.memory_space<vmem>>) offsets(%dma_start3A_211 : memref<80xi32, #tpu.memory_space<vmem>>) semaphore(%arg23 : memref<!tpu.dma_semaphore, #tpu.memory_space<semaphore_mem>>)
      } else {
      }
      %dma_wait3A_135 = arith.constant 0 : i32
      %dma_wait3A_136 = arith.constant 0 : i32
      %dma_wait3A_137 = tpu.memref_slice %arg2[%dma_wait3A_135, %dma_wait3A_136] : memref<10000x64xi32, #tpu.memory_space<hbm>> -> memref<80x64xi32, #tpu.memory_space<hbm>>
      %dma_wait3A_138 = arith.constant 0 : i32
      %dma_wait3A_139 = arith.constant 0 : i32
      %dma_wait3A_140 = tpu.memref_slice %arg2[%dma_wait3A_138, %dma_wait3A_139] : memref<10000x64xi32, #tpu.memory_space<hbm>> -> memref<80x64xi32, #tpu.memory_space<hbm>>
      tpu.wait_dma2 semaphore(%arg24 : memref<!tpu.dma_semaphore, #tpu.memory_space<semaphore_mem>>) src(%dma_wait3A_140 : memref<80x64xi32, #tpu.memory_space<hbm>>) dst(%arg14 : memref<80x64xi32, #tpu.memory_space<vmem>>)
      %dma_wait3A_141 = arith.constant 0 : i32
      %dma_wait3A_142 = arith.constant 0 : i32
      %dma_wait3A_143 = tpu.memref_slice %arg2[%dma_wait3A_141, %dma_wait3A_142] : memref<10000x64xi32, #tpu.memory_space<hbm>> -> memref<80x64xi32, #tpu.memory_space<hbm>>
      %dma_wait3A_144 = arith.constant 0 : i32
      %dma_wait3A_145 = arith.constant 0 : i32
      %dma_wait3A_146 = tpu.memref_slice %arg2[%dma_wait3A_144, %dma_wait3A_145] : memref<10000x64xi32, #tpu.memory_space<hbm>> -> memref<80x64xi32, #tpu.memory_space<hbm>>
      tpu.wait_dma2 semaphore(%arg24 : memref<!tpu.dma_semaphore, #tpu.memory_space<semaphore_mem>>) src(%dma_wait3A_146 : memref<80x64xi32, #tpu.memory_space<hbm>>) dst(%arg15 : memref<80x64xi32, #tpu.memory_space<vmem>>)
      %dma_wait3A_147 = arith.constant 0 : i32
      %dma_wait3A_148 = arith.constant 0 : i32
      %dma_wait3A_149 = tpu.memref_slice %arg2[%dma_wait3A_147, %dma_wait3A_148] : memref<10000x64xi32, #tpu.memory_space<hbm>> -> memref<80x64xi32, #tpu.memory_space<hbm>>
      %dma_wait3A_150 = arith.constant 0 : i32
      %dma_wait3A_151 = arith.constant 0 : i32
      %dma_wait3A_152 = tpu.memref_slice %arg2[%dma_wait3A_150, %dma_wait3A_151] : memref<10000x64xi32, #tpu.memory_space<hbm>> -> memref<80x64xi32, #tpu.memory_space<hbm>>
      tpu.wait_dma2 semaphore(%arg24 : memref<!tpu.dma_semaphore, #tpu.memory_space<semaphore_mem>>) src(%dma_wait3A_152 : memref<80x64xi32, #tpu.memory_space<hbm>>) dst(%arg16 : memref<80x64xi32, #tpu.memory_space<vmem>>)
      %parallel_loop3A_153 = arith.constant 0 : i32
      %parallel_loop3A_154 = arith.constant 80 : i32
      %parallel_loop3A_155 = arith.constant 1 : i32
      %parallel_loop3A_156 = scf.for %parallel_loop3A_197 = %parallel_loop3A_153 to %parallel_loop3A_154 step %parallel_loop3A_155 iter_args(%parallel_loop3A_198 = %parallel_loop3A_128) -> (f32)  : i32 {
        %parallel_loop3A_199 = arith.index_cast %parallel_loop3A_197 : i32 to index
        %parallel_loop3A_200 = arith.constant 0 : index
        %parallel_loop3A_201 = tpu.vector_load %arg14[%parallel_loop3A_199, %parallel_loop3A_200] {strides = array<i32>} : memref<80x64xi32, #tpu.memory_space<vmem>>, vector<16xi32>,
        %parallel_loop3A_202 = vector.bitcast %parallel_loop3A_201 : vector<16xi32> to vector<32xbf16>
        %parallel_loop3A_203 = arith.index_cast %parallel_loop3A_197 : i32 to index
        %parallel_loop3A_204 = arith.constant 0 : index
        %parallel_loop3A_205 = tpu.vector_load %arg16[%parallel_loop3A_203, %parallel_loop3A_204] {strides = array<i32>} : memref<80x64xi32, #tpu.memory_space<vmem>>, vector<16xi32>,
        %parallel_loop3A_206 = vector.bitcast %parallel_loop3A_205 : vector<16xi32> to vector<32xbf16>
        %parallel_loop3A_207 = arith.index_cast %parallel_loop3A_197 : i32 to index
        %parallel_loop3A_208 = arith.constant 0 : index
        %parallel_loop3A_209 = tpu.vector_load %arg15[%parallel_loop3A_207, %parallel_loop3A_208] {strides = array<i32>} : memref<80x64xi32, #tpu.memory_space<vmem>>, vector<16xi32>,
        %parallel_loop3A_210 = vector.bitcast %parallel_loop3A_209 : vector<16xi32> to vector<32xbf16>
        %parallel_loop3A_211 = arith.subf %parallel_loop3A_206, %parallel_loop3A_210 : vector<32xbf16>
        %parallel_loop3A_212 = arith.mulf %parallel_loop3A_202, %parallel_loop3A_211 : vector<32xbf16>
        %parallel_loop3A_213 = tpu.unpack_subelements %parallel_loop3A_212, 0 {pack_format = #tpu.pack_format<interleaved>} : vector<32xbf16> -> vector<16xf32>
        %parallel_loop3A_214 = tpu.unpack_subelements %parallel_loop3A_212, 1 {pack_format = #tpu.pack_format<interleaved>} : vector<32xbf16> -> vector<16xf32>
        %parallel_loop3A_215 = arith.addf %broadcast_in_dim3A_8, %parallel_loop3A_213 : vector<16xf32>
        %parallel_loop3A_216 = arith.addf %broadcast_in_dim3A_8, %parallel_loop3A_214 : vector<16xf32>
        %parallel_loop3A_217 = arith.index_cast %parallel_loop3A_197 : i32 to index
        %parallel_loop3A_218 = arith.constant 16 : index
        %parallel_loop3A_219 = tpu.vector_load %arg14[%parallel_loop3A_217, %parallel_loop3A_218] {strides = array<i32>} : memref<80x64xi32, #tpu.memory_space<vmem>>, vector<16xi32>,
        %parallel_loop3A_220 = vector.bitcast %parallel_loop3A_219 : vector<16xi32> to vector<32xbf16>
        %parallel_loop3A_221 = arith.index_cast %parallel_loop3A_197 : i32 to index
        %parallel_loop3A_222 = arith.constant 16 : index
        %parallel_loop3A_223 = tpu.vector_load %arg16[%parallel_loop3A_221, %parallel_loop3A_222] {strides = array<i32>} : memref<80x64xi32, #tpu.memory_space<vmem>>, vector<16xi32>,
        %parallel_loop3A_224 = vector.bitcast %parallel_loop3A_223 : vector<16xi32> to vector<32xbf16>
        %parallel_loop3A_225 = arith.index_cast %parallel_loop3A_197 : i32 to index
        %parallel_loop3A_226 = arith.constant 16 : index
        %parallel_loop3A_227 = tpu.vector_load %arg15[%parallel_loop3A_225, %parallel_loop3A_226] {strides = array<i32>} : memref<80x64xi32, #tpu.memory_space<vmem>>, vector<16xi32>,
        %parallel_loop3A_228 = vector.bitcast %parallel_loop3A_227 : vector<16xi32> to vector<32xbf16>
        %parallel_loop3A_229 = arith.subf %parallel_loop3A_224, %parallel_loop3A_228 : vector<32xbf16>
        %parallel_loop3A_230 = arith.mulf %parallel_loop3A_220, %parallel_loop3A_229 : vector<32xbf16>
        %parallel_loop3A_231 = tpu.unpack_subelements %parallel_loop3A_230, 0 {pack_format = #tpu.pack_format<interleaved>} : vector<32xbf16> -> vector<16xf32>
        %parallel_loop3A_232 = tpu.unpack_subelements %parallel_loop3A_230, 1 {pack_format = #tpu.pack_format<interleaved>} : vector<32xbf16> -> vector<16xf32>
        %parallel_loop3A_233 = arith.addf %parallel_loop3A_215, %parallel_loop3A_231 : vector<16xf32>
        %parallel_loop3A_234 = arith.addf %parallel_loop3A_216, %parallel_loop3A_232 : vector<16xf32>
        %parallel_loop3A_235 = arith.index_cast %parallel_loop3A_197 : i32 to index
        %parallel_loop3A_236 = arith.constant 32 : index
        %parallel_loop3A_237 = tpu.vector_load %arg14[%parallel_loop3A_235, %parallel_loop3A_236] {strides = array<i32>} : memref<80x64xi32, #tpu.memory_space<vmem>>, vector<16xi32>,
        %parallel_loop3A_238 = vector.bitcast %parallel_loop3A_237 : vector<16xi32> to vector<32xbf16>
        %parallel_loop3A_239 = arith.index_cast %parallel_loop3A_197 : i32 to index
        %parallel_loop3A_240 = arith.constant 32 : index
        %parallel_loop3A_241 = tpu.vector_load %arg16[%parallel_loop3A_239, %parallel_loop3A_240] {strides = array<i32>} : memref<80x64xi32, #tpu.memory_space<vmem>>, vector<16xi32>,
        %parallel_loop3A_242 = vector.bitcast %parallel_loop3A_241 : vector<16xi32> to vector<32xbf16>
        %parallel_loop3A_243 = arith.index_cast %parallel_loop3A_197 : i32 to index
        %parallel_loop3A_244 = arith.constant 32 : index
        %parallel_loop3A_245 = tpu.vector_load %arg15[%parallel_loop3A_243, %parallel_loop3A_244] {strides = array<i32>} : memref<80x64xi32, #tpu.memory_space<vmem>>, vector<16xi32>,
        %parallel_loop3A_246 = vector.bitcast %parallel_loop3A_245 : vector<16xi32> to vector<32xbf16>
        %parallel_loop3A_247 = arith.subf %parallel_loop3A_242, %parallel_loop3A_246 : vector<32xbf16>
        %parallel_loop3A_248 = arith.mulf %parallel_loop3A_238, %parallel_loop3A_247 : vector<32xbf16>
        %parallel_loop3A_249 = tpu.unpack_subelements %parallel_loop3A_248, 0 {pack_format = #tpu.pack_format<interleaved>} : vector<32xbf16> -> vector<16xf32>
        %parallel_loop3A_250 = tpu.unpack_subelements %parallel_loop3A_248, 1 {pack_format = #tpu.pack_format<interleaved>} : vector<32xbf16> -> vector<16xf32>
        %parallel_loop3A_251 = arith.addf %parallel_loop3A_233, %parallel_loop3A_249 : vector<16xf32>
        %parallel_loop3A_252 = arith.addf %parallel_loop3A_234, %parallel_loop3A_250 : vector<16xf32>
        %parallel_loop3A_253 = arith.index_cast %parallel_loop3A_197 : i32 to index
        %parallel_loop3A_254 = arith.constant 48 : index
        %parallel_loop3A_255 = tpu.vector_load %arg14[%parallel_loop3A_253, %parallel_loop3A_254] {strides = array<i32>} : memref<80x64xi32, #tpu.memory_space<vmem>>, vector<16xi32>,
        %parallel_loop3A_256 = vector.bitcast %parallel_loop3A_255 : vector<16xi32> to vector<32xbf16>
        %parallel_loop3A_257 = arith.index_cast %parallel_loop3A_197 : i32 to index
        %parallel_loop3A_258 = arith.constant 48 : index
        %parallel_loop3A_259 = tpu.vector_load %arg16[%parallel_loop3A_257, %parallel_loop3A_258] {strides = array<i32>} : memref<80x64xi32, #tpu.memory_space<vmem>>, vector<16xi32>,
        %parallel_loop3A_260 = vector.bitcast %parallel_loop3A_259 : vector<16xi32> to vector<32xbf16>
        %parallel_loop3A_261 = arith.index_cast %parallel_loop3A_197 : i32 to index
        %parallel_loop3A_262 = arith.constant 48 : index
        %parallel_loop3A_263 = tpu.vector_load %arg15[%parallel_loop3A_261, %parallel_loop3A_262] {strides = array<i32>} : memref<80x64xi32, #tpu.memory_space<vmem>>, vector<16xi32>,
        %parallel_loop3A_264 = vector.bitcast %parallel_loop3A_263 : vector<16xi32> to vector<32xbf16>
        %parallel_loop3A_265 = arith.subf %parallel_loop3A_260, %parallel_loop3A_264 : vector<32xbf16>
        %parallel_loop3A_266 = arith.mulf %parallel_loop3A_256, %parallel_loop3A_265 : vector<32xbf16>
        %parallel_loop3A_267 = tpu.unpack_subelements %parallel_loop3A_266, 0 {pack_format = #tpu.pack_format<interleaved>} : vector<32xbf16> -> vector<16xf32>
        %parallel_loop3A_268 = tpu.unpack_subelements %parallel_loop3A_266, 1 {pack_format = #tpu.pack_format<interleaved>} : vector<32xbf16> -> vector<16xf32>
        %parallel_loop3A_269 = arith.addf %parallel_loop3A_251, %parallel_loop3A_267 : vector<16xf32>
        %parallel_loop3A_270 = arith.addf %parallel_loop3A_252, %parallel_loop3A_268 : vector<16xf32>
        %parallel_loop3A_271 = arith.addf %parallel_loop3A_269, %parallel_loop3A_270 : vector<16xf32>
        %parallel_loop3A_272 = arith.constant true
        %parallel_loop3A_273 = vector.broadcast %parallel_loop3A_272 : i1 to vector<16xi1>
        %parallel_loop3A_274 = tpu.scan <sum>, %parallel_loop3A_271 masked %parallel_loop3A_273 : vector<16xf32>, vector<16xi1> -> vector<16xf32>
        %parallel_loop3A_275 = vector.extract %parallel_loop3A_274[15] : f32 from vector<16xf32>
        %parallel_loop3A_276 = arith.addf %parallel_loop3A_275, %squeeze3A : f32
        %parallel_loop3A_277 = arith.constant 0.000000e+00 : f32
        %parallel_loop3A_278 = arith.maximumf %parallel_loop3A_276, %parallel_loop3A_277 : f32
        %parallel_loop3A_279 = arith.addf %parallel_loop3A_198, %parallel_loop3A_278 : f32
        scf.yield %parallel_loop3A_279 : f32
      } {sc.loop_unroll_factor = 8 : i64, sc.parallel_access}
      %add3A_157 = arith.constant 1 : i32
      %add3A_158 = arith.addi %mul3A_106, %add3A_157 : i32
      %add3A_159 = arith.constant 3 : i32
      %add3A_160 = arith.addi %add3A_158, %add3A_159 : i32
      %lt3A_161 = arith.constant 125 : i32
      %lt3A_162 = arith.cmpi slt, %add3A_160, %lt3A_161 : i32
      %convert_element_type3A_163 = arith.extui %lt3A_162 : i1 to i32
      %cond3A_164 = arith.constant 0 : i32
      %cond3A_165 = arith.cmpi ne, %convert_element_type3A_163, %cond3A_164 : i32
      scf.if %cond3A_165 {
        %add3A_197 = arith.constant 1 : i32
        %add3A_198 = arith.addi %mul3A_106, %add3A_197 : i32
        %add3A_199 = arith.constant 3 : i32
        %add3A_200 = arith.addi %add3A_198, %add3A_199 : i32
        %mul3A_201 = arith.constant 80 : i32
        %mul3A_202 = arith.muli %add3A_200, %mul3A_201 : i32
        %dma_start3A_203 = tpu.memref_slice %arg8[%mul3A_202] : memref<10000xi32, #tpu.memory_space<vmem>> -> memref<80xi32, #tpu.memory_space<vmem>>
        %dma_start3A_204 = arith.constant 0 : i32
        %dma_start3A_205 = arith.constant 0 : i32
        %dma_start3A_206 = tpu.memref_slice %arg22[%dma_start3A_204, %dma_start3A_205] : memref<10000x64xi32, #tpu.memory_space<vmem_shared>> -> memref<10000x64xi32, #tpu.memory_space<vmem_shared>>
        tpu.enqueue_indirect_dma source(%dma_start3A_206 : memref<10000x64xi32, #tpu.memory_space<vmem_shared>>) target(%arg14 : memref<80x64xi32, #tpu.memory_space<vmem>>) offsets(%dma_start3A_203 : memref<80xi32, #tpu.memory_space<vmem>>) semaphore(%arg24 : memref<!tpu.dma_semaphore, #tpu.memory_space<semaphore_mem>>)
        %dma_start3A_207 = tpu.memref_slice %arg9[%mul3A_202] : memref<10000xi32, #tpu.memory_space<vmem>> -> memref<80xi32, #tpu.memory_space<vmem>>
        %dma_start3A_208 = arith.constant 0 : i32
        %dma_start3A_209 = arith.constant 0 : i32
        %dma_start3A_210 = tpu.memref_slice %arg22[%dma_start3A_208, %dma_start3A_209] : memref<10000x64xi32, #tpu.memory_space<vmem_shared>> -> memref<10000x64xi32, #tpu.memory_space<vmem_shared>>
        tpu.enqueue_indirect_dma source(%dma_start3A_210 : memref<10000x64xi32, #tpu.memory_space<vmem_shared>>) target(%arg15 : memref<80x64xi32, #tpu.memory_space<vmem>>) offsets(%dma_start3A_207 : memref<80xi32, #tpu.memory_space<vmem>>) semaphore(%arg24 : memref<!tpu.dma_semaphore, #tpu.memory_space<semaphore_mem>>)
        %dma_start3A_211 = tpu.memref_slice %arg10[%mul3A_202] : memref<10000xi32, #tpu.memory_space<vmem>> -> memref<80xi32, #tpu.memory_space<vmem>>
        %dma_start3A_212 = arith.constant 0 : i32
        %dma_start3A_213 = arith.constant 0 : i32
        %dma_start3A_214 = tpu.memref_slice %arg22[%dma_start3A_212, %dma_start3A_213] : memref<10000x64xi32, #tpu.memory_space<vmem_shared>> -> memref<10000x64xi32, #tpu.memory_space<vmem_shared>>
        tpu.enqueue_indirect_dma source(%dma_start3A_214 : memref<10000x64xi32, #tpu.memory_space<vmem_shared>>) target(%arg16 : memref<80x64xi32, #tpu.memory_space<vmem>>) offsets(%dma_start3A_211 : memref<80xi32, #tpu.memory_space<vmem>>) semaphore(%arg24 : memref<!tpu.dma_semaphore, #tpu.memory_space<semaphore_mem>>)
      } else {
      }
      %dma_wait3A_166 = arith.constant 0 : i32
      %dma_wait3A_167 = arith.constant 0 : i32
      %dma_wait3A_168 = tpu.memref_slice %arg2[%dma_wait3A_166, %dma_wait3A_167] : memref<10000x64xi32, #tpu.memory_space<hbm>> -> memref<80x64xi32, #tpu.memory_space<hbm>>
      %dma_wait3A_169 = arith.constant 0 : i32
      %dma_wait3A_170 = arith.constant 0 : i32
      %dma_wait3A_171 = tpu.memref_slice %arg2[%dma_wait3A_169, %dma_wait3A_170] : memref<10000x64xi32, #tpu.memory_space<hbm>> -> memref<80x64xi32, #tpu.memory_space<hbm>>
      tpu.wait_dma2 semaphore(%arg25 : memref<!tpu.dma_semaphore, #tpu.memory_space<semaphore_mem>>) src(%dma_wait3A_171 : memref<80x64xi32, #tpu.memory_space<hbm>>) dst(%arg17 : memref<80x64xi32, #tpu.memory_space<vmem>>)
      %dma_wait3A_172 = arith.constant 0 : i32
      %dma_wait3A_173 = arith.constant 0 : i32
      %dma_wait3A_174 = tpu.memref_slice %arg2[%dma_wait3A_172, %dma_wait3A_173] : memref<10000x64xi32, #tpu.memory_space<hbm>> -> memref<80x64xi32, #tpu.memory_space<hbm>>
      %dma_wait3A_175 = arith.constant 0 : i32
      %dma_wait3A_176 = arith.constant 0 : i32
      %dma_wait3A_177 = tpu.memref_slice %arg2[%dma_wait3A_175, %dma_wait3A_176] : memref<10000x64xi32, #tpu.memory_space<hbm>> -> memref<80x64xi32, #tpu.memory_space<hbm>>
      tpu.wait_dma2 semaphore(%arg25 : memref<!tpu.dma_semaphore, #tpu.memory_space<semaphore_mem>>) src(%dma_wait3A_177 : memref<80x64xi32, #tpu.memory_space<hbm>>) dst(%arg18 : memref<80x64xi32, #tpu.memory_space<vmem>>)
      %dma_wait3A_178 = arith.constant 0 : i32
      %dma_wait3A_179 = arith.constant 0 : i32
      %dma_wait3A_180 = tpu.memref_slice %arg2[%dma_wait3A_178, %dma_wait3A_179] : memref<10000x64xi32, #tpu.memory_space<hbm>> -> memref<80x64xi32, #tpu.memory_space<hbm>>
      %dma_wait3A_181 = arith.constant 0 : i32
      %dma_wait3A_182 = arith.constant 0 : i32
      %dma_wait3A_183 = tpu.memref_slice %arg2[%dma_wait3A_181, %dma_wait3A_182] : memref<10000x64xi32, #tpu.memory_space<hbm>> -> memref<80x64xi32, #tpu.memory_space<hbm>>
      tpu.wait_dma2 semaphore(%arg25 : memref<!tpu.dma_semaphore, #tpu.memory_space<semaphore_mem>>) src(%dma_wait3A_183 : memref<80x64xi32, #tpu.memory_space<hbm>>) dst(%arg19 : memref<80x64xi32, #tpu.memory_space<vmem>>)
      %parallel_loop3A_184 = arith.constant 0 : i32
      %parallel_loop3A_185 = arith.constant 80 : i32
      %parallel_loop3A_186 = arith.constant 1 : i32
      %parallel_loop3A_187 = scf.for %parallel_loop3A_197 = %parallel_loop3A_184 to %parallel_loop3A_185 step %parallel_loop3A_186 iter_args(%parallel_loop3A_198 = %parallel_loop3A_156) -> (f32)  : i32 {
        %parallel_loop3A_199 = arith.index_cast %parallel_loop3A_197 : i32 to index
        %parallel_loop3A_200 = arith.constant 0 : index
        %parallel_loop3A_201 = tpu.vector_load %arg17[%parallel_loop3A_199, %parallel_loop3A_200] {strides = array<i32>} : memref<80x64xi32, #tpu.memory_space<vmem>>, vector<16xi32>,
        %parallel_loop3A_202 = vector.bitcast %parallel_loop3A_201 : vector<16xi32> to vector<32xbf16>
        %parallel_loop3A_203 = arith.index_cast %parallel_loop3A_197 : i32 to index
        %parallel_loop3A_204 = arith.constant 0 : index
        %parallel_loop3A_205 = tpu.vector_load %arg19[%parallel_loop3A_203, %parallel_loop3A_204] {strides = array<i32>} : memref<80x64xi32, #tpu.memory_space<vmem>>, vector<16xi32>,
        %parallel_loop3A_206 = vector.bitcast %parallel_loop3A_205 : vector<16xi32> to vector<32xbf16>
        %parallel_loop3A_207 = arith.index_cast %parallel_loop3A_197 : i32 to index
        %parallel_loop3A_208 = arith.constant 0 : index
        %parallel_loop3A_209 = tpu.vector_load %arg18[%parallel_loop3A_207, %parallel_loop3A_208] {strides = array<i32>} : memref<80x64xi32, #tpu.memory_space<vmem>>, vector<16xi32>,
        %parallel_loop3A_210 = vector.bitcast %parallel_loop3A_209 : vector<16xi32> to vector<32xbf16>
        %parallel_loop3A_211 = arith.subf %parallel_loop3A_206, %parallel_loop3A_210 : vector<32xbf16>
        %parallel_loop3A_212 = arith.mulf %parallel_loop3A_202, %parallel_loop3A_211 : vector<32xbf16>
        %parallel_loop3A_213 = tpu.unpack_subelements %parallel_loop3A_212, 0 {pack_format = #tpu.pack_format<interleaved>} : vector<32xbf16> -> vector<16xf32>
        %parallel_loop3A_214 = tpu.unpack_subelements %parallel_loop3A_212, 1 {pack_format = #tpu.pack_format<interleaved>} : vector<32xbf16> -> vector<16xf32>
        %parallel_loop3A_215 = arith.addf %broadcast_in_dim3A_8, %parallel_loop3A_213 : vector<16xf32>
        %parallel_loop3A_216 = arith.addf %broadcast_in_dim3A_8, %parallel_loop3A_214 : vector<16xf32>
        %parallel_loop3A_217 = arith.index_cast %parallel_loop3A_197 : i32 to index
        %parallel_loop3A_218 = arith.constant 16 : index
        %parallel_loop3A_219 = tpu.vector_load %arg17[%parallel_loop3A_217, %parallel_loop3A_218] {strides = array<i32>} : memref<80x64xi32, #tpu.memory_space<vmem>>, vector<16xi32>,
        %parallel_loop3A_220 = vector.bitcast %parallel_loop3A_219 : vector<16xi32> to vector<32xbf16>
        %parallel_loop3A_221 = arith.index_cast %parallel_loop3A_197 : i32 to index
        %parallel_loop3A_222 = arith.constant 16 : index
        %parallel_loop3A_223 = tpu.vector_load %arg19[%parallel_loop3A_221, %parallel_loop3A_222] {strides = array<i32>} : memref<80x64xi32, #tpu.memory_space<vmem>>, vector<16xi32>,
        %parallel_loop3A_224 = vector.bitcast %parallel_loop3A_223 : vector<16xi32> to vector<32xbf16>
        %parallel_loop3A_225 = arith.index_cast %parallel_loop3A_197 : i32 to index
        %parallel_loop3A_226 = arith.constant 16 : index
        %parallel_loop3A_227 = tpu.vector_load %arg18[%parallel_loop3A_225, %parallel_loop3A_226] {strides = array<i32>} : memref<80x64xi32, #tpu.memory_space<vmem>>, vector<16xi32>,
        %parallel_loop3A_228 = vector.bitcast %parallel_loop3A_227 : vector<16xi32> to vector<32xbf16>
        %parallel_loop3A_229 = arith.subf %parallel_loop3A_224, %parallel_loop3A_228 : vector<32xbf16>
        %parallel_loop3A_230 = arith.mulf %parallel_loop3A_220, %parallel_loop3A_229 : vector<32xbf16>
        %parallel_loop3A_231 = tpu.unpack_subelements %parallel_loop3A_230, 0 {pack_format = #tpu.pack_format<interleaved>} : vector<32xbf16> -> vector<16xf32>
        %parallel_loop3A_232 = tpu.unpack_subelements %parallel_loop3A_230, 1 {pack_format = #tpu.pack_format<interleaved>} : vector<32xbf16> -> vector<16xf32>
        %parallel_loop3A_233 = arith.addf %parallel_loop3A_215, %parallel_loop3A_231 : vector<16xf32>
        %parallel_loop3A_234 = arith.addf %parallel_loop3A_216, %parallel_loop3A_232 : vector<16xf32>
        %parallel_loop3A_235 = arith.index_cast %parallel_loop3A_197 : i32 to index
        %parallel_loop3A_236 = arith.constant 32 : index
        %parallel_loop3A_237 = tpu.vector_load %arg17[%parallel_loop3A_235, %parallel_loop3A_236] {strides = array<i32>} : memref<80x64xi32, #tpu.memory_space<vmem>>, vector<16xi32>,
        %parallel_loop3A_238 = vector.bitcast %parallel_loop3A_237 : vector<16xi32> to vector<32xbf16>
        %parallel_loop3A_239 = arith.index_cast %parallel_loop3A_197 : i32 to index
        %parallel_loop3A_240 = arith.constant 32 : index
        %parallel_loop3A_241 = tpu.vector_load %arg19[%parallel_loop3A_239, %parallel_loop3A_240] {strides = array<i32>} : memref<80x64xi32, #tpu.memory_space<vmem>>, vector<16xi32>,
        %parallel_loop3A_242 = vector.bitcast %parallel_loop3A_241 : vector<16xi32> to vector<32xbf16>
        %parallel_loop3A_243 = arith.index_cast %parallel_loop3A_197 : i32 to index
        %parallel_loop3A_244 = arith.constant 32 : index
        %parallel_loop3A_245 = tpu.vector_load %arg18[%parallel_loop3A_243, %parallel_loop3A_244] {strides = array<i32>} : memref<80x64xi32, #tpu.memory_space<vmem>>, vector<16xi32>,
        %parallel_loop3A_246 = vector.bitcast %parallel_loop3A_245 : vector<16xi32> to vector<32xbf16>
        %parallel_loop3A_247 = arith.subf %parallel_loop3A_242, %parallel_loop3A_246 : vector<32xbf16>
        %parallel_loop3A_248 = arith.mulf %parallel_loop3A_238, %parallel_loop3A_247 : vector<32xbf16>
        %parallel_loop3A_249 = tpu.unpack_subelements %parallel_loop3A_248, 0 {pack_format = #tpu.pack_format<interleaved>} : vector<32xbf16> -> vector<16xf32>
        %parallel_loop3A_250 = tpu.unpack_subelements %parallel_loop3A_248, 1 {pack_format = #tpu.pack_format<interleaved>} : vector<32xbf16> -> vector<16xf32>
        %parallel_loop3A_251 = arith.addf %parallel_loop3A_233, %parallel_loop3A_249 : vector<16xf32>
        %parallel_loop3A_252 = arith.addf %parallel_loop3A_234, %parallel_loop3A_250 : vector<16xf32>
        %parallel_loop3A_253 = arith.index_cast %parallel_loop3A_197 : i32 to index
        %parallel_loop3A_254 = arith.constant 48 : index
        %parallel_loop3A_255 = tpu.vector_load %arg17[%parallel_loop3A_253, %parallel_loop3A_254] {strides = array<i32>} : memref<80x64xi32, #tpu.memory_space<vmem>>, vector<16xi32>,
        %parallel_loop3A_256 = vector.bitcast %parallel_loop3A_255 : vector<16xi32> to vector<32xbf16>
        %parallel_loop3A_257 = arith.index_cast %parallel_loop3A_197 : i32 to index
        %parallel_loop3A_258 = arith.constant 48 : index
        %parallel_loop3A_259 = tpu.vector_load %arg19[%parallel_loop3A_257, %parallel_loop3A_258] {strides = array<i32>} : memref<80x64xi32, #tpu.memory_space<vmem>>, vector<16xi32>,
        %parallel_loop3A_260 = vector.bitcast %parallel_loop3A_259 : vector<16xi32> to vector<32xbf16>
        %parallel_loop3A_261 = arith.index_cast %parallel_loop3A_197 : i32 to index
        %parallel_loop3A_262 = arith.constant 48 : index
        %parallel_loop3A_263 = tpu.vector_load %arg18[%parallel_loop3A_261, %parallel_loop3A_262] {strides = array<i32>} : memref<80x64xi32, #tpu.memory_space<vmem>>, vector<16xi32>,
        %parallel_loop3A_264 = vector.bitcast %parallel_loop3A_263 : vector<16xi32> to vector<32xbf16>
        %parallel_loop3A_265 = arith.subf %parallel_loop3A_260, %parallel_loop3A_264 : vector<32xbf16>
        %parallel_loop3A_266 = arith.mulf %parallel_loop3A_256, %parallel_loop3A_265 : vector<32xbf16>
        %parallel_loop3A_267 = tpu.unpack_subelements %parallel_loop3A_266, 0 {pack_format = #tpu.pack_format<interleaved>} : vector<32xbf16> -> vector<16xf32>
        %parallel_loop3A_268 = tpu.unpack_subelements %parallel_loop3A_266, 1 {pack_format = #tpu.pack_format<interleaved>} : vector<32xbf16> -> vector<16xf32>
        %parallel_loop3A_269 = arith.addf %parallel_loop3A_251, %parallel_loop3A_267 : vector<16xf32>
        %parallel_loop3A_270 = arith.addf %parallel_loop3A_252, %parallel_loop3A_268 : vector<16xf32>
        %parallel_loop3A_271 = arith.addf %parallel_loop3A_269, %parallel_loop3A_270 : vector<16xf32>
        %parallel_loop3A_272 = arith.constant true
        %parallel_loop3A_273 = vector.broadcast %parallel_loop3A_272 : i1 to vector<16xi1>
        %parallel_loop3A_274 = tpu.scan <sum>, %parallel_loop3A_271 masked %parallel_loop3A_273 : vector<16xf32>, vector<16xi1> -> vector<16xf32>
        %parallel_loop3A_275 = vector.extract %parallel_loop3A_274[15] : f32 from vector<16xf32>
        %parallel_loop3A_276 = arith.addf %parallel_loop3A_275, %squeeze3A : f32
        %parallel_loop3A_277 = arith.constant 0.000000e+00 : f32
        %parallel_loop3A_278 = arith.maximumf %parallel_loop3A_276, %parallel_loop3A_277 : f32
        %parallel_loop3A_279 = arith.addf %parallel_loop3A_198, %parallel_loop3A_278 : f32
        scf.yield %parallel_loop3A_279 : f32
      } {sc.loop_unroll_factor = 8 : i64, sc.parallel_access}
      %add3A_188 = arith.constant 2 : i32
      %add3A_189 = arith.addi %mul3A_106, %add3A_188 : i32
      %add3A_190 = arith.constant 3 : i32
      %add3A_191 = arith.addi %add3A_189, %add3A_190 : i32
      %lt3A_192 = arith.constant 125 : i32
      %lt3A_193 = arith.cmpi slt, %add3A_191, %lt3A_192 : i32
      %convert_element_type3A_194 = arith.extui %lt3A_193 : i1 to i32
      %cond3A_195 = arith.constant 0 : i32
      %cond3A_196 = arith.cmpi ne, %convert_element_type3A_194, %cond3A_195 : i32
      scf.if %cond3A_196 {
        %add3A_197 = arith.constant 2 : i32
        %add3A_198 = arith.addi %mul3A_106, %add3A_197 : i32
        %add3A_199 = arith.constant 3 : i32
        %add3A_200 = arith.addi %add3A_198, %add3A_199 : i32
        %mul3A_201 = arith.constant 80 : i32
        %mul3A_202 = arith.muli %add3A_200, %mul3A_201 : i32
        %dma_start3A_203 = tpu.memref_slice %arg8[%mul3A_202] : memref<10000xi32, #tpu.memory_space<vmem>> -> memref<80xi32, #tpu.memory_space<vmem>>
        %dma_start3A_204 = arith.constant 0 : i32
        %dma_start3A_205 = arith.constant 0 : i32
        %dma_start3A_206 = tpu.memref_slice %arg22[%dma_start3A_204, %dma_start3A_205] : memref<10000x64xi32, #tpu.memory_space<vmem_shared>> -> memref<10000x64xi32, #tpu.memory_space<vmem_shared>>
        tpu.enqueue_indirect_dma source(%dma_start3A_206 : memref<10000x64xi32, #tpu.memory_space<vmem_shared>>) target(%arg17 : memref<80x64xi32, #tpu.memory_space<vmem>>) offsets(%dma_start3A_203 : memref<80xi32, #tpu.memory_space<vmem>>) semaphore(%arg25 : memref<!tpu.dma_semaphore, #tpu.memory_space<semaphore_mem>>)
        %dma_start3A_207 = tpu.memref_slice %arg9[%mul3A_202] : memref<10000xi32, #tpu.memory_space<vmem>> -> memref<80xi32, #tpu.memory_space<vmem>>
        %dma_start3A_208 = arith.constant 0 : i32
        %dma_start3A_209 = arith.constant 0 : i32
        %dma_start3A_210 = tpu.memref_slice %arg22[%dma_start3A_208, %dma_start3A_209] : memref<10000x64xi32, #tpu.memory_space<vmem_shared>> -> memref<10000x64xi32, #tpu.memory_space<vmem_shared>>
        tpu.enqueue_indirect_dma source(%dma_start3A_210 : memref<10000x64xi32, #tpu.memory_space<vmem_shared>>) target(%arg18 : memref<80x64xi32, #tpu.memory_space<vmem>>) offsets(%dma_start3A_207 : memref<80xi32, #tpu.memory_space<vmem>>) semaphore(%arg25 : memref<!tpu.dma_semaphore, #tpu.memory_space<semaphore_mem>>)
        %dma_start3A_211 = tpu.memref_slice %arg10[%mul3A_202] : memref<10000xi32, #tpu.memory_space<vmem>> -> memref<80xi32, #tpu.memory_space<vmem>>
        %dma_start3A_212 = arith.constant 0 : i32
        %dma_start3A_213 = arith.constant 0 : i32
        %dma_start3A_214 = tpu.memref_slice %arg22[%dma_start3A_212, %dma_start3A_213] : memref<10000x64xi32, #tpu.memory_space<vmem_shared>> -> memref<10000x64xi32, #tpu.memory_space<vmem_shared>>
        tpu.enqueue_indirect_dma source(%dma_start3A_214 : memref<10000x64xi32, #tpu.memory_space<vmem_shared>>) target(%arg19 : memref<80x64xi32, #tpu.memory_space<vmem>>) offsets(%dma_start3A_211 : memref<80xi32, #tpu.memory_space<vmem>>) semaphore(%arg25 : memref<!tpu.dma_semaphore, #tpu.memory_space<semaphore_mem>>)
      } else {
      }
      scf.yield %parallel_loop3A_187 : f32
    }
    %scan3A_58 = arith.constant 41 : i32
    %dma_wait3A = arith.constant 0 : i32
    %dma_wait3A_59 = arith.constant 0 : i32
    %dma_wait3A_60 = tpu.memref_slice %arg2[%dma_wait3A, %dma_wait3A_59] : memref<10000x64xi32, #tpu.memory_space<hbm>> -> memref<80x64xi32, #tpu.memory_space<hbm>>
    %dma_wait3A_61 = arith.constant 0 : i32
    %dma_wait3A_62 = arith.constant 0 : i32
    %dma_wait3A_63 = tpu.memref_slice %arg2[%dma_wait3A_61, %dma_wait3A_62] : memref<10000x64xi32, #tpu.memory_space<hbm>> -> memref<80x64xi32, #tpu.memory_space<hbm>>
    tpu.wait_dma2 semaphore(%arg23 : memref<!tpu.dma_semaphore, #tpu.memory_space<semaphore_mem>>) src(%dma_wait3A_63 : memref<80x64xi32, #tpu.memory_space<hbm>>) dst(%arg11 : memref<80x64xi32, #tpu.memory_space<vmem>>)
    %dma_wait3A_64 = arith.constant 0 : i32
    %dma_wait3A_65 = arith.constant 0 : i32
    %dma_wait3A_66 = tpu.memref_slice %arg2[%dma_wait3A_64, %dma_wait3A_65] : memref<10000x64xi32, #tpu.memory_space<hbm>> -> memref<80x64xi32, #tpu.memory_space<hbm>>
    %dma_wait3A_67 = arith.constant 0 : i32
    %dma_wait3A_68 = arith.constant 0 : i32
    %dma_wait3A_69 = tpu.memref_slice %arg2[%dma_wait3A_67, %dma_wait3A_68] : memref<10000x64xi32, #tpu.memory_space<hbm>> -> memref<80x64xi32, #tpu.memory_space<hbm>>
    tpu.wait_dma2 semaphore(%arg23 : memref<!tpu.dma_semaphore, #tpu.memory_space<semaphore_mem>>) src(%dma_wait3A_69 : memref<80x64xi32, #tpu.memory_space<hbm>>) dst(%arg12 : memref<80x64xi32, #tpu.memory_space<vmem>>)
    %dma_wait3A_70 = arith.constant 0 : i32
    %dma_wait3A_71 = arith.constant 0 : i32
    %dma_wait3A_72 = tpu.memref_slice %arg2[%dma_wait3A_70, %dma_wait3A_71] : memref<10000x64xi32, #tpu.memory_space<hbm>> -> memref<80x64xi32, #tpu.memory_space<hbm>>
    %dma_wait3A_73 = arith.constant 0 : i32
    %dma_wait3A_74 = arith.constant 0 : i32
    %dma_wait3A_75 = tpu.memref_slice %arg2[%dma_wait3A_73, %dma_wait3A_74] : memref<10000x64xi32, #tpu.memory_space<hbm>> -> memref<80x64xi32, #tpu.memory_space<hbm>>
    tpu.wait_dma2 semaphore(%arg23 : memref<!tpu.dma_semaphore, #tpu.memory_space<semaphore_mem>>) src(%dma_wait3A_75 : memref<80x64xi32, #tpu.memory_space<hbm>>) dst(%arg13 : memref<80x64xi32, #tpu.memory_space<vmem>>)
    %parallel_loop3A = arith.constant 0 : i32
    %parallel_loop3A_76 = arith.constant 80 : i32
    %parallel_loop3A_77 = arith.constant 1 : i32
    %parallel_loop3A_78 = scf.for %parallel_loop3A_103 = %parallel_loop3A to %parallel_loop3A_76 step %parallel_loop3A_77 iter_args(%parallel_loop3A_104 = %scan3A_57) -> (f32)  : i32 {
      %parallel_loop3A_105 = arith.index_cast %parallel_loop3A_103 : i32 to index
      %parallel_loop3A_106 = arith.constant 0 : index
      %parallel_loop3A_107 = tpu.vector_load %arg11[%parallel_loop3A_105, %parallel_loop3A_106] {strides = array<i32>} : memref<80x64xi32, #tpu.memory_space<vmem>>, vector<16xi32>,
      %parallel_loop3A_108 = vector.bitcast %parallel_loop3A_107 : vector<16xi32> to vector<32xbf16>
      %parallel_loop3A_109 = arith.index_cast %parallel_loop3A_103 : i32 to index
      %parallel_loop3A_110 = arith.constant 0 : index
      %parallel_loop3A_111 = tpu.vector_load %arg13[%parallel_loop3A_109, %parallel_loop3A_110] {strides = array<i32>} : memref<80x64xi32, #tpu.memory_space<vmem>>, vector<16xi32>,
      %parallel_loop3A_112 = vector.bitcast %parallel_loop3A_111 : vector<16xi32> to vector<32xbf16>
      %parallel_loop3A_113 = arith.index_cast %parallel_loop3A_103 : i32 to index
      %parallel_loop3A_114 = arith.constant 0 : index
      %parallel_loop3A_115 = tpu.vector_load %arg12[%parallel_loop3A_113, %parallel_loop3A_114] {strides = array<i32>} : memref<80x64xi32, #tpu.memory_space<vmem>>, vector<16xi32>,
      %parallel_loop3A_116 = vector.bitcast %parallel_loop3A_115 : vector<16xi32> to vector<32xbf16>
      %parallel_loop3A_117 = arith.subf %parallel_loop3A_112, %parallel_loop3A_116 : vector<32xbf16>
      %parallel_loop3A_118 = arith.mulf %parallel_loop3A_108, %parallel_loop3A_117 : vector<32xbf16>
      %parallel_loop3A_119 = tpu.unpack_subelements %parallel_loop3A_118, 0 {pack_format = #tpu.pack_format<interleaved>} : vector<32xbf16> -> vector<16xf32>
      %parallel_loop3A_120 = tpu.unpack_subelements %parallel_loop3A_118, 1 {pack_format = #tpu.pack_format<interleaved>} : vector<32xbf16> -> vector<16xf32>
      %parallel_loop3A_121 = arith.addf %broadcast_in_dim3A_8, %parallel_loop3A_119 : vector<16xf32>
      %parallel_loop3A_122 = arith.addf %broadcast_in_dim3A_8, %parallel_loop3A_120 : vector<16xf32>
      %parallel_loop3A_123 = arith.index_cast %parallel_loop3A_103 : i32 to index
      %parallel_loop3A_124 = arith.constant 16 : index
      %parallel_loop3A_125 = tpu.vector_load %arg11[%parallel_loop3A_123, %parallel_loop3A_124] {strides = array<i32>} : memref<80x64xi32, #tpu.memory_space<vmem>>, vector<16xi32>,
      %parallel_loop3A_126 = vector.bitcast %parallel_loop3A_125 : vector<16xi32> to vector<32xbf16>
      %parallel_loop3A_127 = arith.index_cast %parallel_loop3A_103 : i32 to index
      %parallel_loop3A_128 = arith.constant 16 : index
      %parallel_loop3A_129 = tpu.vector_load %arg13[%parallel_loop3A_127, %parallel_loop3A_128] {strides = array<i32>} : memref<80x64xi32, #tpu.memory_space<vmem>>, vector<16xi32>,
      %parallel_loop3A_130 = vector.bitcast %parallel_loop3A_129 : vector<16xi32> to vector<32xbf16>
      %parallel_loop3A_131 = arith.index_cast %parallel_loop3A_103 : i32 to index
      %parallel_loop3A_132 = arith.constant 16 : index
      %parallel_loop3A_133 = tpu.vector_load %arg12[%parallel_loop3A_131, %parallel_loop3A_132] {strides = array<i32>} : memref<80x64xi32, #tpu.memory_space<vmem>>, vector<16xi32>,
      %parallel_loop3A_134 = vector.bitcast %parallel_loop3A_133 : vector<16xi32> to vector<32xbf16>
      %parallel_loop3A_135 = arith.subf %parallel_loop3A_130, %parallel_loop3A_134 : vector<32xbf16>
      %parallel_loop3A_136 = arith.mulf %parallel_loop3A_126, %parallel_loop3A_135 : vector<32xbf16>
      %parallel_loop3A_137 = tpu.unpack_subelements %parallel_loop3A_136, 0 {pack_format = #tpu.pack_format<interleaved>} : vector<32xbf16> -> vector<16xf32>
      %parallel_loop3A_138 = tpu.unpack_subelements %parallel_loop3A_136, 1 {pack_format = #tpu.pack_format<interleaved>} : vector<32xbf16> -> vector<16xf32>
      %parallel_loop3A_139 = arith.addf %parallel_loop3A_121, %parallel_loop3A_137 : vector<16xf32>
      %parallel_loop3A_140 = arith.addf %parallel_loop3A_122, %parallel_loop3A_138 : vector<16xf32>
      %parallel_loop3A_141 = arith.index_cast %parallel_loop3A_103 : i32 to index
      %parallel_loop3A_142 = arith.constant 32 : index
      %parallel_loop3A_143 = tpu.vector_load %arg11[%parallel_loop3A_141, %parallel_loop3A_142] {strides = array<i32>} : memref<80x64xi32, #tpu.memory_space<vmem>>, vector<16xi32>,
      %parallel_loop3A_144 = vector.bitcast %parallel_loop3A_143 : vector<16xi32> to vector<32xbf16>
      %parallel_loop3A_145 = arith.index_cast %parallel_loop3A_103 : i32 to index
      %parallel_loop3A_146 = arith.constant 32 : index
      %parallel_loop3A_147 = tpu.vector_load %arg13[%parallel_loop3A_145, %parallel_loop3A_146] {strides = array<i32>} : memref<80x64xi32, #tpu.memory_space<vmem>>, vector<16xi32>,
      %parallel_loop3A_148 = vector.bitcast %parallel_loop3A_147 : vector<16xi32> to vector<32xbf16>
      %parallel_loop3A_149 = arith.index_cast %parallel_loop3A_103 : i32 to index
      %parallel_loop3A_150 = arith.constant 32 : index
      %parallel_loop3A_151 = tpu.vector_load %arg12[%parallel_loop3A_149, %parallel_loop3A_150] {strides = array<i32>} : memref<80x64xi32, #tpu.memory_space<vmem>>, vector<16xi32>,
      %parallel_loop3A_152 = vector.bitcast %parallel_loop3A_151 : vector<16xi32> to vector<32xbf16>
      %parallel_loop3A_153 = arith.subf %parallel_loop3A_148, %parallel_loop3A_152 : vector<32xbf16>
      %parallel_loop3A_154 = arith.mulf %parallel_loop3A_144, %parallel_loop3A_153 : vector<32xbf16>
      %parallel_loop3A_155 = tpu.unpack_subelements %parallel_loop3A_154, 0 {pack_format = #tpu.pack_format<interleaved>} : vector<32xbf16> -> vector<16xf32>
      %parallel_loop3A_156 = tpu.unpack_subelements %parallel_loop3A_154, 1 {pack_format = #tpu.pack_format<interleaved>} : vector<32xbf16> -> vector<16xf32>
      %parallel_loop3A_157 = arith.addf %parallel_loop3A_139, %parallel_loop3A_155 : vector<16xf32>
      %parallel_loop3A_158 = arith.addf %parallel_loop3A_140, %parallel_loop3A_156 : vector<16xf32>
      %parallel_loop3A_159 = arith.index_cast %parallel_loop3A_103 : i32 to index
      %parallel_loop3A_160 = arith.constant 48 : index
      %parallel_loop3A_161 = tpu.vector_load %arg11[%parallel_loop3A_159, %parallel_loop3A_160] {strides = array<i32>} : memref<80x64xi32, #tpu.memory_space<vmem>>, vector<16xi32>,
      %parallel_loop3A_162 = vector.bitcast %parallel_loop3A_161 : vector<16xi32> to vector<32xbf16>
      %parallel_loop3A_163 = arith.index_cast %parallel_loop3A_103 : i32 to index
      %parallel_loop3A_164 = arith.constant 48 : index
      %parallel_loop3A_165 = tpu.vector_load %arg13[%parallel_loop3A_163, %parallel_loop3A_164] {strides = array<i32>} : memref<80x64xi32, #tpu.memory_space<vmem>>, vector<16xi32>,
      %parallel_loop3A_166 = vector.bitcast %parallel_loop3A_165 : vector<16xi32> to vector<32xbf16>
      %parallel_loop3A_167 = arith.index_cast %parallel_loop3A_103 : i32 to index
      %parallel_loop3A_168 = arith.constant 48 : index
      %parallel_loop3A_169 = tpu.vector_load %arg12[%parallel_loop3A_167, %parallel_loop3A_168] {strides = array<i32>} : memref<80x64xi32, #tpu.memory_space<vmem>>, vector<16xi32>,
      %parallel_loop3A_170 = vector.bitcast %parallel_loop3A_169 : vector<16xi32> to vector<32xbf16>
      %parallel_loop3A_171 = arith.subf %parallel_loop3A_166, %parallel_loop3A_170 : vector<32xbf16>
      %parallel_loop3A_172 = arith.mulf %parallel_loop3A_162, %parallel_loop3A_171 : vector<32xbf16>
      %parallel_loop3A_173 = tpu.unpack_subelements %parallel_loop3A_172, 0 {pack_format = #tpu.pack_format<interleaved>} : vector<32xbf16> -> vector<16xf32>
      %parallel_loop3A_174 = tpu.unpack_subelements %parallel_loop3A_172, 1 {pack_format = #tpu.pack_format<interleaved>} : vector<32xbf16> -> vector<16xf32>
      %parallel_loop3A_175 = arith.addf %parallel_loop3A_157, %parallel_loop3A_173 : vector<16xf32>
      %parallel_loop3A_176 = arith.addf %parallel_loop3A_158, %parallel_loop3A_174 : vector<16xf32>
      %parallel_loop3A_177 = arith.addf %parallel_loop3A_175, %parallel_loop3A_176 : vector<16xf32>
      %parallel_loop3A_178 = arith.constant true
      %parallel_loop3A_179 = vector.broadcast %parallel_loop3A_178 : i1 to vector<16xi1>
      %parallel_loop3A_180 = tpu.scan <sum>, %parallel_loop3A_177 masked %parallel_loop3A_179 : vector<16xf32>, vector<16xi1> -> vector<16xf32>
      %parallel_loop3A_181 = vector.extract %parallel_loop3A_180[15] : f32 from vector<16xf32>
      %parallel_loop3A_182 = arith.addf %parallel_loop3A_181, %squeeze3A : f32
      %parallel_loop3A_183 = arith.constant 0.000000e+00 : f32
      %parallel_loop3A_184 = arith.maximumf %parallel_loop3A_182, %parallel_loop3A_183 : f32
      %parallel_loop3A_185 = arith.addf %parallel_loop3A_104, %parallel_loop3A_184 : f32
      scf.yield %parallel_loop3A_185 : f32
    } {sc.loop_unroll_factor = 8 : i64, sc.parallel_access}
    %dma_wait3A_79 = arith.constant 0 : i32
    %dma_wait3A_80 = arith.constant 0 : i32
    %dma_wait3A_81 = tpu.memref_slice %arg2[%dma_wait3A_79, %dma_wait3A_80] : memref<10000x64xi32, #tpu.memory_space<hbm>> -> memref<80x64xi32, #tpu.memory_space<hbm>>
    %dma_wait3A_82 = arith.constant 0 : i32
    %dma_wait3A_83 = arith.constant 0 : i32
    %dma_wait3A_84 = tpu.memref_slice %arg2[%dma_wait3A_82, %dma_wait3A_83] : memref<10000x64xi32, #tpu.memory_space<hbm>> -> memref<80x64xi32, #tpu.memory_space<hbm>>
    tpu.wait_dma2 semaphore(%arg24 : memref<!tpu.dma_semaphore, #tpu.memory_space<semaphore_mem>>) src(%dma_wait3A_84 : memref<80x64xi32, #tpu.memory_space<hbm>>) dst(%arg14 : memref<80x64xi32, #tpu.memory_space<vmem>>)
    %dma_wait3A_85 = arith.constant 0 : i32
    %dma_wait3A_86 = arith.constant 0 : i32
    %dma_wait3A_87 = tpu.memref_slice %arg2[%dma_wait3A_85, %dma_wait3A_86] : memref<10000x64xi32, #tpu.memory_space<hbm>> -> memref<80x64xi32, #tpu.memory_space<hbm>>
    %dma_wait3A_88 = arith.constant 0 : i32
    %dma_wait3A_89 = arith.constant 0 : i32
    %dma_wait3A_90 = tpu.memref_slice %arg2[%dma_wait3A_88, %dma_wait3A_89] : memref<10000x64xi32, #tpu.memory_space<hbm>> -> memref<80x64xi32, #tpu.memory_space<hbm>>
    tpu.wait_dma2 semaphore(%arg24 : memref<!tpu.dma_semaphore, #tpu.memory_space<semaphore_mem>>) src(%dma_wait3A_90 : memref<80x64xi32, #tpu.memory_space<hbm>>) dst(%arg15 : memref<80x64xi32, #tpu.memory_space<vmem>>)
    %dma_wait3A_91 = arith.constant 0 : i32
    %dma_wait3A_92 = arith.constant 0 : i32
    %dma_wait3A_93 = tpu.memref_slice %arg2[%dma_wait3A_91, %dma_wait3A_92] : memref<10000x64xi32, #tpu.memory_space<hbm>> -> memref<80x64xi32, #tpu.memory_space<hbm>>
    %dma_wait3A_94 = arith.constant 0 : i32
    %dma_wait3A_95 = arith.constant 0 : i32
    %dma_wait3A_96 = tpu.memref_slice %arg2[%dma_wait3A_94, %dma_wait3A_95] : memref<10000x64xi32, #tpu.memory_space<hbm>> -> memref<80x64xi32, #tpu.memory_space<hbm>>
    tpu.wait_dma2 semaphore(%arg24 : memref<!tpu.dma_semaphore, #tpu.memory_space<semaphore_mem>>) src(%dma_wait3A_96 : memref<80x64xi32, #tpu.memory_space<hbm>>) dst(%arg16 : memref<80x64xi32, #tpu.memory_space<vmem>>)
    %parallel_loop3A_97 = arith.constant 0 : i32
    %parallel_loop3A_98 = arith.constant 80 : i32
    %parallel_loop3A_99 = arith.constant 1 : i32
    %parallel_loop3A_100 = scf.for %parallel_loop3A_103 = %parallel_loop3A_97 to %parallel_loop3A_98 step %parallel_loop3A_99 iter_args(%parallel_loop3A_104 = %parallel_loop3A_78) -> (f32)  : i32 {
      %parallel_loop3A_105 = arith.index_cast %parallel_loop3A_103 : i32 to index
      %parallel_loop3A_106 = arith.constant 0 : index
      %parallel_loop3A_107 = tpu.vector_load %arg14[%parallel_loop3A_105, %parallel_loop3A_106] {strides = array<i32>} : memref<80x64xi32, #tpu.memory_space<vmem>>, vector<16xi32>,
      %parallel_loop3A_108 = vector.bitcast %parallel_loop3A_107 : vector<16xi32> to vector<32xbf16>
      %parallel_loop3A_109 = arith.index_cast %parallel_loop3A_103 : i32 to index
      %parallel_loop3A_110 = arith.constant 0 : index
      %parallel_loop3A_111 = tpu.vector_load %arg16[%parallel_loop3A_109, %parallel_loop3A_110] {strides = array<i32>} : memref<80x64xi32, #tpu.memory_space<vmem>>, vector<16xi32>,
      %parallel_loop3A_112 = vector.bitcast %parallel_loop3A_111 : vector<16xi32> to vector<32xbf16>
      %parallel_loop3A_113 = arith.index_cast %parallel_loop3A_103 : i32 to index
      %parallel_loop3A_114 = arith.constant 0 : index
      %parallel_loop3A_115 = tpu.vector_load %arg15[%parallel_loop3A_113, %parallel_loop3A_114] {strides = array<i32>} : memref<80x64xi32, #tpu.memory_space<vmem>>, vector<16xi32>,
      %parallel_loop3A_116 = vector.bitcast %parallel_loop3A_115 : vector<16xi32> to vector<32xbf16>
      %parallel_loop3A_117 = arith.subf %parallel_loop3A_112, %parallel_loop3A_116 : vector<32xbf16>
      %parallel_loop3A_118 = arith.mulf %parallel_loop3A_108, %parallel_loop3A_117 : vector<32xbf16>
      %parallel_loop3A_119 = tpu.unpack_subelements %parallel_loop3A_118, 0 {pack_format = #tpu.pack_format<interleaved>} : vector<32xbf16> -> vector<16xf32>
      %parallel_loop3A_120 = tpu.unpack_subelements %parallel_loop3A_118, 1 {pack_format = #tpu.pack_format<interleaved>} : vector<32xbf16> -> vector<16xf32>
      %parallel_loop3A_121 = arith.addf %broadcast_in_dim3A_8, %parallel_loop3A_119 : vector<16xf32>
      %parallel_loop3A_122 = arith.addf %broadcast_in_dim3A_8, %parallel_loop3A_120 : vector<16xf32>
      %parallel_loop3A_123 = arith.index_cast %parallel_loop3A_103 : i32 to index
      %parallel_loop3A_124 = arith.constant 16 : index
      %parallel_loop3A_125 = tpu.vector_load %arg14[%parallel_loop3A_123, %parallel_loop3A_124] {strides = array<i32>} : memref<80x64xi32, #tpu.memory_space<vmem>>, vector<16xi32>,
      %parallel_loop3A_126 = vector.bitcast %parallel_loop3A_125 : vector<16xi32> to vector<32xbf16>
      %parallel_loop3A_127 = arith.index_cast %parallel_loop3A_103 : i32 to index
      %parallel_loop3A_128 = arith.constant 16 : index
      %parallel_loop3A_129 = tpu.vector_load %arg16[%parallel_loop3A_127, %parallel_loop3A_128] {strides = array<i32>} : memref<80x64xi32, #tpu.memory_space<vmem>>, vector<16xi32>,
      %parallel_loop3A_130 = vector.bitcast %parallel_loop3A_129 : vector<16xi32> to vector<32xbf16>
      %parallel_loop3A_131 = arith.index_cast %parallel_loop3A_103 : i32 to index
      %parallel_loop3A_132 = arith.constant 16 : index
      %parallel_loop3A_133 = tpu.vector_load %arg15[%parallel_loop3A_131, %parallel_loop3A_132] {strides = array<i32>} : memref<80x64xi32, #tpu.memory_space<vmem>>, vector<16xi32>,
      %parallel_loop3A_134 = vector.bitcast %parallel_loop3A_133 : vector<16xi32> to vector<32xbf16>
      %parallel_loop3A_135 = arith.subf %parallel_loop3A_130, %parallel_loop3A_134 : vector<32xbf16>
      %parallel_loop3A_136 = arith.mulf %parallel_loop3A_126, %parallel_loop3A_135 : vector<32xbf16>
      %parallel_loop3A_137 = tpu.unpack_subelements %parallel_loop3A_136, 0 {pack_format = #tpu.pack_format<interleaved>} : vector<32xbf16> -> vector<16xf32>
      %parallel_loop3A_138 = tpu.unpack_subelements %parallel_loop3A_136, 1 {pack_format = #tpu.pack_format<interleaved>} : vector<32xbf16> -> vector<16xf32>
      %parallel_loop3A_139 = arith.addf %parallel_loop3A_121, %parallel_loop3A_137 : vector<16xf32>
      %parallel_loop3A_140 = arith.addf %parallel_loop3A_122, %parallel_loop3A_138 : vector<16xf32>
      %parallel_loop3A_141 = arith.index_cast %parallel_loop3A_103 : i32 to index
      %parallel_loop3A_142 = arith.constant 32 : index
      %parallel_loop3A_143 = tpu.vector_load %arg14[%parallel_loop3A_141, %parallel_loop3A_142] {strides = array<i32>} : memref<80x64xi32, #tpu.memory_space<vmem>>, vector<16xi32>,
      %parallel_loop3A_144 = vector.bitcast %parallel_loop3A_143 : vector<16xi32> to vector<32xbf16>
      %parallel_loop3A_145 = arith.index_cast %parallel_loop3A_103 : i32 to index
      %parallel_loop3A_146 = arith.constant 32 : index
      %parallel_loop3A_147 = tpu.vector_load %arg16[%parallel_loop3A_145, %parallel_loop3A_146] {strides = array<i32>} : memref<80x64xi32, #tpu.memory_space<vmem>>, vector<16xi32>,
      %parallel_loop3A_148 = vector.bitcast %parallel_loop3A_147 : vector<16xi32> to vector<32xbf16>
      %parallel_loop3A_149 = arith.index_cast %parallel_loop3A_103 : i32 to index
      %parallel_loop3A_150 = arith.constant 32 : index
      %parallel_loop3A_151 = tpu.vector_load %arg15[%parallel_loop3A_149, %parallel_loop3A_150] {strides = array<i32>} : memref<80x64xi32, #tpu.memory_space<vmem>>, vector<16xi32>,
      %parallel_loop3A_152 = vector.bitcast %parallel_loop3A_151 : vector<16xi32> to vector<32xbf16>
      %parallel_loop3A_153 = arith.subf %parallel_loop3A_148, %parallel_loop3A_152 : vector<32xbf16>
      %parallel_loop3A_154 = arith.mulf %parallel_loop3A_144, %parallel_loop3A_153 : vector<32xbf16>
      %parallel_loop3A_155 = tpu.unpack_subelements %parallel_loop3A_154, 0 {pack_format = #tpu.pack_format<interleaved>} : vector<32xbf16> -> vector<16xf32>
      %parallel_loop3A_156 = tpu.unpack_subelements %parallel_loop3A_154, 1 {pack_format = #tpu.pack_format<interleaved>} : vector<32xbf16> -> vector<16xf32>
      %parallel_loop3A_157 = arith.addf %parallel_loop3A_139, %parallel_loop3A_155 : vector<16xf32>
      %parallel_loop3A_158 = arith.addf %parallel_loop3A_140, %parallel_loop3A_156 : vector<16xf32>
      %parallel_loop3A_159 = arith.index_cast %parallel_loop3A_103 : i32 to index
      %parallel_loop3A_160 = arith.constant 48 : index
      %parallel_loop3A_161 = tpu.vector_load %arg14[%parallel_loop3A_159, %parallel_loop3A_160] {strides = array<i32>} : memref<80x64xi32, #tpu.memory_space<vmem>>, vector<16xi32>,
      %parallel_loop3A_162 = vector.bitcast %parallel_loop3A_161 : vector<16xi32> to vector<32xbf16>
      %parallel_loop3A_163 = arith.index_cast %parallel_loop3A_103 : i32 to index
      %parallel_loop3A_164 = arith.constant 48 : index
      %parallel_loop3A_165 = tpu.vector_load %arg16[%parallel_loop3A_163, %parallel_loop3A_164] {strides = array<i32>} : memref<80x64xi32, #tpu.memory_space<vmem>>, vector<16xi32>,
      %parallel_loop3A_166 = vector.bitcast %parallel_loop3A_165 : vector<16xi32> to vector<32xbf16>
      %parallel_loop3A_167 = arith.index_cast %parallel_loop3A_103 : i32 to index
      %parallel_loop3A_168 = arith.constant 48 : index
      %parallel_loop3A_169 = tpu.vector_load %arg15[%parallel_loop3A_167, %parallel_loop3A_168] {strides = array<i32>} : memref<80x64xi32, #tpu.memory_space<vmem>>, vector<16xi32>,
      %parallel_loop3A_170 = vector.bitcast %parallel_loop3A_169 : vector<16xi32> to vector<32xbf16>
      %parallel_loop3A_171 = arith.subf %parallel_loop3A_166, %parallel_loop3A_170 : vector<32xbf16>
      %parallel_loop3A_172 = arith.mulf %parallel_loop3A_162, %parallel_loop3A_171 : vector<32xbf16>
      %parallel_loop3A_173 = tpu.unpack_subelements %parallel_loop3A_172, 0 {pack_format = #tpu.pack_format<interleaved>} : vector<32xbf16> -> vector<16xf32>
      %parallel_loop3A_174 = tpu.unpack_subelements %parallel_loop3A_172, 1 {pack_format = #tpu.pack_format<interleaved>} : vector<32xbf16> -> vector<16xf32>
      %parallel_loop3A_175 = arith.addf %parallel_loop3A_157, %parallel_loop3A_173 : vector<16xf32>
      %parallel_loop3A_176 = arith.addf %parallel_loop3A_158, %parallel_loop3A_174 : vector<16xf32>
      %parallel_loop3A_177 = arith.addf %parallel_loop3A_175, %parallel_loop3A_176 : vector<16xf32>
      %parallel_loop3A_178 = arith.constant true
      %parallel_loop3A_179 = vector.broadcast %parallel_loop3A_178 : i1 to vector<16xi1>
      %parallel_loop3A_180 = tpu.scan <sum>, %parallel_loop3A_177 masked %parallel_loop3A_179 : vector<16xf32>, vector<16xi1> -> vector<16xf32>
      %parallel_loop3A_181 = vector.extract %parallel_loop3A_180[15] : f32 from vector<16xf32>
      %parallel_loop3A_182 = arith.addf %parallel_loop3A_181, %squeeze3A : f32
      %parallel_loop3A_183 = arith.constant 0.000000e+00 : f32
      %parallel_loop3A_184 = arith.maximumf %parallel_loop3A_182, %parallel_loop3A_183 : f32
      %parallel_loop3A_185 = arith.addf %parallel_loop3A_104, %parallel_loop3A_184 : f32
      scf.yield %parallel_loop3A_185 : f32
    } {sc.loop_unroll_factor = 8 : i64, sc.parallel_access}
    %broadcast_in_dim3A_101 = vector.broadcast %parallel_loop3A_100 : f32 to vector<16xf32>
    %swap3A = arith.constant 0 : index
    %swap3A_102 = tpu.vector_load %arg21[%swap3A] {strides = array<i32>} : memref<16xf32, #tpu.memory_space<vmem>>, vector<16xf32>,
    tpu.vector_store %arg21[%swap3A], %broadcast_in_dim3A_101 {strides = array<i32>} : memref<16xf32, #tpu.memory_space<vmem>>, vector<16xf32>,
    "tpu.region"() ({
      %run_scoped3A = tpu.sem_alloc : memref<!tpu.dma_semaphore, #tpu.memory_space<semaphore_mem>>
      %dma_start3A_103 = arith.constant 0 : i32
      %dma_start3A_104 = tpu.memref_slice %arg7[%add3A, %dma_start3A_103] : memref<32x16xf32, #tpu.memory_space<hbm>> -> memref<1x16xf32, #tpu.memory_space<hbm>>
      %dma_start3A_105 = tpu.memref_squeeze %dma_start3A_104 : memref<1x16xf32, #tpu.memory_space<hbm>> -> memref<16xf32, #tpu.memory_space<hbm>>
      %dma_start3A_106 = arith.constant 0 : i32
      %dma_start3A_107 = tpu.memref_slice %arg7[%add3A, %dma_start3A_106] : memref<32x16xf32, #tpu.memory_space<hbm>> -> memref<1x16xf32, #tpu.memory_space<hbm>>
      %dma_start3A_108 = tpu.memref_squeeze %dma_start3A_107 : memref<1x16xf32, #tpu.memory_space<hbm>> -> memref<16xf32, #tpu.memory_space<hbm>>
      tpu.enqueue_dma source(%arg21 : memref<16xf32, #tpu.memory_space<vmem>>) target(%dma_start3A_108 : memref<16xf32, #tpu.memory_space<hbm>>) target_semaphore(%run_scoped3A : memref<!tpu.dma_semaphore, #tpu.memory_space<semaphore_mem>>)
      %dma_wait3A_109 = arith.constant 0 : i32
      %dma_wait3A_110 = tpu.memref_slice %arg7[%add3A, %dma_wait3A_109] : memref<32x16xf32, #tpu.memory_space<hbm>> -> memref<1x16xf32, #tpu.memory_space<hbm>>
      %dma_wait3A_111 = tpu.memref_squeeze %dma_wait3A_110 : memref<1x16xf32, #tpu.memory_space<hbm>> -> memref<16xf32, #tpu.memory_space<hbm>>
      %dma_wait3A_112 = arith.constant 0 : i32
      %dma_wait3A_113 = tpu.memref_slice %arg7[%add3A, %dma_wait3A_112] : memref<32x16xf32, #tpu.memory_space<hbm>> -> memref<1x16xf32, #tpu.memory_space<hbm>>
      %dma_wait3A_114 = tpu.memref_squeeze %dma_wait3A_113 : memref<1x16xf32, #tpu.memory_space<hbm>> -> memref<16xf32, #tpu.memory_space<hbm>>
      tpu.wait_dma2 semaphore(%run_scoped3A : memref<!tpu.dma_semaphore, #tpu.memory_space<semaphore_mem>>) src(%arg21 : memref<16xf32, #tpu.memory_space<vmem>>) dst(%dma_wait3A_114 : memref<16xf32, #tpu.memory_space<hbm>>)
      tpu.yield
    }) : () -> ()
    return
  }
}

</mosaic_0001>

<sc_bundles>
// kernel: kernel.3.cloned.1.call-start
scs
__scs_entry_jumppad:
0x0: {  	(pc) =	sbr.rel $0x88, $3  }
0x1: {  	(tag) =	ssettag $0x0;
	lr =	simm.s32 $0x1  }
0x2: {  	[smem:$0x3F9C] =	sst lr;
	_ =	strace $0xD0000000  }
0x3: {  	_ = 	snop  }
0x4: {  	_ = 	snop  }
0x5: {  	_ = 	snop  }
0x6: {  	_ = 	snop  }
0x7: {  	_ = 	snop  }
__scs_overlays_trampoline_lowered:
0x8: {  	[smem:$0x3FAB] =	sst s0  }
0x9: {  	[smem:$0x3FAC] =	sst s1  }
0xa: {  	[smem:$0x3FAD] =	sst s2  }
0xb: {  	[smem:$0x3FAE] =	sst s3  }
0xc: {  	[smem:$0x3FAF] =	sst s4  }
0xd: {  	[smem:$0x3FB0] =	sst s5  }
0xe: {  	[smem:$0x3FB1] =	sst s6  }
0xf: {  	[smem:$0x3FB2] =	sst s7  }
0x10: {  	[smem:$0x3FB3] =	sst s8  }
0x11: {  	[smem:$0x3FB4] =	sst s9;
	s0 =	simm.s32 @!p0 $0x0  }
0x12: {  	s1 =	sld [smem:$0x3F9A];
	s0 =	simm.s32 @p0 $0x1  }
0x13: {  	[smem:$0x3FB5] =	sst s0;
	s0 =	simm.s32 @!p1 $0x0  }
0x14: {  	s2 =	sld [smem:$0x3F99];
	s0 =	simm.s32 @p1 $0x1  }
0x15: {  	[smem:$0x3FB6] =	sst s0;
	s0 =	simm.s32 @!p2 $0x0  }
0x16: {  	s3 =	sld [smem:$0x3FDB];
	s0 =	simm.s32 @p2 $0x1  }
0x17: {  	s4 =	simm.s32 $0x1BF5;
	[smem:$0x3FB8] =	sst s0  }
0x18: {  	s0 =	sld [smem:$0x3F9B];
	_ =	swait.ge [sflag:s4], $0x0  }
0x19: {  	s7 =	sld [smem:$0x3F9C]  }
0x1a: {  	s8 =	sadd.s32 $0xFFFFE003, lr  }
0x1b: {  	s9 =	sadd.s32 $0xFFFFFEF7, lr;
	s5 =	simm.s32 $0xFFFFFFFF;
	p2 =	slt.u32 s8, $0xFFFFF086  }
0x1c: {  	p1 =	slt.u32 s9, $0xF7A;
	s5 =	simm.s32 @!p2 $0x0  }
0x1d: {  	s5 =	simm.s32 @p1 $0x1;
	p0 =	seq.s32 s7, s2  }
0x1e: {  	s7 =	smul.u32 @!p0 $0xF7A, s2;
	p2 =	seq.s32 @!p0 s5, $0x0  }
0x1f: {  	s9 =	smul.u32 $0xF7A, s1;
	s8 =	simm.s32 @!p0 $0x1BF5;
	p2 =	por !p2, p0  }
0x20: {  	[sflag:s8] =	ssyncset.s32 @!p0 $0xFFFFF086;
	s6 =	sadd.s32 @!p0 s3, s7;
	s7 =	simm.s32 @!p0 $0x108  }
0x21: {  	s3 =	sadd.s32 s3, s9;
	s6 =	sadd.s32 @!p0 $0x88, s6;
	s7 =	simm.s32 @p2 $0x1082  }
0x22: {  	[simem:s7], [sflag:s8] =	dma.local @!p0 [hbm:s6], $0xF7A  }
0x23: {  	s9 =	sor.u32 $0xD0000000, s2;
	s6 =	simm.s32 $0x108;
	_ =	swait.ge @!p0 [sflag:s8], $0x0  }
0x24: {  	s3 =	sadd.s32 $0x88, s3;
	s6 =	simm.s32 @!p1 $0x1082;
	[sflag:s4] =	ssyncset.s32 $0xFFFFF086  }
0x25: {  	[simem:s6], [sflag:s4] =	dma.local [hbm:s3], $0xF7A  }
0x26: {  	[smem:$0x3F9C] =	sst s1;
	(tag) =	ssettag s2;
	_ =	strace s9  }
0x27: {  	s1 =	sld [smem:$0x3FAC]  }
0x28: {  	s2 =	sld [smem:$0x3FAD]  }
0x29: {  	s4 =	sld [smem:$0x3FAF]  }
0x2a: {  	p0 =	seq.s32 s5, $0x0;
	s5 =	sld [smem:$0x3FB0]  }
0x2b: {  	s6 =	sld [smem:$0x3FB1]  }
0x2c: {  	s7 =	sld [smem:$0x3FB2]  }
0x2d: {  	s3 =	simm.s32 $0x108;
	s8 =	sld [smem:$0x3FB3]  }
0x2e: {  	s3 =	simm.s32 @!p0 $0x1082;
	s9 =	sld [smem:$0x3FB4]  }
0x2f: {  	lr =	sadd.s32 s0, s3;
	s0 =	sld [smem:$0x3FAB]  }
0x30: {  	s3 =	sld [smem:$0x3FAE]  }
0x31: {  	[smem:$0x3FB7] =	sst s10  }
0x32: {  	s10 =	sld [smem:$0x3FB5];
	_ =	sdelay $0x3  }
0x33: {  	p0 =	seq.s32 s10, $0x1;
	s10 =	sld [smem:$0x3FB7];
	_ =	sdelay $0x3  }
0x34: {  	[smem:$0x3FB7] =	sst s10  }
0x35: {  	s10 =	sld [smem:$0x3FB6];
	_ =	sdelay $0x3  }
0x36: {  	p1 =	seq.s32 s10, $0x1;
	s10 =	sld [smem:$0x3FB7];
	_ =	sdelay $0x3  }
0x37: {  	[smem:$0x3FB7] =	sst s10  }
0x38: {  	s10 =	sld [smem:$0x3FB8]  }
0x39: {  	_ = 	snop;
	(pc) =	sbr.ind lr, $3  }
0x3a: {  	_ = 	snop  }
0x3b: {  	_ = 	snop  }
0x3c: {  	p2 =	seq.s32 s10, $0x1;
	s10 =	sld [smem:$0x3FB7]  }
0x3d: {  	_ =	shalt  }
0x3e: {  	_ =	shalt  }
0x3f: {  	_ =	shalt  }
0x40: {  	_ =	shalt  }
0x41: {  	_ =	shalt  }
0x42: {  	_ =	shalt  }
0x43: {  	_ =	shalt  }
0x44: {  	_ =	shalt  }
0x45: {  	_ =	shalt  }
0x46: {  	_ =	shalt  }
0x47: {  	_ =	shalt  }
0x48: {  	_ =	shalt  }
0x49: {  	_ =	shalt  }
0x4a: {  	_ =	shalt  }
0x4b: {  	_ =	shalt  }
0x4c: {  	_ =	shalt  }
0x4d: {  	_ =	shalt  }
0x4e: {  	_ =	shalt  }
0x4f: {  	_ =	shalt  }
0x50: {  	_ =	shalt  }
0x51: {  	_ =	shalt  }
0x52: {  	_ =	shalt  }
0x53: {  	_ =	shalt  }
0x54: {  	_ =	shalt  }
0x55: {  	_ =	shalt  }
0x56: {  	_ =	shalt  }
0x57: {  	_ =	shalt  }
0x58: {  	_ =	shalt  }
0x59: {  	_ =	shalt  }
0x5a: {  	_ =	shalt  }
0x5b: {  	_ =	shalt  }
0x5c: {  	_ =	shalt  }
0x5d: {  	_ =	shalt  }
0x5e: {  	_ =	shalt  }
0x5f: {  	_ =	shalt  }
0x60: {  	_ =	shalt  }
0x61: {  	_ =	shalt  }
0x62: {  	_ =	shalt  }
0x63: {  	_ =	shalt  }
0x64: {  	_ =	shalt  }
0x65: {  	_ =	shalt  }
0x66: {  	_ =	shalt  }
0x67: {  	_ =	shalt  }
0x68: {  	_ =	shalt  }
0x69: {  	_ =	shalt  }
0x6a: {  	_ =	shalt  }
0x6b: {  	_ =	shalt  }
0x6c: {  	_ =	shalt  }
0x6d: {  	_ =	shalt  }
0x6e: {  	_ =	shalt  }
0x6f: {  	_ =	shalt  }
0x70: {  	_ =	shalt  }
0x71: {  	_ =	shalt  }
0x72: {  	_ =	shalt  }
0x73: {  	_ =	shalt  }
0x74: {  	_ =	shalt  }
0x75: {  	_ =	shalt  }
0x76: {  	_ =	shalt  }
0x77: {  	_ =	shalt  }
0x78: {  	_ =	shalt  }
0x79: {  	_ =	shalt  }
0x7a: {  	_ =	shalt  }
0x7b: {  	_ =	shalt  }
0x7c: {  	_ =	shalt  }
0x7d: {  	_ =	shalt  }
0x7e: {  	_ =	shalt  }
0x7f: {  	_ =	shalt  }
0x80: {  	_ =	shalt  }
0x81: {  	_ =	shalt  }
0x82: {  	_ =	shalt  }
0x83: {  	_ =	shalt  }
0x84: {  	_ =	shalt  }
0x85: {  	_ =	shalt  }
0x86: {  	_ =	shalt  }
0x87: {  	_ =	shalt  }
.Lfunc_end0:
.L_simem_size_0:
called_computation_lowered:
.L_overlay_start_0:
0x88: {  	s2 =	sld [smem:$0x3FD9]  }
0x89: {  	s3 =	sld [smem:$0x3FFE];
	_ =	sdelay $0x1  }
0x8a: {  	s1 =	srdreg.scid  }
0x8b: {  	s0 =	sand.u32 $0x1, s1  }
0x8c: {  	s17 =	sshll.u32 s0, $0xA;
	s2 =	sadd.s32 s3, s2  }
0x8d: {  	s2 =	sadd.s32 s2, s17  }
0x8e: {  	[smem:$0x3FC3] =	sst s2  }
0x8f: {  	_ = 	snop  }
0x90: {  	s2 =	sld [smem:$0x3FC8]  }
0x91: {  	s18 =	sld [smem:$0x3FC7]  }
0x92: {  	s4 =	sld [smem:$0x3FC6]  }
0x93: {  	s5 =	sld [smem:$0x3FD0];
	(tm) =	ssettm $0x1  }
0x94: {  	s6 =	sld [smem:$0x3FFB];
	_ =	sdelay $0x3  }
0x95: {  	_ =	strace s6  }
0x96: {  	s6 =	sld [smem:$0x3FFC];
	_ =	sdelay $0x3  }
0x97: {  	_ =	strace s6  }
0x98: {  	s6 =	sld [smem:$0x3FFD];
	_ =	sdelay $0x3  }
0x99: {  	_ =	strace s6  }
0x9a: {  	_ =	strace $0x8FFFFFFF  }
0x9b: {  	s19 =	sld [smem:$0x3FDB];
	_ =	sdelay $0x1  }
0x9c: {  	s7 =	simm.s32 $_scs_section_size  }
0x9d: {  	s8 =	simm.s32 $_size__tile_overlayer_lowered;
	s9 =	simm.s32 $_tile_overlayer_lowered  }
0x9e: {  	s22 =	simm.s32 $0x1BFF;
	s21 =	sshll.u32 s9, $0x1;
	s6 =	sadd.s32 s7, s19  }
0x9f: {  	s10 =	simm.s32 $0x0;
	s20 =	sshll.u32 s8, $0x1;
	s8 =	sadd.s32 s21, s6  }
0xa0: {  	[timem:s10], [sflag:s22] =	dma.local [hbm:s8], s20  }
0xa1: {  	_ =	swait.ge [sflag:s22], s20  }
0xa2: {  	s7 =	ssub.s32 $0x0, s20;
	[sflag:s22] =	ssyncset.done $0x0  }
0xa3: {  	[sflag:s22] =	ssyncadd.s32 s7;
	_ =	sdelay $0x1  }
0xa4: {  	s23 =	simm.s32 $0x1B8B  }
0xa5: {  	_ =	swait.ge [sflag:s23], $0x1  }
0xa6: {  	[sflag:s23] =	ssyncset.done $0x0  }
0xa7: {  	s25 =	simm.s32 $0x1B8E;
	s24 =	sld [smem:$0x3FFE];
	[sflag:s23] =	ssyncadd.s32 $0xFFFFFFFF  }
0xa8: {  	s26 =	simm.s32 $execute0_lowered;
	[smem:$0x3FD2] =	sst s25  }
0xa9: {  	s8 =	sshll.u32 s26, $0x1;
	_ =	strace $0x80000046;
	[dreg:$0x1] =	wrdreg $0xFFFFFFFF  }
0xaa: {  	s28 =	simm.s32 $_size_execute0_lowered;
	s6 =	sadd.s32 s6, s8;
	[dreg:$0x0] =	wrdreg $0x0  }
0xab: {  	s8 =	sshll.u32 s28, $0x1;
	[dreg:$0x2] =	wrdreg s6  }
0xac: {  	[dreg:$0x3] =	wrdreg s8  }
0xad: {  	[dreg:$0x4] =	wrdreg $0xC0  }
0xae: {  	_ =	task [dreg:s10], $0x5FFFF  }
0xaf: {  	[dreg:$0x1] =	wrdreg $0xFFFFFFFF  }
0xb0: {  	[dreg:$0x0] =	wrdreg $0x60  }
0xb1: {  	[dreg:$0x2] =	wrdreg s24  }
0xb2: {  	[dreg:$0x3] =	wrdreg s2  }
0xb3: {  	[dreg:$0x4] =	wrdreg s18  }
0xb4: {  	[dreg:$0x5] =	wrdreg s4  }
0xb5: {  	[dreg:$0x6] =	wrdreg s5  }
0xb6: {  	[dreg:$0x7] =	wrdreg $0x129500  }
0xb7: {  	[dreg:$0x8] =	wrdreg $0x9  }
0xb8: {  	_ =	task.clear_ibuf [dreg:s10], $0x9FFFF;
	_ =	strace $0x90000046  }
0xb9: {  	s29 =	simm.s32 $0x9;
	_ =	strace $0x80000048  }
0xba: {  	_ =	swait.ge [sflag:s29], $0x1  }
0xbb: {  	[sflag:s29] =	ssyncadd.s32 $0xFFFFFFFF  }
0xbc: {  	_ =	strace $0x90000048  }
0xbd: {  	_ =	sfence  }
0xbe: {  	s30 =	sld [smem:$0x0];
	_ =	sdelay $0x2  }
0xbf: {  	s31 =	sshll.u32 s1, $0xD;
	s1 =	sshrl.u32 s1, $0x2  }
0xc0: {  	s3 =	sand.u32 $0x4000, s31;
	s1 =	sadd.s32 s1, s30  }
0xc1: {  	s0 =	sor.u32 s3, s0;
	s1 =	sshll.u32 s1, $0x11  }
0xc2: {  	s0 =	sor.u32 s1, s0  }
0xc3: {  	s0 =	sadd.s32 $0x8F2B, s0  }
0xc4: {  	[sflag:s0] =	ssyncadd.remote.s32 $0x1  }
0xc5: {  	_ =	sfence.sel $0xFFFF  }
0xc6: {  	[dreg:$0x0] =	wrdreg $0xFFFFFFFF;
	(pc) =	sbr.abs _section_cstart, $3  }
0xc7: {  	[dreg:$0x1] =	wrdreg $0xFFFFFFFF  }
0xc8: {  	_ =	task.clear_ibuf [dreg:s10], $0x2FFFF;
	_ =	strace $0x9FFFFFFF  }
0xc9: {  	(tm) =	ssettm $0x7FFFFFFF  }
tec
execute0_lowered:
.L_overlay_start_1:
0x0: {  	(tag) =	ssettag $0x1  }
0x1: {  	s0 =	rddreg [dreg:$0x0]  }
0x2: {  	s1 =	rddreg [dreg:$0x1]  }
0x3: {  	s2 =	rddreg [dreg:$0x2]  }
0x4: {  	s5 =	rddreg [dreg:$0x3]  }
0x5: {  	s3 =	rddreg [dreg:$0x5]  }
0x6: {  	s4 =	simm.s32 $0x0;
	s6 =	srdreg.scid;
	s12 =	stileid.u32  }
0x7: {  	s11 =	simm.s32 $0x4;
	s17 =	simm.s32 $0x50;
	s18 =	simm.s32 $0x7530  }
0x8: {  	s19 =	simm.s32 $0x8930;
	s20 =	simm.s32 $0x9D30;
	s21 =	simm.s32 $0xB130  }
0x9: {  	s28 =	simm.s32 $0xED30;
	s30 =	simm.s32 $0x10130;
	s14 =	simm.s32 $0x3  }
0xa: {  	s6 =	sand.u32 $0x1, s6;
	s7 =	sshll.u32 s12, $0x1;
	s10 =	smul.u32 $0x9C40, s12  }
0xb: {  	[smem:$0x7FF] =	sst s4;
	s31 =	sshll.u32 s12, $0x6;
	s7 =	sor.u32 s6, s7  }
0xc: {  	s8 =	sshll.u32 s7, $0x1;
	s7 =	smul.u32 $0x4E2, s7;
	s25 =	sshrl.u32 s10, $0x3  }
0xd: {  	_ =	strace $0x80000047;
	s8 =	sadd.s32 s8, s0;
	s0 =	sadd.s32 s0, s25  }
0xe: {  	s6 =	ssub.s32 $0x2, s6;
	s1 =	sadd.s32 s1, s7;
	[dreg:$0xa] =	wrdreg s0  }
0xf: {  	s9 =	sshrl.u32 s6, $0x1;
	s22 =	sadd.s32 s2, s7;
	[dreg:$0x7] =	wrdreg s1  }
0x10: {  	s24 =	sadd.s32 s10, s3;
	s23 =	sadd.s32 s5, s7;
	[dreg:$0x8] =	wrdreg s22  }
0x11: {  	s6 =	ssub.s32 s6, s9;
	s26 =	sadd.s32 $0x13A00, s8;
	[dreg:$0x9] =	wrdreg s23  }
0x12: {  	s16 =	sshrl.u32 s24, $0x3;
	s29 =	smax.u32 s6, $0x1;
	[dreg:$0xb] =	wrdreg s26  }
0x13: {  	s25 =	simm.s32 $0xD930;
	s0 =	sor.u32 $0x1C04, s31;
	[dreg:$0xc] =	wrdreg s29  }
0x14: {  	s24 =	simm.s32 $0x0;
	s2 =	simm.s32 $0x1;
	[dreg:$0xd] =	wrdreg s0  }
0x15: {  	s23 =	simm.s32 $0xC530;
	s0 =	simm.s32 $0x11530;
	s1 =	simm.s32 $0x2  }
.LBB2_1:
0x16: {  	s5 =	rddreg [dreg:$0x7]  }
0x17: {  	[tilespmem:s4], [sflag:$0x4] =	stream.linear.gather [hbm4b:s5+s4], $0x2710, $0x38;
	[tilespmem:$0x1C590] =	vst v63  }
0x18: {  	_ =	swait.ge [sflag:s11], $0x2710  }
0x19: {  	[sflag:s11] =	ssyncset.done $0x0  }
0x1a: {  	s6 =	simm.s32 $0x2710;
	s7 =	rddreg [dreg:$0x8];
	[sflag:s11] =	ssyncadd.s32 $0xFFFFD8F0  }
0x1b: {  	[tilespmem:s6], [sflag:$0x4] =	stream.linear.gather [hbm4b:s7+s4], $0x2710, $0x38;
	[tilespmem:$0x1C590] =	vst v63  }
0x1c: {  	_ =	swait.ge [sflag:s11], $0x2710  }
0x1d: {  	[sflag:s11] =	ssyncset.done $0x0  }
0x1e: {  	s7 =	simm.s32 $0x4E20;
	s8 =	rddreg [dreg:$0x9];
	[sflag:s11] =	ssyncadd.s32 $0xFFFFD8F0  }
0x1f: {  	[tilespmem:s7], [sflag:$0x4] =	stream.linear.gather [hbm4b:s8+s4], $0x2710, $0x38;
	[tilespmem:$0x1C590] =	vst v63  }
0x20: {  	_ =	swait.ge [sflag:s11], $0x2710  }
0x21: {  	[sflag:s11] =	ssyncset.done $0x0  }
0x22: {  	[sflag:s11] =	ssyncadd.s32 $0xFFFFD8F0  }
0x23: {  	s8 =	simm.s32 $0x12930;
	s9 =	rddreg [dreg:$0x4]  }
0x24: {  	[tilespmem:s8], [sflag:$0x4] =	stream.linear.gather [hbm4b:s9+s4], $0x10, $0x38;
	[tilespmem:$0x1C590] =	vst v63  }
0x25: {  	_ =	swait.ge [sflag:s11], $0x10  }
0x26: {  	[sflag:s11] =	ssyncset.done $0x0;
	s10 =	rddreg [dreg:$0xa]  }
0x27: {  	s12 =	rddreg [dreg:$0xd];
	[sflag:s11] =	ssyncadd.s32 $0xFFFFFFF0  }
0x28: {  	[spmem:s16], [sflag:s12] =	dma.local [hbm:s10], $0x1388  }
0x29: {  	_ =	swait.ge [sflag:s11], $0x1388  }
0x2a: {  	[sflag:s11] =	ssyncset.done $0x0  }
0x2b: {  	[sflag:s11] =	ssyncadd.s32 $0xFFFFEC78  }
0x2c: {  	[bflag:$0x0] =	sbarrier.arrive $0xFFFF  }
0x2d: {  	v0 =	vld [tilespmem:$0x12930];
	_ =	sdelay $0x2  }
0x2e: {  	[tilespmem:s18], [sflag:$0x1] =	stream.indirect.gather [spmem:s3], $0x40, s4, s17, $0xb8;
	[tilespmem:$0x1C590] =	vst v63  }
0x2f: {  	_ = 	snop  }
0x30: {  	[tilespmem:s19], [sflag:$0x1] =	stream.indirect.gather [spmem:s3], $0x40, s6, s17, $0xb8;
	(v2sf) =	vpush v0, $0x0;
	[tilespmem:$0x1C590] =	vst v63  }
0x31: {  	_ = 	snop  }
0x32: {  	[tilespmem:s20], [sflag:$0x1] =	stream.indirect.gather [spmem:s3], $0x40, s7, s17, $0xb8;
	[tilespmem:$0x1C590] =	vst v63  }
0x33: {  	_ = 	snop  }
0x34: {  	[tilespmem:s21], [sflag:$0x2] =	stream.indirect.gather [spmem:s3], $0x40, s17, s17, $0xb8;
	[tilespmem:$0x1C590] =	vst v63  }
0x35: {  	s13 =	simm.s32 $0x2760  }
0x36: {  	[tilespmem:s23], [sflag:$0x2] =	stream.indirect.gather [spmem:s3], $0x40, s13, s17, $0xb8;
	[tilespmem:$0x1C590] =	vst v63  }
0x37: {  	s15 =	simm.s32 $0x4E70  }
0x38: {  	[tilespmem:s25], [sflag:$0x2] =	stream.indirect.gather [spmem:s3], $0x40, s15, s17, $0xb8;
	[tilespmem:$0x1C590] =	vst v63  }
0x39: {  	s22 =	simm.s32 $0xA0  }
0x3a: {  	[tilespmem:s28], [sflag:$0x3] =	stream.indirect.gather [spmem:s3], $0x40, s22, s17, $0xb8;
	[tilespmem:$0x1C590] =	vst v63  }
0x3b: {  	s26 =	simm.s32 $0x27B0  }
0x3c: {  	[tilespmem:s30], [sflag:$0x3] =	stream.indirect.gather [spmem:s3], $0x40, s26, s17, $0xb8;
	[tilespmem:$0x1C590] =	vst v63  }
0x3d: {  	s31 =	simm.s32 $0x4EC0  }
0x3e: {  	[tilespmem:s0], [sflag:$0x3] =	stream.indirect.gather [spmem:s3], $0x40, s31, s17, $0xb8;
	[tilespmem:$0x1C590] =	vst v63  }
0x3f: {  	s29 =	simm.s32 $0x0;
	s13 =	simm.f32 $0.0e+00;
	s26 =	spop (v2sf)  }
.LBB2_2:
0x40: {  	_ =	swait.ge [sflag:s2], $0x1400  }
0x41: {  	[sflag:s2] =	ssyncset.done $0x0  }
0x42: {  	[sflag:s2] =	ssyncadd.s32 $0xFFFFEC00  }
0x43: {  	_ =	swait.ge [sflag:s2], $0x1400  }
0x44: {  	[sflag:s2] =	ssyncset.done $0x0  }
0x45: {  	[sflag:s2] =	ssyncadd.s32 $0xFFFFEC00  }
0x46: {  	_ =	swait.ge [sflag:s2], $0x1400  }
0x47: {  	[sflag:s2] =	ssyncset.done $0x0  }
0x48: {  	s5 =	simm.s32 $0x8A30;
	[sflag:s2] =	ssyncadd.s32 $0xFFFFEC00  }
0x49: {  	v1 =	vld [tilespmem:s5+$0x90]  }
0x4a: {  	v0 =	vld [tilespmem:s5+$0xA0]  }
0x4b: {  	v2 =	vld [tilespmem:s5+$0x70]  }
0x4c: {  	s12 =	simm.s32 $0x9E30;
	v3 =	vld [tilespmem:s5+$0x30]  }
0x4d: {  	v4 =	vld [tilespmem:s12+$0x30]  }
0x4e: {  	v6 =	vld [tilespmem:s5+$0x80]  }
0x4f: {  	v8 =	vld [tilespmem:s12+$0x80]  }
0x50: {  	v9 =	vld [tilespmem:s5+$0x50]  }
0x51: {  	v10 =	vld [tilespmem:s12+$0x50]  }
0x52: {  	v11 =	vld [tilespmem:s5+$0x40]  }
0x53: {  	v12 =	vld [tilespmem:s12+$0x40]  }
0x54: {  	v13 =	vld [tilespmem:s5+$0xFFFFFFD0]  }
0x55: {  	s22 =	simm.s32 $0x7630;
	v14 =	vld [tilespmem:s12+$0xFFFFFFD0]  }
0x56: {  	v15 =	vld [tilespmem:s22+$0xFFFFFF60]  }
0x57: {  	v16 =	vld [tilespmem:s22+$0xFFFFFFB0]  }
0x58: {  	v17 =	vld [tilespmem:s5+$0xFFFFFFB0]  }
0x59: {  	v18 =	vld [tilespmem:s12+$0xFFFFFFB0]  }
0x5a: {  	v19 =	vld [tilespmem:s22+$0xFFFFFFA0]  }
0x5b: {  	v20 =	vld [tilespmem:s5+$0xFFFFFFA0]  }
0x5c: {  	v21 =	vld [tilespmem:s12+$0xFFFFFFA0]  }
0x5d: {  	v22 =	vld [tilespmem:s22+$0xFFFFFF90]  }
0x5e: {  	v23 =	vld [tilespmem:s5+$0xFFFFFF90]  }
0x5f: {  	v24 =	vld [tilespmem:s12+$0xFFFFFF90]  }
0x60: {  	v25 =	vld [tilespmem:s22+$0xFFFFFF80]  }
0x61: {  	v26 =	vld [tilespmem:s5+$0xFFFFFF60]  }
0x62: {  	v27 =	vld [tilespmem:s12+$0xFFFFFF60]  }
0x63: {  	v28 =	vld [tilespmem:s22+$0xFFFFFF50]  }
0x64: {  	v29 =	vld [tilespmem:s5+$0xFFFFFF30]  }
0x65: {  	v30 =	vld [tilespmem:s5+$0xFFFFFF80]  }
0x66: {  	v31 =	vld [tilespmem:s12+$0xFFFFFF80]  }
0x67: {  	v32 =	vld [tilespmem:s5+$0xFFFFFF50]  }
0x68: {  	v33 =	vld [tilespmem:s12+$0xFFFFFF50]  }
0x69: {  	v34 =	vld [tilespmem:s22+$0xFFFFFF40]  }
0x6a: {  	v35 =	vld [tilespmem:s5+$0xFFFFFF20]  }
0x6b: {  	v52 =	vld [tilespmem:s22+$0xFFFFFF00]  }
0x6c: {  	v55 =	vld [tilespmem:s5+$0xFFFFFF40]  }
0x6d: {  	v58 =	vld [tilespmem:s12+$0xFFFFFF40];
	v3 =	vsub.bf16 v4, v3  }
0x6e: {  	v59 =	vld [tilespmem:s5+$0xFFFFFF00];
	v4 =	vsub.bf16 v8, v6;
	v6 =	vsub.bf16 v10, v9  }
0x6f: {  	v63 =	vld [tilespmem:s12+$0xFFFFFF00];
	v8 =	vsub.bf16 v12, v11;
	v53 =	vsub.bf16 v18, v17  }
0x70: {  	v36 =	vld [tilespmem:s12+$0xFFFFFF10];
	v54 =	vsub.bf16 v31, v30;
	v56 =	vsub.bf16 v21, v20  }
0x71: {  	v38 =	vld [tilespmem:s12+$0xFFFFFF20];
	v57 =	vsub.bf16 v24, v23;
	v13 =	vsub.bf16 v14, v13  }
0x72: {  	v42 =	vld [tilespmem:s12+$0xFFFFFF30];
	v62 =	vsub.bf16 v27, v26;
	v30 =	vsub.bf16 v33, v32  }
0x73: {  	v40 =	vld [tilespmem:s22+$0xFFFFFF10];
	v12 =	vsub.bf16 v58, v55;
	v10 =	vmul.bf16 v53, v16;
	v11 =	vmul.bf16 v54, v25  }
0x74: {  	v43 =	vld [tilespmem:s22+$0xFFFFFF20];
	v14 =	vsub.bf16 v63, v59;
	v60 =	vmul.bf16 v56, v19;
	v61 =	vmul.bf16 v57, v22  }
0x75: {  	v46 =	vld [tilespmem:s22+$0xFFFFFF30];
	v15 =	vmul.bf16 v62, v15;
	v39 =	vmul.bf16 v30, v28  }
0x76: {  	v50 =	vld [tilespmem:s5+$0xFFFFFFC0];
	v47 =	vsub.bf16 v38, v35;
	v12 =	vmul.bf16 v12, v34;
	v9 =	vmul.bf16 v14, v52  }
0x77: {  	v32 =	vld [tilespmem:s5+$0xFFFFFF10];
	v52 =	vsub.bf16 v42, v29;
	v31 =	vunpack.i.u.bf16.f32 v11;
	v11 =	vunpack.i.l.bf16.f32 v11  }
0x78: {  	v24 =	vld [tilespmem:s5+$0xFFFFFFF0];
	v37 =	vunpack.i.u.bf16.f32 v61;
	v17 =	vunpack.i.l.bf16.f32 v61;
	v41 =	vunpack.i.u.bf16.f32 v60  }
0x79: {  	v58 =	vld [tilespmem:s12+$0xFFFFFF70];
	v16 =	vunpack.i.l.bf16.f32 v60;
	v44 =	vunpack.i.u.bf16.f32 v10;
	v10 =	vunpack.i.l.bf16.f32 v10  }
0x7a: {  	v35 =	vld [tilespmem:s12+$0xFFFFFFF0];
	v48 =	vunpack.i.u.bf16.f32 v12;
	v12 =	vunpack.i.l.bf16.f32 v12;
	v49 =	vunpack.i.u.bf16.f32 v9  }
0x7b: {  	v53 =	vld [tilespmem:s12+$0xFFFFFFC0];
	v9 =	vunpack.i.l.bf16.f32 v9;
	v55 =	vunpack.i.u.bf16.f32 v15;
	v14 =	vmul.bf16 v52, v46  }
0x7c: {  	v56 =	vld [tilespmem:s5+$0xFFFFFF70];
	v59 =	vunpack.i.u.bf16.f32 v39;
	v11 =	vadd.f32 $0.0e+00, v11;
	v33 =	vadd.f32 $0.0e+00, v31  }
0x7d: {  	v29 =	vld [tilespmem:s22+$0x80];
	v20 =	vunpack.i.l.bf16.f32 v39;
	v45 =	vsub.bf16 v36, v32;
	v12 =	vadd.f32 $0.0e+00, v12  }
0x7e: {  	v54 =	vld [tilespmem:s22+$0xFFFFFFC0];
	v15 =	vunpack.i.l.bf16.f32 v15;
	v25 =	vadd.f32 $0.0e+00, v49;
	v23 =	vadd.f32 $0.0e+00, v48  }
0x7f: {  	v60 =	vld [tilespmem:s22+$0xFFFFFFD0];
	v9 =	vadd.f32 $0.0e+00, v9;
	v63 =	vunpack.i.u.bf16.f32 v14;
	v18 =	vadd.f32 v37, v33  }
0x80: {  	v52 =	vld [tilespmem:s22+$0x40];
	v14 =	vunpack.i.l.bf16.f32 v14;
	v11 =	vadd.f32 v17, v11;
	v22 =	vadd.f32 v59, v23  }
0x81: {  	v36 =	vld [tilespmem:s22+$0xFFFFFF70];
	v51 =	vmul.bf16 v45, v40;
	v19 =	vsub.bf16 v53, v50;
	v12 =	vadd.f32 v20, v12  }
0x82: {  	v31 =	vld [tilespmem:s12+$0x90];
	v40 =	vsub.bf16 v58, v56;
	v4 =	vmul.bf16 v4, v29;
	v17 =	vadd.f32 v41, v18  }
0x83: {  	v5 =	vld [tilespmem:s5+$0x20];
	v11 =	vadd.f32 v16, v11;
	v57 =	vunpack.i.u.bf16.f32 v51;
	v16 =	vmul.bf16 v47, v43  }
0x84: {  	v7 =	vld [tilespmem:s5+$0x10];
	v22 =	vadd.f32 v55, v22;
	v34 =	vmul.bf16 v19, v54;
	v13 =	vmul.bf16 v13, v60  }
0x85: {  	v62 =	vld [tilespmem:s5+$0xFFFFFFE0];
	v12 =	vadd.f32 v15, v12;
	v19 =	vsub.bf16 v35, v24;
	v8 =	vmul.bf16 v8, v52  }
0x86: {  	v33 =	vld [tilespmem:s12+$0xFFFFFFE0];
	v25 =	vadd.f32 v57, v25;
	v10 =	vadd.f32 v10, v11;
	v11 =	vunpack.i.l.bf16.f32 v51  }
0x87: {  	v50 =	vld [tilespmem:s12+$0x20];
	v15 =	vmul.bf16 v40, v36;
	v1 =	vsub.bf16 v31, v1;
	v9 =	vadd.f32 v11, v9  }
0x88: {  	v27 =	vld [tilespmem:s22+$0x60];
	v17 =	vadd.f32 v44, v17;
	v61 =	vunpack.i.u.bf16.f32 v16;
	v16 =	vunpack.i.l.bf16.f32 v16  }
0x89: {  	v42 =	vld [tilespmem:s22+$0xFFFFFFF0];
	v38 =	vunpack.i.u.bf16.f32 v34;
	v23 =	vadd.f32 v61, v25;
	v9 =	vadd.f32 v16, v9  }
0x8a: {  	v39 =	vld [tilespmem:s5+$0x0];
	v43 =	vunpack.i.u.bf16.f32 v13;
	v28 =	vunpack.i.u.bf16.f32 v8;
	v8 =	vunpack.i.l.bf16.f32 v8  }
0x8b: {  	v37 =	vld [tilespmem:s22+$0xFFFFFFE0];
	v11 =	vunpack.i.l.bf16.f32 v34;
	v45 =	vadd.f32 v63, v23;
	v9 =	vadd.f32 v14, v9  }
0x8c: {  	v59 =	vld [tilespmem:s22+$0x50];
	v26 =	vsub.bf16 v33, v62;
	v51 =	vunpack.i.u.bf16.f32 v15;
	v5 =	vsub.bf16 v50, v5  }
0x8d: {  	v46 =	vld [tilespmem:s22+$0x0];
	v15 =	vunpack.i.l.bf16.f32 v15;
	v8 =	vadd.f32 $0.0e+00, v8;
	v9 =	vadd.f32 v9, v45  }
0x8e: {  	v56 =	vld [tilespmem:s22+$0x20];
	v13 =	vunpack.i.l.bf16.f32 v13;
	v11 =	vadd.f32 $0.0e+00, v11;
	v12 =	vadd.f32 v15, v12  }
0x8f: {  	v41 =	vld [tilespmem:s12+$0x0];
	v54 =	vmul.bf16 v19, v42;
	v53 =	vadd.f32 v51, v22;
	v16 =	vadd.f32 $0.0e+00, v38;
	(xrf2) =	vadd.scan.msk.f32 $0xffff, v9  }
0x90: {  	v44 =	vld [tilespmem:s12+$0x10];
	v10 =	vadd.f32 v10, v17;
	v48 =	vmul.bf16 v26, v37;
	v11 =	vadd.f32 v13, v11  }
0x91: {  	v62 =	vld [tilespmem:s5+$0x60];
	v6 =	vmul.bf16 v6, v59;
	v12 =	vadd.f32 v12, v53;
	v47 =	vadd.f32 v43, v16  }
0x92: {  	v25 =	vld [tilespmem:s12+$0x60];
	v61 =	vunpack.i.l.bf16.f32 v54;
	v55 =	vunpack.i.l.bf16.f32 v48;
	v60 =	vunpack.i.u.bf16.f32 v48;
	(xrf2) =	vadd.scan.msk.f32 $0xffff, v10  }
0x93: {  	v33 =	vld [tilespmem:s12+$0xA0];
	v17 =	vunpack.i.u.bf16.f32 v54;
	v57 =	vadd.f32 v55, v11;
	v63 =	vadd.f32 v60, v47;
	(xrf2) =	vadd.scan.msk.f32 $0xffff, v12  }
0x94: {  	v34 =	vld [tilespmem:s22+$0x90];
	v18 =	vsub.bf16 v41, v39;
	v5 =	vmul.bf16 v5, v56;
	v32 =	vunpack.i.u.bf16.f32 v6  }
0x95: {  	v30 =	vld [tilespmem:s22+$0x70];
	v6 =	vunpack.i.l.bf16.f32 v6;
	v9 =	vadd.f32 v61, v57;
	v10 =	vadd.f32 v17, v63  }
0x96: {  	v49 =	vld [tilespmem:s22+$0x10];
	v6 =	vadd.f32 v6, v8;
	v7 =	vsub.bf16 v44, v7;
	v58 =	vmul.bf16 v18, v46  }
0x97: {  	v26 =	vld [tilespmem:s12+$0x70];
	v35 =	vunpack.i.u.bf16.f32 v5;
	v5 =	vunpack.i.l.bf16.f32 v5;
	v9 =	vadd.f32 v9, v10  }
0x98: {  	v59 =	vld [tilespmem:s12+$0xE0];
	v43 =	vunpack.i.u.bf16.f32 v4;
	v4 =	vunpack.i.l.bf16.f32 v4;
	v15 =	vsub.bf16 v25, v62  }
0x99: {  	v51 =	vld [tilespmem:s22+$0xB0];
	v0 =	vsub.bf16 v33, v0;
	v1 =	vmul.bf16 v1, v34;
	v4 =	vadd.f32 $0.0e+00, v4;
	v36, _, _ =	vpop (xrf2);
	(xrf2) =	vadd.scan.msk.f32 $0xffff, v9  }
0x9a: {  	v38 =	vld [tilespmem:s22+$0xA0];
	v24 =	vunpack.i.u.bf16.f32 v58;
	v11 =	vunpack.i.l.bf16.f32 v58;
	v45 =	vadd.f32 $0.0e+00, v43  }
0x9b: {  	v37 =	vld [tilespmem:s22+$0x30];
	v7 =	vmul.bf16 v7, v49;
	v11 =	vadd.f32 $0.0e+00, v11;
	v13 =	vadd.f32 $0.0e+00, v24  }
0x9c: {  	v54 =	vld [tilespmem:s22+$0xC0];
	v2 =	vsub.bf16 v26, v2;
	v14 =	vmul.bf16 v15, v27;
	(v2sf) =	vpush v36, $0xF;
	v39, _, _ =	vpop (xrf2)  }
0x9d: {  	v41 =	vld [tilespmem:s5+$0xF0];
	v47 =	vunpack.i.u.bf16.f32 v1;
	v1 =	vunpack.i.l.bf16.f32 v1;
	(v2sf) =	vpush v39, $0xF;
	v42, _, _ =	vpop (xrf2)  }
0x9e: {  	v8 =	vld [tilespmem:s5+$0xC0];
	v20 =	vunpack.i.u.bf16.f32 v7;
	v7 =	vunpack.i.l.bf16.f32 v7;
	(v2sf) =	vpush v42, $0xF  }
0x9f: {  	v44 =	vld [tilespmem:s5+$0xD0];
	v0 =	vmul.bf16 v0, v38;
	v1 =	vadd.f32 v1, v4;
	v7 =	vadd.f32 v7, v11  }
0xa0: {  	v49 =	vld [tilespmem:s12+$0xC0];
	v3 =	vmul.bf16 v3, v37;
	v11 =	vadd.f32 $0.0e+00, v28;
	v13 =	vadd.f32 v20, v13  }
0xa1: {  	v46 =	vld [tilespmem:s12+$0xB0];
	v48 =	vunpack.i.l.bf16.f32 v14;
	v52 =	vunpack.i.u.bf16.f32 v0;
	v0 =	vunpack.i.l.bf16.f32 v0  }
0xa2: {  	v58 =	vld [tilespmem:s12+$0xF0];
	v40 =	vunpack.i.u.bf16.f32 v14;
	v6 =	vadd.f32 v48, v6;
	v0 =	vadd.f32 v0, v1  }
0xa3: {  	v55 =	vld [tilespmem:s12+$0xD0];
	v2 =	vmul.bf16 v2, v30;
	v11 =	vadd.f32 v32, v11;
	v5 =	vadd.f32 v5, v7;
	v56, _, _ =	vpop (xrf2)  }
0xa4: {  	v50 =	vunpack.i.l.bf16.f32 v3;
	v7 =	vld [tilespmem:s5+$0xB0];
	v12 =	vadd.f32 v35, v13;
	(v2sf) =	vpush v56, $0xF  }
0xa5: {  	v4 =	vld [tilespmem:s5+$0xE0];
	v3 =	vunpack.i.u.bf16.f32 v3;
	v8 =	vsub.bf16 v49, v8;
	v11 =	vadd.f32 v40, v11  }
0xa6: {  	v57 =	vld [tilespmem:s22+$0xD0];
	v53 =	vunpack.i.l.bf16.f32 v2;
	v5 =	vadd.f32 v50, v5;
	v3 =	vadd.f32 v3, v12  }
0xa7: {  	v2 =	vunpack.i.u.bf16.f32 v2;
	v10 =	vsub.bf16 v58, v41;
	v6 =	vadd.f32 v53, v6  }
0xa8: {  	v2 =	vadd.f32 v2, v11;
	v3 =	vadd.f32 v5, v3  }
0xa9: {  	v5 =	vsub.bf16 v55, v44;
	v7 =	vsub.bf16 v46, v7  }
0xaa: {  	v6 =	vadd.f32 v6, v2;
	v2 =	vmul.bf16 v8, v54;
	v8 =	vld [tilespmem:s22+$0xF0];
	v9 =	vadd.f32 v47, v45;
	(xrf2) =	vadd.scan.msk.f32 $0xffff, v3  }
0xab: {  	v60 =	vld [tilespmem:s22+$0xE0];
	v4 =	vsub.bf16 v59, v4;
	v5 =	vmul.bf16 v5, v57;
	v7 =	vmul.bf16 v7, v51;
	s10 =	spop (v2sf)  }
0xac: {  	v61 =	vunpack.i.u.bf16.f32 v2;
	v2 =	vunpack.i.l.bf16.f32 v2;
	v1 =	vadd.f32 v52, v9;
	s5 =	sadd.f32 s10, s26;
	s6 =	spop (v2sf)  }
0xad: {  	v62 =	vunpack.i.u.bf16.f32 v7;
	v7 =	vunpack.i.l.bf16.f32 v7;
	v9 =	vadd.f32 $0.0e+00, v61;
	s7 =	spop (v2sf)  }
0xae: {  	v63 =	vadd.f32 $0.0e+00, v2;
	v7 =	vadd.f32 v7, v0;
	(xrf2) =	vadd.scan.msk.f32 $0xffff, v6;
	s5 =	smax.f32 s5, $0.0e+00;
	s7 =	sadd.f32 s7, s26  }
0xaf: {  	v0 =	vunpack.i.u.bf16.f32 v5;
	v1 =	vadd.f32 v62, v1;
	v2 =	vmul.bf16 v10, v8;
	s8 =	sadd.f32 s5, s13  }
0xb0: {  	v8 =	vunpack.i.l.bf16.f32 v5;
	v3 =	vadd.f32 v0, v9;
	v0 =	vmul.bf16 v4, v60;
	s5 =	sadd.f32 s6, s26;
	s15 =	smax.f32 s7, $0.0e+00  }
0xb1: {  	s31 =	simm.s32 $0x8C30;
	v5 =	vadd.f32 v7, v1;
	v4 =	vunpack.i.u.bf16.f32 v2;
	v6 =	vadd.f32 v8, v63;
	s13 =	simm.s32 $0x0;
	s6 =	sadd.f32 s15, s8  }
.LBB2_3:
0xb2: {  	v1 =	vld [tilespmem:s31+$0x90];
	s13 =	sadd.s32 $0x8, s13;
	v7 =	vunpack.i.u.bf16.f32 v0;
	v8 =	vunpack.i.l.bf16.f32 v0;
	s22 =	sadd.s32 $0x200, s22;
	s12 =	sadd.s32 $0x200, s12  }
0xb3: {  	s5 =	smax.f32 s5, $0.0e+00;
	v0 =	vld [tilespmem:s31+$0xA0];
	p0 =	slt.u32 s13, $0x48;
	v6 =	vadd.f32 v8, v6;
	v7 =	vadd.f32 v7, v3;
	s7 =	spop (v2sf);
	(xrf2) =	vadd.scan.msk.f32 $0xffff, v5  }
0xb4: {  	s5 =	sadd.f32 s5, s6;
	v3 =	vld [tilespmem:s31+$0x70];
	v5, _, _ =	vpop (xrf2)  }
0xb5: {  	v2 =	vunpack.i.l.bf16.f32 v2;
	s6 =	sadd.f32 s7, s26;
	v8 =	vld [tilespmem:s31+$0x30];
	(v2sf) =	vpush v5, $0xF  }
0xb6: {  	v2 =	vadd.f32 v2, v6;
	v5 =	vadd.f32 v4, v7;
	v9 =	vld [tilespmem:s12+$0x30]  }
0xb7: {  	s6 =	smax.f32 s6, $0.0e+00;
	v6 =	vld [tilespmem:s31+$0x80]  }
0xb8: {  	s5 =	sadd.f32 s6, s5;
	v2 =	vadd.f32 v2, v5;
	v7 =	vld [tilespmem:s12+$0x80];
	v4, _, _ =	vpop (xrf2)  }
0xb9: {  	v10 =	vld [tilespmem:s31+$0x50]  }
0xba: {  	v11 =	vld [tilespmem:s12+$0x50];
	(xrf2) =	vadd.scan.msk.f32 $0xffff, v2  }
0xbb: {  	v5 =	vld [tilespmem:s31+$0x20];
	v2 =	vsub.bf16 v9, v8  }
0xbc: {  	v12 =	vld [tilespmem:s31+$0x40];
	(v2sf) =	vpush v4, $0xF  }
0xbd: {  	v13 =	vld [tilespmem:s12+$0x40];
	v4 =	vsub.bf16 v7, v6;
	v6, _, _ =	vpop (xrf2)  }
0xbe: {  	v8 =	vld [tilespmem:s31+$0x10];
	(v2sf) =	vpush v6, $0xF  }
0xbf: {  	v9 =	vld [tilespmem:s31+$0xFFFFFFF0];
	v6 =	vsub.bf16 v11, v10  }
0xc0: {  	v10 =	vld [tilespmem:s31+$0xFFFFFFD0]  }
0xc1: {  	v11 =	vld [tilespmem:s12+$0xFFFFFFD0]  }
0xc2: {  	v14 =	vld [tilespmem:s22+$0xFFFFFF60];
	v7 =	vsub.bf16 v13, v12  }
0xc3: {  	v12 =	vld [tilespmem:s22+$0xFFFFFFB0]  }
0xc4: {  	v13 =	vld [tilespmem:s31+$0xFFFFFFB0];
	s6 =	spop (v2sf);
	v15, _, _ =	vpop (xrf2)  }
0xc5: {  	v16 =	vld [tilespmem:s12+$0xFFFFFFB0];
	s6 =	sadd.f32 s6, s26;
	(v2sf) =	vpush v15, $0xF  }
0xc6: {  	v15 =	vld [tilespmem:s22+$0xFFFFFFA0];
	v10 =	vsub.bf16 v11, v10  }
0xc7: {  	v11 =	vld [tilespmem:s31+$0xFFFFFFA0];
	s6 =	smax.f32 s6, $0.0e+00  }
0xc8: {  	v17 =	vld [tilespmem:s12+$0xFFFFFFA0];
	s5 =	sadd.f32 s6, s5  }
0xc9: {  	v18 =	vld [tilespmem:s22+$0xFFFFFF90]  }
0xca: {  	v19 =	vld [tilespmem:s31+$0xFFFFFF90];
	v13 =	vsub.bf16 v16, v13  }
0xcb: {  	v16 =	vld [tilespmem:s12+$0xFFFFFF90];
	s6 =	spop (v2sf)  }
0xcc: {  	v20 =	vld [tilespmem:s22+$0xFFFFFF80];
	v12 =	vmul.bf16 v13, v12;
	s6 =	sadd.f32 s6, s26  }
0xcd: {  	v13 =	vld [tilespmem:s31+$0xFFFFFF60];
	v11 =	vsub.bf16 v17, v11;
	s7 =	spop (v2sf)  }
0xce: {  	v17 =	vld [tilespmem:s12+$0xFFFFFF60];
	s6 =	smax.f32 s6, $0.0e+00;
	s7 =	sadd.f32 s7, s26  }
0xcf: {  	v21 =	vld [tilespmem:s22+$0xFFFFFF50];
	v11 =	vmul.bf16 v11, v15;
	s5 =	sadd.f32 s6, s5  }
0xd0: {  	v15 =	vld [tilespmem:s31+$0xFFFFFF30];
	v16 =	vsub.bf16 v16, v19;
	s6 =	smax.f32 s7, $0.0e+00  }
0xd1: {  	v19 =	vld [tilespmem:s31+$0xFFFFFF80];
	s5 =	sadd.f32 s6, s5  }
0xd2: {  	v22 =	vld [tilespmem:s12+$0xFFFFFF80];
	v16 =	vmul.bf16 v16, v18  }
0xd3: {  	v18 =	vld [tilespmem:s31+$0xFFFFFF50];
	v13 =	vsub.bf16 v17, v13  }
0xd4: {  	v17 =	vld [tilespmem:s12+$0xFFFFFF50];
	s6 =	spop (v2sf)  }
0xd5: {  	v23 =	vld [tilespmem:s22+$0xFFFFFF40];
	v13 =	vmul.bf16 v13, v14;
	s6 =	sadd.f32 s6, s26  }
0xd6: {  	v14 =	vld [tilespmem:s31+$0xFFFFFF20]  }
0xd7: {  	v24 =	vld [tilespmem:s22+$0xFFFFFF00];
	v19 =	vsub.bf16 v22, v19;
	s6 =	smax.f32 s6, $0.0e+00  }
0xd8: {  	v22 =	vld [tilespmem:s31+$0xFFFFFF40];
	s6 =	sadd.f32 s6, s5  }
0xd9: {  	v25 =	vld [tilespmem:s12+$0xFFFFFF40];
	v17 =	vsub.bf16 v17, v18;
	v18 =	vmul.bf16 v19, v20  }
0xda: {  	v19 =	vld [tilespmem:s31+$0xFFFFFF00]  }
0xdb: {  	v20 =	vld [tilespmem:s12+$0xFFFFFF00];
	v17 =	vmul.bf16 v17, v21;
	v21 =	vunpack.i.u.bf16.f32 v18;
	v18 =	vunpack.i.l.bf16.f32 v18  }
0xdc: {  	v26 =	vld [tilespmem:s31+$0xFFFFFF10];
	v18 =	vadd.f32 $0.0e+00, v18;
	v21 =	vadd.f32 $0.0e+00, v21  }
0xdd: {  	v28 =	vunpack.i.u.bf16.f32 v16;
	v27 =	vld [tilespmem:s12+$0xFFFFFF10]  }
0xde: {  	v16 =	vunpack.i.l.bf16.f32 v16;
	v29 =	vld [tilespmem:s12+$0xFFFFFF20];
	v22 =	vsub.bf16 v25, v22;
	v21 =	vadd.f32 v28, v21  }
0xdf: {  	v16 =	vadd.f32 v16, v18;
	v18 =	vunpack.i.u.bf16.f32 v11;
	v11 =	vunpack.i.l.bf16.f32 v11;
	v25 =	vld [tilespmem:s22+$0xFFFFFF10]  }
0xe0: {  	v19 =	vsub.bf16 v20, v19;
	v20 =	vld [tilespmem:s12+$0xFFFFFF30];
	v22 =	vmul.bf16 v22, v23;
	v18 =	vadd.f32 v18, v21  }
0xe1: {  	v11 =	vadd.f32 v11, v16;
	v16 =	vunpack.i.u.bf16.f32 v12;
	v12 =	vunpack.i.l.bf16.f32 v12;
	v21 =	vld [tilespmem:s22+$0xFFFFFF20]  }
0xe2: {  	v19 =	vmul.bf16 v19, v24;
	v23 =	vsub.bf16 v27, v26;
	v24 =	vld [tilespmem:s22+$0xFFFFFF30];
	v16 =	vadd.f32 v16, v18  }
0xe3: {  	v18 =	vunpack.i.u.bf16.f32 v22;
	v22 =	vunpack.i.l.bf16.f32 v22;
	v14 =	vsub.bf16 v29, v14;
	v26 =	vld [tilespmem:s22+$0xFFFFFFC0]  }
0xe4: {  	v11 =	vadd.f32 v12, v11;
	v27 =	vunpack.i.u.bf16.f32 v19;
	v19 =	vunpack.i.l.bf16.f32 v19;
	v12 =	vld [tilespmem:s31+$0xFFFFFFC0]  }
0xe5: {  	v23 =	vmul.bf16 v23, v25;
	v15 =	vsub.bf16 v20, v15;
	v20 =	vadd.f32 $0.0e+00, v22;
	v22 =	vld [tilespmem:s12+$0xFFFFFFC0]  }
0xe6: {  	v18 =	vadd.f32 $0.0e+00, v18;
	v25 =	vadd.f32 $0.0e+00, v27;
	v27 =	vunpack.i.u.bf16.f32 v13;
	v28 =	vld [tilespmem:s31+$0xFFFFFF70]  }
0xe7: {  	v29 =	vunpack.i.u.bf16.f32 v23;
	v14 =	vmul.bf16 v14, v21;
	v15 =	vmul.bf16 v15, v24;
	v21 =	vld [tilespmem:s12+$0xFFFFFF70]  }
0xe8: {  	v23 =	vunpack.i.l.bf16.f32 v23;
	v24 =	vadd.f32 v29, v25;
	v25 =	vunpack.i.u.bf16.f32 v17;
	v29 =	vld [tilespmem:s22+$0xFFFFFFD0]  }
0xe9: {  	v30 =	vunpack.i.u.bf16.f32 v14;
	v14 =	vunpack.i.l.bf16.f32 v14;
	v18 =	vadd.f32 v25, v18;
	v25 =	vld [tilespmem:s22+$0xFFFFFF70]  }
0xea: {  	v19 =	vadd.f32 $0.0e+00, v19;
	v17 =	vunpack.i.l.bf16.f32 v17;
	v12 =	vsub.bf16 v22, v12;
	v22 =	vld [tilespmem:s31+$0xFFFFFFE0]  }
0xeb: {  	v31 =	vunpack.i.u.bf16.f32 v15;
	v15 =	vunpack.i.l.bf16.f32 v15;
	v18 =	vadd.f32 v27, v18;
	v27 =	vld [tilespmem:s12+$0xFFFFFFE0]  }
0xec: {  	v19 =	vadd.f32 v23, v19;
	v23 =	vadd.f32 v30, v24;
	v12 =	vmul.bf16 v12, v26;
	v24 =	vld [tilespmem:s12+$0xFFFFFFF0]  }
0xed: {  	v13 =	vunpack.i.l.bf16.f32 v13;
	v17 =	vadd.f32 v17, v20;
	v10 =	vmul.bf16 v10, v29;
	v20 =	vld [tilespmem:s22+$0xFFFFFFE0]  }
0xee: {  	v14 =	vadd.f32 v14, v19;
	v19 =	vunpack.i.u.bf16.f32 v12;
	v12 =	vunpack.i.l.bf16.f32 v12;
	v26 =	vld [tilespmem:s31+$0x0]  }
0xef: {  	v13 =	vadd.f32 v13, v17;
	v17 =	vsub.bf16 v21, v28;
	v21 =	vld [tilespmem:s22+$0xFFFFFFF0]  }
0xf0: {  	v12 =	vadd.f32 $0.0e+00, v12;
	v19 =	vadd.f32 $0.0e+00, v19;
	v28 =	vunpack.i.u.bf16.f32 v10;
	v29 =	vld [tilespmem:s12+$0x0]  }
0xf1: {  	v10 =	vunpack.i.l.bf16.f32 v10;
	v22 =	vsub.bf16 v27, v22;
	v9 =	vsub.bf16 v24, v9;
	v24 =	vld [tilespmem:s12+$0x10]  }
0xf2: {  	v14 =	vadd.f32 v15, v14;
	v15 =	vadd.f32 v31, v23;
	v17 =	vmul.bf16 v17, v25;
	v23 =	vld [tilespmem:s22+$0x0]  }
0xf3: {  	v10 =	vadd.f32 v10, v12;
	v12 =	vadd.f32 v28, v19;
	v19 =	vmul.bf16 v22, v20;
	v20 =	vld [tilespmem:s22+$0x10]  }
0xf4: {  	v11 =	vadd.f32 v11, v16;
	v14 =	vadd.f32 v14, v15;
	v9 =	vmul.bf16 v9, v21;
	v15 =	vld [tilespmem:s12+$0x20]  }
0xf5: {  	v16 =	vunpack.i.u.bf16.f32 v17;
	v17 =	vunpack.i.l.bf16.f32 v17;
	v21 =	vsub.bf16 v29, v26;
	v22 =	vld [tilespmem:s22+$0x40]  }
0xf6: {  	v13 =	vadd.f32 v17, v13;
	v17 =	vunpack.i.l.bf16.f32 v19;
	v8 =	vsub.bf16 v24, v8;
	v24 =	vld [tilespmem:s22+$0x20];
	(xrf2) =	vadd.scan.msk.f32 $0xffff, v14  }
0xf7: {  	v10 =	vadd.f32 v17, v10;
	v14 =	vadd.f32 v16, v18;
	v16 =	vmul.bf16 v21, v23;
	v17 =	vld [tilespmem:s22+$0x50]  }
0xf8: {  	v18 =	vunpack.i.u.bf16.f32 v19;
	v19 =	vunpack.i.l.bf16.f32 v9;
	v8 =	vmul.bf16 v8, v20;
	v20 =	vld [tilespmem:s31+$0x60]  }
0xf9: {  	v12 =	vadd.f32 v18, v12;
	v18 =	vunpack.i.u.bf16.f32 v16;
	v16 =	vunpack.i.l.bf16.f32 v16;
	v21 =	vld [tilespmem:s12+$0x60];
	(xrf2) =	vadd.scan.msk.f32 $0xffff, v11  }
0xfa: {  	v11 =	vadd.f32 v13, v14;
	v13 =	vadd.f32 $0.0e+00, v16;
	v7 =	vmul.bf16 v7, v22;
	v14 =	vld [tilespmem:s12+$0x70]  }
0xfb: {  	v5 =	vsub.bf16 v15, v5;
	v16 =	vunpack.i.u.bf16.f32 v8;
	v8 =	vunpack.i.l.bf16.f32 v8;
	v15 =	vld [tilespmem:s22+$0x60]  }
0xfc: {  	v10 =	vadd.f32 v19, v10;
	v8 =	vadd.f32 v8, v13;
	v13 =	vunpack.i.u.bf16.f32 v7;
	v19 =	vld [tilespmem:s22+$0x80];
	(xrf2) =	vadd.scan.msk.f32 $0xffff, v11  }
0xfd: {  	v9 =	vunpack.i.u.bf16.f32 v9;
	v11 =	vadd.f32 $0.0e+00, v18;
	v6 =	vmul.bf16 v6, v17;
	v17 =	vld [tilespmem:s22+$0x70]  }
0xfe: {  	v9 =	vadd.f32 v9, v12;
	v5 =	vmul.bf16 v5, v24;
	v7 =	vunpack.i.l.bf16.f32 v7;
	v12 =	vld [tilespmem:s12+$0x90]  }
0xff: {  	v13 =	vadd.f32 $0.0e+00, v13;
	v18 =	vunpack.i.u.bf16.f32 v6;
	v20 =	vsub.bf16 v21, v20;
	v21 =	vld [tilespmem:s12+$0xA0]  }
0x100: {  	v9 =	vadd.f32 v10, v9;
	v6 =	vunpack.i.l.bf16.f32 v6;
	v3 =	vsub.bf16 v14, v3;
	v10 =	vld [tilespmem:s22+$0x90];
	v14, _, _ =	vpop (xrf2)  }
0x101: {  	v22 =	vunpack.i.u.bf16.f32 v5;
	v13 =	vadd.f32 v18, v13;
	v15 =	vmul.bf16 v20, v15;
	v23 =	vld [tilespmem:s22+$0x30]  }
0x102: {  	v5 =	vunpack.i.l.bf16.f32 v5;
	v7 =	vadd.f32 $0.0e+00, v7;
	v4 =	vmul.bf16 v4, v19;
	v18 =	vld [tilespmem:s22+$0xA0];
	(xrf2) =	vadd.scan.msk.f32 $0xffff, v9  }
0x103: {  	v9 =	vunpack.i.u.bf16.f32 v15;
	v1 =	vsub.bf16 v12, v1;
	(v2sf) =	vpush v14, $0xF;
	v12, _, _ =	vpop (xrf2)  }
0x104: {  	v11 =	vadd.f32 v16, v11;
	v19 =	vunpack.i.u.bf16.f32 v4;
	v16 =	vld [tilespmem:s31+$0xF0];
	(v2sf) =	vpush v12, $0xF  }
0x105: {  	v5 =	vadd.f32 v5, v8;
	v4 =	vunpack.i.l.bf16.f32 v4;
	v0 =	vsub.bf16 v21, v0;
	v8 =	vld [tilespmem:s31+$0xD0]  }
0x106: {  	v12 =	vadd.f32 $0.0e+00, v19;
	v1 =	vmul.bf16 v1, v10;
	v2 =	vmul.bf16 v2, v23;
	v10 =	vld [tilespmem:s31+$0xB0];
	v14, _, _ =	vpop (xrf2)  }
0x107: {  	v11 =	vadd.f32 v22, v11;
	v0 =	vmul.bf16 v0, v18;
	v18 =	vld [tilespmem:s12+$0xB0];
	(v2sf) =	vpush v14, $0xF  }
0x108: {  	v6 =	vadd.f32 v6, v7;
	v3 =	vmul.bf16 v3, v17;
	v7 =	vunpack.i.u.bf16.f32 v1;
	v14 =	vld [tilespmem:s31+$0xC0]  }
0x109: {  	v15 =	vunpack.i.l.bf16.f32 v15;
	v9 =	vadd.f32 v9, v13;
	v17 =	vunpack.i.l.bf16.f32 v2;
	v13 =	vld [tilespmem:s22+$0xB0]  }
0x10a: {  	v6 =	vadd.f32 v15, v6;
	v4 =	vadd.f32 $0.0e+00, v4;
	v15 =	vunpack.i.u.bf16.f32 v0;
	v19 =	vld [tilespmem:s12+$0xC0]  }
0x10b: {  	v22 =	vunpack.i.l.bf16.f32 v3;
	v1 =	vunpack.i.l.bf16.f32 v1;
	v0 =	vunpack.i.l.bf16.f32 v0;
	v21 =	vld [tilespmem:s12+$0xD0]  }
0x10c: {  	v6 =	vadd.f32 v22, v6;
	v2 =	vunpack.i.u.bf16.f32 v2;
	v5 =	vadd.f32 v17, v5;
	v17 =	vld [tilespmem:s22+$0xC0];
	v20, _, _ =	vpop (xrf2)  }
0x10d: {  	v3 =	vunpack.i.u.bf16.f32 v3;
	v1 =	vadd.f32 v1, v4;
	v4 =	vld [tilespmem:s31+$0xE0];
	(v2sf) =	vpush v20, $0xF  }
0x10e: {  	v3 =	vadd.f32 v3, v9;
	v7 =	vadd.f32 v7, v12;
	v9 =	vld [tilespmem:s22+$0xD0]  }
0x10f: {  	v2 =	vadd.f32 v2, v11;
	v11 =	vsub.bf16 v19, v14;
	v12 =	vld [tilespmem:s12+$0xE0]  }
0x110: {  	v6 =	vadd.f32 v6, v3;
	v3 =	vsub.bf16 v18, v10;
	v10 =	vld [tilespmem:s12+$0xF0]  }
0x111: {  	v2 =	vadd.f32 v5, v2;
	v8 =	vsub.bf16 v21, v8;
	v5 =	vmul.bf16 v11, v17;
	v11 =	vld [tilespmem:s22+$0xE0]  }
0x112: {  	s5 =	spop (v2sf)  }
0x113: {  	v0 =	vadd.f32 v0, v1;
	v1 =	vadd.f32 v15, v7;
	v3 =	vmul.bf16 v3, v13;
	s7 =	sadd.f32 s5, s26  }
0x114: {  	v7 =	vunpack.i.u.bf16.f32 v5;
	v8 =	vmul.bf16 v8, v9;
	v9 =	vld [tilespmem:s22+$0xF0];
	s5 =	spop (v2sf);
	(xrf2) =	vadd.scan.msk.f32 $0xffff, v2  }
0x115: {  	v2 =	vunpack.i.u.bf16.f32 v3;
	v3 =	vunpack.i.l.bf16.f32 v3;
	v5 =	vunpack.i.l.bf16.f32 v5;
	s5 =	sadd.f32 s5, s26;
	s7 =	smax.f32 s7, $0.0e+00  }
0x116: {  	v7 =	vadd.f32 $0.0e+00, v7;
	v10 =	vsub.bf16 v10, v16;
	s6 =	sadd.f32 s7, s6  }
.Ltmp0:
0x117: {  	v13 =	vadd.f32 v3, v0;
	v0 =	vunpack.i.u.bf16.f32 v8;
	v8 =	vunpack.i.l.bf16.f32 v8;
	s7 =	spop (v2sf);
	(pc) =	sbr.rel @p0 .LBB2_3-.Ltmp0, $4  }
0x118: {  	v3 =	vadd.f32 v0, v7;
	v0 =	vsub.bf16 v12, v4;
	s7 =	sadd.f32 s7, s26;
	(xrf2) =	vadd.scan.msk.f32 $0xffff, v6  }
0x119: {  	v1 =	vadd.f32 v2, v1;
	v4 =	vadd.f32 $0.0e+00, v5;
	v2 =	vmul.bf16 v10, v9  }
0x11a: {  	v0 =	vmul.bf16 v0, v11;
	s7 =	smax.f32 s7, $0.0e+00  }
0x11b: {  	s31 =	sadd.s32 $0x200, s31;
	v5 =	vadd.f32 v13, v1;
	v6 =	vadd.f32 v8, v4;
	s6 =	sadd.f32 s7, s6;
	v4 =	vunpack.i.u.bf16.f32 v2  }
0x11c: {  	v1 =	vunpack.i.u.bf16.f32 v0;
	v0 =	vunpack.i.l.bf16.f32 v0  }
0x11d: {  	v0 =	vadd.f32 v0, v6;
	v1 =	vadd.f32 v1, v3  }
0x11e: {  	v2 =	vunpack.i.l.bf16.f32 v2  }
0x11f: {  	v0 =	vadd.f32 v2, v0;
	v1 =	vadd.f32 v4, v1;
	_ =	sdelay $0x1  }
0x120: {  	v0 =	vadd.f32 v0, v1  }
0x121: {  	(xrf2) =	vadd.scan.msk.f32 $0xffff, v5  }
0x122: {  	(xrf2) =	vadd.scan.msk.f32 $0xffff, v0;
	_ =	sdelay $0x6  }
0x123: {  	v0, _, _ =	vpop (xrf2)  }
0x124: {  	(v2sf) =	vpush v0, $0xF;
	v0, _, _ =	vpop (xrf2)  }
0x125: {  	(v2sf) =	vpush v0, $0xF;
	v0, _, _ =	vpop (xrf2)  }
0x126: {  	(v2sf) =	vpush v0, $0xF;
	v0, _, _ =	vpop (xrf2)  }
0x127: {  	(v2sf) =	vpush v0, $0xF;
	_ =	sdelay $0x3  }
0x128: {  	s31 =	smul.u32 $0xF0, s29;
	_ =	sdelay $0x1  }
0x129: {  	s7 =	sadd.s32 $0xF0, s31  }
0x12a: {  	[tilespmem:s18], [sflag:$0x1] =	stream.indirect.gather [spmem:s3], $0x40, s7, s17, $0xb8;
	[tilespmem:$0x1C590] =	vst v63  }
0x12b: {  	s12 =	sadd.s32 $0x2800, s31  }
0x12c: {  	[tilespmem:s19], [sflag:$0x1] =	stream.indirect.gather [spmem:s3], $0x40, s12, s17, $0xb8;
	[tilespmem:$0x1C590] =	vst v63  }
0x12d: {  	s15 =	spop (v2sf);
	s10 =	sadd.s32 $0x4F10, s31  }
0x12e: {  	[tilespmem:s20], [sflag:$0x1] =	stream.indirect.gather [spmem:s3], $0x40, s10, s17, $0xb8;
	[tilespmem:$0x1C590] =	vst v63  }
0x12f: {  	s9 =	spop (v2sf)  }
0x130: {  	s8 =	spop (v2sf)  }
0x131: {  	s13 =	spop (v2sf)  }
0x132: {  	s7 =	spop (v2sf)  }
0x133: {  	_ =	swait.ge [sflag:s1], $0x1400  }
0x134: {  	[sflag:s1] =	ssyncset.done $0x0  }
0x135: {  	[sflag:s1] =	ssyncadd.s32 $0xFFFFEC00  }
0x136: {  	_ =	swait.ge [sflag:s1], $0x1400  }
0x137: {  	[sflag:s1] =	ssyncset.done $0x0  }
0x138: {  	[sflag:s1] =	ssyncadd.s32 $0xFFFFEC00  }
0x139: {  	_ =	swait.ge [sflag:s1], $0x1400  }
0x13a: {  	[sflag:s1] =	ssyncset.done $0x0  }
0x13b: {  	s10 =	simm.s32 $0xC630;
	[sflag:s1] =	ssyncadd.s32 $0xFFFFEC00  }
0x13c: {  	v1 =	vld [tilespmem:s10+$0x90]  }
0x13d: {  	v0 =	vld [tilespmem:s10+$0xA0]  }
0x13e: {  	v2 =	vld [tilespmem:s10+$0x70]  }
0x13f: {  	s22 =	simm.s32 $0xDA30;
	v3 =	vld [tilespmem:s10+$0x30]  }
0x140: {  	v4 =	vld [tilespmem:s22+$0x30]  }
0x141: {  	v6 =	vld [tilespmem:s10+$0x80]  }
0x142: {  	v8 =	vld [tilespmem:s22+$0x80]  }
0x143: {  	v9 =	vld [tilespmem:s10+$0x50]  }
0x144: {  	v10 =	vld [tilespmem:s22+$0x50]  }
0x145: {  	v5 =	vld [tilespmem:s10+$0x20]  }
0x146: {  	v11 =	vld [tilespmem:s10+$0x40]  }
0x147: {  	v12 =	vld [tilespmem:s22+$0x40]  }
0x148: {  	v7 =	vld [tilespmem:s10+$0x10]  }
0x149: {  	v13 =	vld [tilespmem:s10+$0xFFFFFFD0]  }
0x14a: {  	s12 =	simm.s32 $0xB230;
	v14 =	vld [tilespmem:s22+$0xFFFFFFD0]  }
0x14b: {  	v15 =	vld [tilespmem:s12+$0xFFFFFF60]  }
0x14c: {  	v16 =	vld [tilespmem:s12+$0xFFFFFFB0]  }
0x14d: {  	v17 =	vld [tilespmem:s10+$0xFFFFFFB0]  }
0x14e: {  	v18 =	vld [tilespmem:s22+$0xFFFFFFB0]  }
0x14f: {  	v19 =	vld [tilespmem:s12+$0xFFFFFFA0]  }
0x150: {  	v20 =	vld [tilespmem:s10+$0xFFFFFFA0]  }
0x151: {  	v21 =	vld [tilespmem:s22+$0xFFFFFFA0]  }
0x152: {  	v22 =	vld [tilespmem:s12+$0xFFFFFF90]  }
0x153: {  	v23 =	vld [tilespmem:s10+$0xFFFFFF90]  }
0x154: {  	v24 =	vld [tilespmem:s22+$0xFFFFFF90]  }
0x155: {  	v25 =	vld [tilespmem:s12+$0xFFFFFF80]  }
0x156: {  	v26 =	vld [tilespmem:s10+$0xFFFFFF60]  }
0x157: {  	v27 =	vld [tilespmem:s22+$0xFFFFFF60]  }
0x158: {  	v28 =	vld [tilespmem:s12+$0xFFFFFF50]  }
0x159: {  	v29 =	vld [tilespmem:s10+$0xFFFFFF30]  }
0x15a: {  	v30 =	vld [tilespmem:s10+$0xFFFFFF80]  }
0x15b: {  	v31 =	vld [tilespmem:s22+$0xFFFFFF80]  }
0x15c: {  	v32 =	vld [tilespmem:s10+$0xFFFFFF50]  }
0x15d: {  	v33 =	vld [tilespmem:s22+$0xFFFFFF50]  }
0x15e: {  	v34 =	vld [tilespmem:s12+$0xFFFFFF40]  }
0x15f: {  	v35 =	vld [tilespmem:s10+$0xFFFFFF20]  }
0x160: {  	v54 =	vld [tilespmem:s12+$0xFFFFFF00]  }
0x161: {  	v57 =	vld [tilespmem:s10+$0xFFFFFF40]  }
0x162: {  	v60 =	vld [tilespmem:s22+$0xFFFFFF40]  }
0x163: {  	v61 =	vld [tilespmem:s10+$0xFFFFFF00];
	v3 =	vsub.bf16 v4, v3;
	v4 =	vsub.bf16 v8, v6  }
0x164: {  	v39 =	vld [tilespmem:s22+$0xFFFFFF20];
	v6 =	vsub.bf16 v10, v9;
	v8 =	vsub.bf16 v12, v11  }
0x165: {  	v43 =	vld [tilespmem:s22+$0xFFFFFF30];
	v55 =	vsub.bf16 v18, v17;
	v56 =	vsub.bf16 v31, v30  }
0x166: {  	v37 =	vld [tilespmem:s22+$0xFFFFFF10];
	v58 =	vsub.bf16 v21, v20;
	v59 =	vsub.bf16 v24, v23  }
0x167: {  	v41 =	vld [tilespmem:s12+$0xFFFFFF10];
	v13 =	vsub.bf16 v14, v13;
	v27 =	vsub.bf16 v27, v26  }
0x168: {  	v44 =	vld [tilespmem:s12+$0xFFFFFF20];
	v31 =	vsub.bf16 v33, v32;
	v12 =	vsub.bf16 v60, v57;
	v10 =	vmul.bf16 v55, v16  }
0x169: {  	v47 =	vld [tilespmem:s12+$0xFFFFFF30];
	v48 =	vsub.bf16 v39, v35;
	v11 =	vmul.bf16 v56, v25;
	v62 =	vmul.bf16 v58, v19  }
0x16a: {  	v30 =	vld [tilespmem:s22+$0xFFFFFF00];
	v53 =	vsub.bf16 v43, v29;
	v63 =	vmul.bf16 v59, v22;
	v15 =	vmul.bf16 v27, v15  }
0x16b: {  	v33 =	vld [tilespmem:s10+$0xFFFFFF10];
	v40 =	vmul.bf16 v31, v28;
	v12 =	vmul.bf16 v12, v34;
	v32 =	vunpack.i.u.bf16.f32 v11  }
0x16c: {  	v51 =	vld [tilespmem:s10+$0xFFFFFFC0];
	v11 =	vunpack.i.l.bf16.f32 v11;
	v38 =	vunpack.i.u.bf16.f32 v63;
	v17 =	vunpack.i.l.bf16.f32 v63  }
0x16d: {  	v57 =	vld [tilespmem:s10+$0xFFFFFF70];
	v42 =	vunpack.i.u.bf16.f32 v62;
	v16 =	vunpack.i.l.bf16.f32 v62;
	v45 =	vunpack.i.u.bf16.f32 v10  }
0x16e: {  	v59 =	vld [tilespmem:s22+$0xFFFFFF70];
	v10 =	vunpack.i.l.bf16.f32 v10;
	v49 =	vunpack.i.u.bf16.f32 v12;
	v12 =	vunpack.i.l.bf16.f32 v12  }
0x16f: {  	v27 =	vld [tilespmem:s22+$0x70];
	v56 =	vunpack.i.u.bf16.f32 v15;
	v11 =	vadd.f32 $0.0e+00, v11;
	v36 =	vadd.f32 $0.0e+00, v32  }
0x170: {  	v34 =	vld [tilespmem:s22+$0xFFFFFFE0];
	v60 =	vunpack.i.u.bf16.f32 v40;
	v14 =	vsub.bf16 v30, v61;
	v46 =	vsub.bf16 v37, v33  }
0x171: {  	v31 =	vld [tilespmem:s12+$0x70];
	v20 =	vunpack.i.l.bf16.f32 v40;
	v12 =	vadd.f32 $0.0e+00, v12;
	v23 =	vadd.f32 $0.0e+00, v49  }
0x172: {  	v63 =	vld [tilespmem:s10+$0xFFFFFFE0];
	v15 =	vunpack.i.l.bf16.f32 v15;
	v18 =	vadd.f32 v38, v36;
	v11 =	vadd.f32 v17, v11  }
0x173: {  	v61 =	vld [tilespmem:s12+$0xFFFFFFD0];
	v9 =	vmul.bf16 v14, v54;
	v22 =	vadd.f32 v60, v23;
	v12 =	vadd.f32 v20, v12  }
0x174: {  	v37 =	vld [tilespmem:s12+$0xFFFFFF70];
	v52 =	vmul.bf16 v46, v41;
	v41 =	vsub.bf16 v59, v57;
	v2 =	vsub.bf16 v27, v2  }
0x175: {  	v32 =	vld [tilespmem:s22+$0x90];
	v14 =	vmul.bf16 v53, v47;
	v17 =	vadd.f32 v42, v18;
	v11 =	vadd.f32 v16, v11  }
0x176: {  	v24 =	vld [tilespmem:s10+$0xFFFFFFF0];
	v50 =	vunpack.i.u.bf16.f32 v9;
	v9 =	vunpack.i.l.bf16.f32 v9;
	v58 =	vunpack.i.u.bf16.f32 v52  }
0x177: {  	v30 =	vld [tilespmem:s12+$0x80];
	v16 =	vmul.bf16 v48, v44;
	v33 =	vunpack.i.u.bf16.f32 v14;
	v22 =	vadd.f32 v56, v22  }
0x178: {  	v54 =	vld [tilespmem:s22+$0xFFFFFFC0];
	v12 =	vadd.f32 v15, v12;
	v14 =	vunpack.i.l.bf16.f32 v14;
	v26 =	vsub.bf16 v34, v63  }
0x179: {  	v43 =	vld [tilespmem:s12+$0xFFFFFFF0];
	v2 =	vmul.bf16 v2, v31;
	v25 =	vadd.f32 $0.0e+00, v50;
	v9 =	vadd.f32 $0.0e+00, v9  }
0x17a: {  	v38 =	vld [tilespmem:s12+$0xFFFFFFE0];
	v13 =	vmul.bf16 v13, v61;
	v15 =	vmul.bf16 v41, v37;
	v1 =	vsub.bf16 v32, v1  }
0x17b: {  	v55 =	vld [tilespmem:s12+$0xFFFFFFC0];
	v17 =	vadd.f32 v45, v17;
	v10 =	vadd.f32 v10, v11;
	v11 =	vunpack.i.l.bf16.f32 v52  }
0x17c: {  	v40 =	vld [tilespmem:s10+$0x0];
	v4 =	vmul.bf16 v4, v30;
	v25 =	vadd.f32 v58, v25;
	v9 =	vadd.f32 v11, v9  }
0x17d: {  	v53 =	vld [tilespmem:s12+$0x40];
	v62 =	vunpack.i.u.bf16.f32 v16;
	v16 =	vunpack.i.l.bf16.f32 v16;
	v19 =	vsub.bf16 v54, v51  }
0x17e: {  	v36 =	vld [tilespmem:s22+$0xFFFFFFF0];
	v44 =	vunpack.i.u.bf16.f32 v13;
	v23 =	vadd.f32 v62, v25;
	v9 =	vadd.f32 v16, v9  }
0x17f: {  	v60 =	vld [tilespmem:s12+$0x50];
	v13 =	vunpack.i.l.bf16.f32 v13;
	v49 =	vmul.bf16 v26, v38;
	v52 =	vunpack.i.u.bf16.f32 v15  }
0x180: {  	v42 =	vld [tilespmem:s22+$0x0];
	v15 =	vunpack.i.l.bf16.f32 v15;
	v9 =	vadd.f32 v14, v9;
	v46 =	vadd.f32 v33, v23  }
0x181: {  	v28 =	vld [tilespmem:s12+$0x60];
	v10 =	vadd.f32 v10, v17;
	v12 =	vadd.f32 v15, v12;
	v35 =	vmul.bf16 v19, v55  }
0x182: {  	v34 =	vld [tilespmem:s22+$0xA0];
	v8 =	vmul.bf16 v8, v53;
	v54 =	vadd.f32 v52, v22;
	v9 =	vadd.f32 v9, v46  }
0x183: {  	v47 =	vld [tilespmem:s12+$0x0];
	v19 =	vsub.bf16 v36, v24;
	v39 =	vunpack.i.u.bf16.f32 v35;
	v11 =	vunpack.i.l.bf16.f32 v35  }
0x184: {  	v63 =	vld [tilespmem:s10+$0x60];
	v6 =	vmul.bf16 v6, v60;
	v11 =	vadd.f32 $0.0e+00, v11;
	v16 =	vadd.f32 $0.0e+00, v39;
	(xrf2) =	vadd.scan.msk.f32 $0xffff, v9  }
0x185: {  	v45 =	vld [tilespmem:s22+$0x10];
	v18 =	vsub.bf16 v42, v40;
	v56 =	vunpack.i.l.bf16.f32 v49;
	v12 =	vadd.f32 v12, v54  }
0x186: {  	v51 =	vld [tilespmem:s22+$0x20];
	v61 =	vunpack.i.u.bf16.f32 v49;
	v11 =	vadd.f32 v13, v11;
	v48 =	vadd.f32 v44, v16  }
0x187: {  	v26 =	vld [tilespmem:s22+$0x60];
	v29 =	vunpack.i.u.bf16.f32 v8;
	v0 =	vsub.bf16 v34, v0;
	v55 =	vmul.bf16 v19, v43;
	(xrf2) =	vadd.scan.msk.f32 $0xffff, v10  }
0x188: {  	v38 =	vld [tilespmem:s12+$0x30];
	v8 =	vunpack.i.l.bf16.f32 v8;
	v58 =	vadd.f32 v56, v11;
	v24 =	vadd.f32 v61, v48;
	(xrf2) =	vadd.scan.msk.f32 $0xffff, v12  }
0x189: {  	v50 =	vld [tilespmem:s12+$0x10];
	v8 =	vadd.f32 $0.0e+00, v8;
	v62 =	vunpack.i.l.bf16.f32 v55;
	v17 =	vunpack.i.u.bf16.f32 v55  }
0x18a: {  	v57 =	vld [tilespmem:s12+$0x20];
	v54 =	vunpack.i.l.bf16.f32 v2;
	v9 =	vadd.f32 v62, v58;
	v10 =	vadd.f32 v17, v24  }
0x18b: {  	v7 =	vsub.bf16 v45, v7;
	v59 =	vmul.bf16 v18, v47;
	v33 =	vunpack.i.u.bf16.f32 v6  }
0x18c: {  	v6 =	vunpack.i.l.bf16.f32 v6;
	v5 =	vsub.bf16 v51, v5;
	v9 =	vadd.f32 v9, v10  }
0x18d: {  	v15 =	vsub.bf16 v26, v63;
	v3 =	vmul.bf16 v3, v38;
	v25 =	vunpack.i.u.bf16.f32 v59  }
0x18e: {  	v60 =	vld [tilespmem:s22+$0xE0];
	v6 =	vadd.f32 v6, v8;
	v7 =	vmul.bf16 v7, v50;
	v13 =	vadd.f32 $0.0e+00, v25;
	v37, _, _ =	vpop (xrf2);
	(xrf2) =	vadd.scan.msk.f32 $0xffff, v9  }
0x18f: {  	v35 =	vld [tilespmem:s12+$0x90];
	v5 =	vmul.bf16 v5, v57;
	v14 =	vmul.bf16 v15, v28;
	v44 =	vunpack.i.u.bf16.f32 v4  }
0x190: {  	v39 =	vld [tilespmem:s12+$0xA0];
	v4 =	vunpack.i.l.bf16.f32 v4;
	v51 =	vunpack.i.l.bf16.f32 v3;
	v3 =	vunpack.i.u.bf16.f32 v3  }
0x191: {  	v8 =	vld [tilespmem:s10+$0xC0];
	v20 =	vunpack.i.u.bf16.f32 v7;
	v46 =	vadd.f32 $0.0e+00, v44;
	(v2sf) =	vpush v37, $0xF;
	v40, _, _ =	vpop (xrf2)  }
0x192: {  	v50 =	vld [tilespmem:s22+$0xC0];
	v7 =	vunpack.i.l.bf16.f32 v7;
	v4 =	vadd.f32 $0.0e+00, v4;
	(v2sf) =	vpush v40, $0xF;
	v43, _, _ =	vpop (xrf2)  }
0x193: {  	v52 =	vld [tilespmem:s12+$0xB0];
	v11 =	vunpack.i.l.bf16.f32 v59;
	v36 =	vunpack.i.u.bf16.f32 v5;
	(v2sf) =	vpush v43, $0xF  }
0x194: {  	v42 =	vld [tilespmem:s10+$0xF0];
	v5 =	vunpack.i.l.bf16.f32 v5;
	v49 =	vunpack.i.l.bf16.f32 v14;
	v11 =	vadd.f32 $0.0e+00, v11  }
0x195: {  	v45 =	vld [tilespmem:s10+$0xD0];
	v41 =	vunpack.i.u.bf16.f32 v14;
	v13 =	vadd.f32 v20, v13;
	v6 =	vadd.f32 v49, v6  }
0x196: {  	s5 =	smax.f32 s5, $0.0e+00;
	s15 =	sadd.f32 s15, s26;
	v47 =	vld [tilespmem:s22+$0xB0];
	v1 =	vmul.bf16 v1, v35;
	v7 =	vadd.f32 v7, v11;
	v11 =	vadd.f32 $0.0e+00, v29  }
0x197: {  	s5 =	sadd.f32 s5, s6;
	v59 =	vld [tilespmem:s22+$0xF0];
	v0 =	vmul.bf16 v0, v39;
	v12 =	vadd.f32 v36, v13;
	v8 =	vsub.bf16 v50, v8  }
0x198: {  	s15 =	smax.f32 s15, $0.0e+00;
	s9 =	sadd.f32 s9, s26;
	v55 =	vld [tilespmem:s12+$0xC0];
	v48 =	vunpack.i.u.bf16.f32 v1;
	v6 =	vadd.f32 v54, v6;
	v11 =	vadd.f32 v33, v11;
	v57, _, _ =	vpop (xrf2)  }
0x199: {  	s5 =	sadd.f32 s15, s5;
	v1 =	vunpack.i.l.bf16.f32 v1;
	v5 =	vadd.f32 v5, v7;
	v7 =	vld [tilespmem:s10+$0xB0];
	(v2sf) =	vpush v57, $0xF  }
0x19a: {  	s8 =	sadd.f32 s8, s26;
	s15 =	smax.f32 s9, $0.0e+00;
	v56 =	vld [tilespmem:s22+$0xD0];
	v53 =	vunpack.i.u.bf16.f32 v0;
	v1 =	vadd.f32 v1, v4;
	v3 =	vadd.f32 v3, v12  }
0x19b: {  	s5 =	sadd.f32 s15, s5;
	v58 =	vld [tilespmem:s10+$0xE0];
	v0 =	vunpack.i.l.bf16.f32 v0;
	v11 =	vadd.f32 v41, v11;
	v5 =	vadd.f32 v51, v5  }
0x19c: {  	s7 =	sadd.f32 s7, s26;
	v2 =	vunpack.i.u.bf16.f32 v2;
	v4 =	vld [tilespmem:s12+$0xD0];
	v0 =	vadd.f32 v0, v1;
	v10 =	vsub.bf16 v59, v42  }
0x19d: {  	s9 =	smax.f32 s8, $0.0e+00;
	s10 =	sadd.f32 s13, s26;
	v2 =	vadd.f32 v2, v11;
	v3 =	vadd.f32 v5, v3  }
0x19e: {  	s5 =	sadd.f32 s9, s5;
	v9 =	vadd.f32 v48, v46;
	v7 =	vsub.bf16 v47, v7  }
0x19f: {  	s15 =	smax.f32 s7, $0.0e+00;
	s13 =	smax.f32 s10, $0.0e+00;
	v5 =	vsub.bf16 v56, v45;
	v6 =	vadd.f32 v6, v2;
	v2 =	vmul.bf16 v8, v55;
	v8 =	vld [tilespmem:s12+$0xF0];
	(xrf2) =	vadd.scan.msk.f32 $0xffff, v3  }
0x1a0: {  	v61 =	vld [tilespmem:s12+$0xE0];
	s5 =	sadd.f32 s13, s5;
	v11 =	vsub.bf16 v60, v58;
	v1 =	vadd.f32 v53, v9;
	v7 =	vmul.bf16 v7, v52;
	s8 =	spop (v2sf)  }
0x1a1: {  	v4 =	vmul.bf16 v5, v4;
	v62 =	vunpack.i.u.bf16.f32 v2;
	v2 =	vunpack.i.l.bf16.f32 v2;
	s7 =	sadd.f32 s8, s26;
	s9 =	spop (v2sf)  }
0x1a2: {  	s5 =	sadd.f32 s15, s5;
	v5 =	vunpack.i.u.bf16.f32 v7;
	v7 =	vunpack.i.l.bf16.f32 v7;
	v9 =	vadd.f32 $0.0e+00, v62;
	s10 =	spop (v2sf)  }
0x1a3: {  	v63 =	vadd.f32 $0.0e+00, v2;
	v7 =	vadd.f32 v7, v0;
	(xrf2) =	vadd.scan.msk.f32 $0xffff, v6;
	s7 =	smax.f32 s7, $0.0e+00;
	s13 =	sadd.f32 s10, s26  }
0x1a4: {  	v0 =	vunpack.i.u.bf16.f32 v4;
	v1 =	vadd.f32 v5, v1;
	v2 =	vmul.bf16 v10, v8;
	s5 =	sadd.f32 s7, s5  }
0x1a5: {  	v4 =	vunpack.i.l.bf16.f32 v4;
	v3 =	vadd.f32 v0, v9;
	v0 =	vmul.bf16 v11, v61;
	s6 =	sadd.f32 s9, s26;
	s15 =	smax.f32 s13, $0.0e+00  }
0x1a6: {  	v5 =	vadd.f32 v7, v1;
	v6 =	vadd.f32 v4, v63;
	v4 =	vunpack.i.u.bf16.f32 v2;
	s13 =	simm.s32 $0x0;
	s7 =	sadd.f32 s15, s5;
	s5 =	simm.s32 $0xC830  }
.LBB2_5:
0x1a7: {  	v1 =	vld [tilespmem:s5+$0x90];
	s13 =	sadd.s32 $0x8, s13;
	v7 =	vunpack.i.u.bf16.f32 v0;
	v8 =	vunpack.i.l.bf16.f32 v0;
	s12 =	sadd.s32 $0x200, s12;
	s22 =	sadd.s32 $0x200, s22  }
0x1a8: {  	s6 =	smax.f32 s6, $0.0e+00;
	v0 =	vld [tilespmem:s5+$0xA0];
	p0 =	slt.u32 s13, $0x48;
	v6 =	vadd.f32 v8, v6;
	v7 =	vadd.f32 v7, v3;
	s8 =	spop (v2sf);
	(xrf2) =	vadd.scan.msk.f32 $0xffff, v5  }
0x1a9: {  	s6 =	sadd.f32 s6, s7;
	v3 =	vld [tilespmem:s5+$0x70];
	v5, _, _ =	vpop (xrf2)  }
0x1aa: {  	v2 =	vunpack.i.l.bf16.f32 v2;
	s7 =	sadd.f32 s8, s26;
	v8 =	vld [tilespmem:s5+$0x30];
	(v2sf) =	vpush v5, $0xF  }
0x1ab: {  	v2 =	vadd.f32 v2, v6;
	v5 =	vadd.f32 v4, v7;
	v9 =	vld [tilespmem:s22+$0x30]  }
0x1ac: {  	s7 =	smax.f32 s7, $0.0e+00;
	v6 =	vld [tilespmem:s5+$0x80]  }
0x1ad: {  	s6 =	sadd.f32 s7, s6;
	v2 =	vadd.f32 v2, v5;
	v7 =	vld [tilespmem:s22+$0x80];
	v4, _, _ =	vpop (xrf2)  }
0x1ae: {  	v10 =	vld [tilespmem:s5+$0x50]  }
0x1af: {  	v11 =	vld [tilespmem:s22+$0x50];
	(xrf2) =	vadd.scan.msk.f32 $0xffff, v2  }
0x1b0: {  	v5 =	vld [tilespmem:s5+$0x20];
	v2 =	vsub.bf16 v9, v8  }
0x1b1: {  	v12 =	vld [tilespmem:s5+$0x40];
	(v2sf) =	vpush v4, $0xF  }
0x1b2: {  	v13 =	vld [tilespmem:s22+$0x40];
	v4 =	vsub.bf16 v7, v6;
	v6, _, _ =	vpop (xrf2)  }
0x1b3: {  	v8 =	vld [tilespmem:s5+$0x10];
	(v2sf) =	vpush v6, $0xF  }
0x1b4: {  	v9 =	vld [tilespmem:s5+$0xFFFFFFF0];
	v6 =	vsub.bf16 v11, v10  }
0x1b5: {  	v10 =	vld [tilespmem:s5+$0xFFFFFFD0]  }
0x1b6: {  	v11 =	vld [tilespmem:s22+$0xFFFFFFD0]  }
0x1b7: {  	v14 =	vld [tilespmem:s12+$0xFFFFFF60];
	v7 =	vsub.bf16 v13, v12  }
0x1b8: {  	v12 =	vld [tilespmem:s12+$0xFFFFFFB0]  }
0x1b9: {  	v13 =	vld [tilespmem:s5+$0xFFFFFFB0];
	s7 =	spop (v2sf);
	v15, _, _ =	vpop (xrf2)  }
0x1ba: {  	v16 =	vld [tilespmem:s22+$0xFFFFFFB0];
	s7 =	sadd.f32 s7, s26;
	(v2sf) =	vpush v15, $0xF  }
0x1bb: {  	v15 =	vld [tilespmem:s12+$0xFFFFFFA0];
	v10 =	vsub.bf16 v11, v10  }
0x1bc: {  	v11 =	vld [tilespmem:s5+$0xFFFFFFA0];
	s7 =	smax.f32 s7, $0.0e+00  }
0x1bd: {  	v17 =	vld [tilespmem:s22+$0xFFFFFFA0];
	s6 =	sadd.f32 s7, s6  }
0x1be: {  	v18 =	vld [tilespmem:s12+$0xFFFFFF90]  }
0x1bf: {  	v19 =	vld [tilespmem:s5+$0xFFFFFF90];
	v13 =	vsub.bf16 v16, v13  }
0x1c0: {  	v16 =	vld [tilespmem:s22+$0xFFFFFF90];
	s7 =	spop (v2sf)  }
0x1c1: {  	v20 =	vld [tilespmem:s12+$0xFFFFFF80];
	v12 =	vmul.bf16 v13, v12;
	s7 =	sadd.f32 s7, s26  }
0x1c2: {  	v13 =	vld [tilespmem:s5+$0xFFFFFF60];
	v11 =	vsub.bf16 v17, v11;
	s8 =	spop (v2sf)  }
0x1c3: {  	v17 =	vld [tilespmem:s22+$0xFFFFFF60];
	s7 =	smax.f32 s7, $0.0e+00;
	s8 =	sadd.f32 s8, s26  }
0x1c4: {  	v21 =	vld [tilespmem:s12+$0xFFFFFF50];
	v11 =	vmul.bf16 v11, v15;
	s6 =	sadd.f32 s7, s6  }
0x1c5: {  	v15 =	vld [tilespmem:s5+$0xFFFFFF30];
	v16 =	vsub.bf16 v16, v19;
	s7 =	smax.f32 s8, $0.0e+00  }
0x1c6: {  	v19 =	vld [tilespmem:s5+$0xFFFFFF80];
	s6 =	sadd.f32 s7, s6  }
0x1c7: {  	v22 =	vld [tilespmem:s22+$0xFFFFFF80];
	v16 =	vmul.bf16 v16, v18  }
0x1c8: {  	v18 =	vld [tilespmem:s5+$0xFFFFFF50];
	v13 =	vsub.bf16 v17, v13  }
0x1c9: {  	v17 =	vld [tilespmem:s22+$0xFFFFFF50];
	s7 =	spop (v2sf)  }
0x1ca: {  	v23 =	vld [tilespmem:s12+$0xFFFFFF40];
	v13 =	vmul.bf16 v13, v14;
	s7 =	sadd.f32 s7, s26  }
0x1cb: {  	v14 =	vld [tilespmem:s5+$0xFFFFFF20]  }
0x1cc: {  	v24 =	vld [tilespmem:s12+$0xFFFFFF00];
	v19 =	vsub.bf16 v22, v19;
	s7 =	smax.f32 s7, $0.0e+00  }
0x1cd: {  	v22 =	vld [tilespmem:s5+$0xFFFFFF40];
	s7 =	sadd.f32 s7, s6  }
0x1ce: {  	v25 =	vld [tilespmem:s22+$0xFFFFFF40];
	v17 =	vsub.bf16 v17, v18;
	v18 =	vmul.bf16 v19, v20  }
0x1cf: {  	v19 =	vld [tilespmem:s5+$0xFFFFFF00]  }
0x1d0: {  	v20 =	vld [tilespmem:s22+$0xFFFFFF00];
	v17 =	vmul.bf16 v17, v21;
	v21 =	vunpack.i.u.bf16.f32 v18;
	v18 =	vunpack.i.l.bf16.f32 v18  }
0x1d1: {  	v26 =	vld [tilespmem:s5+$0xFFFFFF10];
	v18 =	vadd.f32 $0.0e+00, v18;
	v21 =	vadd.f32 $0.0e+00, v21  }
0x1d2: {  	v28 =	vunpack.i.u.bf16.f32 v16;
	v27 =	vld [tilespmem:s22+$0xFFFFFF10]  }
0x1d3: {  	v16 =	vunpack.i.l.bf16.f32 v16;
	v29 =	vld [tilespmem:s22+$0xFFFFFF20];
	v22 =	vsub.bf16 v25, v22;
	v21 =	vadd.f32 v28, v21  }
0x1d4: {  	v16 =	vadd.f32 v16, v18;
	v18 =	vunpack.i.u.bf16.f32 v11;
	v11 =	vunpack.i.l.bf16.f32 v11;
	v25 =	vld [tilespmem:s12+$0xFFFFFF10]  }
0x1d5: {  	v19 =	vsub.bf16 v20, v19;
	v20 =	vld [tilespmem:s22+$0xFFFFFF30];
	v22 =	vmul.bf16 v22, v23;
	v18 =	vadd.f32 v18, v21  }
0x1d6: {  	v11 =	vadd.f32 v11, v16;
	v16 =	vunpack.i.u.bf16.f32 v12;
	v12 =	vunpack.i.l.bf16.f32 v12;
	v21 =	vld [tilespmem:s12+$0xFFFFFF20]  }
0x1d7: {  	v19 =	vmul.bf16 v19, v24;
	v23 =	vsub.bf16 v27, v26;
	v24 =	vld [tilespmem:s12+$0xFFFFFF30];
	v16 =	vadd.f32 v16, v18  }
0x1d8: {  	v18 =	vunpack.i.u.bf16.f32 v22;
	v22 =	vunpack.i.l.bf16.f32 v22;
	v14 =	vsub.bf16 v29, v14;
	v26 =	vld [tilespmem:s12+$0xFFFFFFC0]  }
0x1d9: {  	v11 =	vadd.f32 v12, v11;
	v27 =	vunpack.i.u.bf16.f32 v19;
	v19 =	vunpack.i.l.bf16.f32 v19;
	v12 =	vld [tilespmem:s5+$0xFFFFFFC0]  }
0x1da: {  	v23 =	vmul.bf16 v23, v25;
	v15 =	vsub.bf16 v20, v15;
	v20 =	vadd.f32 $0.0e+00, v22;
	v22 =	vld [tilespmem:s22+$0xFFFFFFC0]  }
0x1db: {  	v18 =	vadd.f32 $0.0e+00, v18;
	v25 =	vadd.f32 $0.0e+00, v27;
	v27 =	vunpack.i.u.bf16.f32 v13;
	v28 =	vld [tilespmem:s5+$0xFFFFFF70]  }
0x1dc: {  	v29 =	vunpack.i.u.bf16.f32 v23;
	v14 =	vmul.bf16 v14, v21;
	v15 =	vmul.bf16 v15, v24;
	v21 =	vld [tilespmem:s22+$0xFFFFFF70]  }
0x1dd: {  	v23 =	vunpack.i.l.bf16.f32 v23;
	v24 =	vadd.f32 v29, v25;
	v25 =	vunpack.i.u.bf16.f32 v17;
	v29 =	vld [tilespmem:s12+$0xFFFFFFD0]  }
0x1de: {  	v30 =	vunpack.i.u.bf16.f32 v14;
	v14 =	vunpack.i.l.bf16.f32 v14;
	v18 =	vadd.f32 v25, v18;
	v25 =	vld [tilespmem:s12+$0xFFFFFF70]  }
0x1df: {  	v19 =	vadd.f32 $0.0e+00, v19;
	v17 =	vunpack.i.l.bf16.f32 v17;
	v12 =	vsub.bf16 v22, v12;
	v22 =	vld [tilespmem:s5+$0xFFFFFFE0]  }
0x1e0: {  	v31 =	vunpack.i.u.bf16.f32 v15;
	v15 =	vunpack.i.l.bf16.f32 v15;
	v18 =	vadd.f32 v27, v18;
	v27 =	vld [tilespmem:s22+$0xFFFFFFE0]  }
0x1e1: {  	v19 =	vadd.f32 v23, v19;
	v23 =	vadd.f32 v30, v24;
	v12 =	vmul.bf16 v12, v26;
	v24 =	vld [tilespmem:s22+$0xFFFFFFF0]  }
0x1e2: {  	v13 =	vunpack.i.l.bf16.f32 v13;
	v17 =	vadd.f32 v17, v20;
	v10 =	vmul.bf16 v10, v29;
	v20 =	vld [tilespmem:s12+$0xFFFFFFE0]  }
0x1e3: {  	v14 =	vadd.f32 v14, v19;
	v19 =	vunpack.i.u.bf16.f32 v12;
	v12 =	vunpack.i.l.bf16.f32 v12;
	v26 =	vld [tilespmem:s5+$0x0]  }
0x1e4: {  	v13 =	vadd.f32 v13, v17;
	v17 =	vsub.bf16 v21, v28;
	v21 =	vld [tilespmem:s12+$0xFFFFFFF0]  }
0x1e5: {  	v12 =	vadd.f32 $0.0e+00, v12;
	v19 =	vadd.f32 $0.0e+00, v19;
	v28 =	vunpack.i.u.bf16.f32 v10;
	v29 =	vld [tilespmem:s22+$0x0]  }
0x1e6: {  	v10 =	vunpack.i.l.bf16.f32 v10;
	v22 =	vsub.bf16 v27, v22;
	v9 =	vsub.bf16 v24, v9;
	v24 =	vld [tilespmem:s22+$0x10]  }
0x1e7: {  	v14 =	vadd.f32 v15, v14;
	v15 =	vadd.f32 v31, v23;
	v17 =	vmul.bf16 v17, v25;
	v23 =	vld [tilespmem:s12+$0x0]  }
0x1e8: {  	v10 =	vadd.f32 v10, v12;
	v12 =	vadd.f32 v28, v19;
	v19 =	vmul.bf16 v22, v20;
	v20 =	vld [tilespmem:s12+$0x10]  }
0x1e9: {  	v11 =	vadd.f32 v11, v16;
	v14 =	vadd.f32 v14, v15;
	v9 =	vmul.bf16 v9, v21;
	v15 =	vld [tilespmem:s22+$0x20]  }
0x1ea: {  	v16 =	vunpack.i.u.bf16.f32 v17;
	v17 =	vunpack.i.l.bf16.f32 v17;
	v21 =	vsub.bf16 v29, v26;
	v22 =	vld [tilespmem:s12+$0x40]  }
0x1eb: {  	v13 =	vadd.f32 v17, v13;
	v17 =	vunpack.i.l.bf16.f32 v19;
	v8 =	vsub.bf16 v24, v8;
	v24 =	vld [tilespmem:s12+$0x20];
	(xrf2) =	vadd.scan.msk.f32 $0xffff, v14  }
0x1ec: {  	v10 =	vadd.f32 v17, v10;
	v14 =	vadd.f32 v16, v18;
	v16 =	vmul.bf16 v21, v23;
	v17 =	vld [tilespmem:s12+$0x50]  }
0x1ed: {  	v18 =	vunpack.i.u.bf16.f32 v19;
	v19 =	vunpack.i.l.bf16.f32 v9;
	v8 =	vmul.bf16 v8, v20;
	v20 =	vld [tilespmem:s5+$0x60]  }
0x1ee: {  	v12 =	vadd.f32 v18, v12;
	v18 =	vunpack.i.u.bf16.f32 v16;
	v16 =	vunpack.i.l.bf16.f32 v16;
	v21 =	vld [tilespmem:s22+$0x60];
	(xrf2) =	vadd.scan.msk.f32 $0xffff, v11  }
0x1ef: {  	v11 =	vadd.f32 v13, v14;
	v13 =	vadd.f32 $0.0e+00, v16;
	v7 =	vmul.bf16 v7, v22;
	v14 =	vld [tilespmem:s22+$0x70]  }
0x1f0: {  	v5 =	vsub.bf16 v15, v5;
	v16 =	vunpack.i.u.bf16.f32 v8;
	v8 =	vunpack.i.l.bf16.f32 v8;
	v15 =	vld [tilespmem:s12+$0x60]  }
0x1f1: {  	v10 =	vadd.f32 v19, v10;
	v8 =	vadd.f32 v8, v13;
	v13 =	vunpack.i.u.bf16.f32 v7;
	v19 =	vld [tilespmem:s12+$0x80];
	(xrf2) =	vadd.scan.msk.f32 $0xffff, v11  }
0x1f2: {  	v9 =	vunpack.i.u.bf16.f32 v9;
	v11 =	vadd.f32 $0.0e+00, v18;
	v6 =	vmul.bf16 v6, v17;
	v17 =	vld [tilespmem:s12+$0x70]  }
0x1f3: {  	v9 =	vadd.f32 v9, v12;
	v5 =	vmul.bf16 v5, v24;
	v7 =	vunpack.i.l.bf16.f32 v7;
	v12 =	vld [tilespmem:s22+$0x90]  }
0x1f4: {  	v13 =	vadd.f32 $0.0e+00, v13;
	v18 =	vunpack.i.u.bf16.f32 v6;
	v20 =	vsub.bf16 v21, v20;
	v21 =	vld [tilespmem:s22+$0xA0]  }
0x1f5: {  	v9 =	vadd.f32 v10, v9;
	v6 =	vunpack.i.l.bf16.f32 v6;
	v3 =	vsub.bf16 v14, v3;
	v10 =	vld [tilespmem:s12+$0x90];
	v14, _, _ =	vpop (xrf2)  }
0x1f6: {  	v22 =	vunpack.i.u.bf16.f32 v5;
	v13 =	vadd.f32 v18, v13;
	v15 =	vmul.bf16 v20, v15;
	v23 =	vld [tilespmem:s12+$0x30]  }
0x1f7: {  	v5 =	vunpack.i.l.bf16.f32 v5;
	v7 =	vadd.f32 $0.0e+00, v7;
	v4 =	vmul.bf16 v4, v19;
	v18 =	vld [tilespmem:s12+$0xA0];
	(xrf2) =	vadd.scan.msk.f32 $0xffff, v9  }
0x1f8: {  	v9 =	vunpack.i.u.bf16.f32 v15;
	v1 =	vsub.bf16 v12, v1;
	(v2sf) =	vpush v14, $0xF;
	v12, _, _ =	vpop (xrf2)  }
0x1f9: {  	v11 =	vadd.f32 v16, v11;
	v19 =	vunpack.i.u.bf16.f32 v4;
	v16 =	vld [tilespmem:s5+$0xF0];
	(v2sf) =	vpush v12, $0xF  }
0x1fa: {  	v5 =	vadd.f32 v5, v8;
	v4 =	vunpack.i.l.bf16.f32 v4;
	v0 =	vsub.bf16 v21, v0;
	v8 =	vld [tilespmem:s5+$0xD0]  }
0x1fb: {  	v12 =	vadd.f32 $0.0e+00, v19;
	v1 =	vmul.bf16 v1, v10;
	v2 =	vmul.bf16 v2, v23;
	v10 =	vld [tilespmem:s5+$0xB0];
	v14, _, _ =	vpop (xrf2)  }
0x1fc: {  	v11 =	vadd.f32 v22, v11;
	v0 =	vmul.bf16 v0, v18;
	v18 =	vld [tilespmem:s22+$0xB0];
	(v2sf) =	vpush v14, $0xF  }
0x1fd: {  	v6 =	vadd.f32 v6, v7;
	v3 =	vmul.bf16 v3, v17;
	v7 =	vunpack.i.u.bf16.f32 v1;
	v14 =	vld [tilespmem:s5+$0xC0]  }
0x1fe: {  	v15 =	vunpack.i.l.bf16.f32 v15;
	v9 =	vadd.f32 v9, v13;
	v17 =	vunpack.i.l.bf16.f32 v2;
	v13 =	vld [tilespmem:s12+$0xB0]  }
0x1ff: {  	v6 =	vadd.f32 v15, v6;
	v4 =	vadd.f32 $0.0e+00, v4;
	v15 =	vunpack.i.u.bf16.f32 v0;
	v19 =	vld [tilespmem:s22+$0xC0]  }
0x200: {  	v22 =	vunpack.i.l.bf16.f32 v3;
	v1 =	vunpack.i.l.bf16.f32 v1;
	v0 =	vunpack.i.l.bf16.f32 v0;
	v21 =	vld [tilespmem:s22+$0xD0]  }
0x201: {  	v6 =	vadd.f32 v22, v6;
	v2 =	vunpack.i.u.bf16.f32 v2;
	v5 =	vadd.f32 v17, v5;
	v17 =	vld [tilespmem:s12+$0xC0];
	v20, _, _ =	vpop (xrf2)  }
0x202: {  	v3 =	vunpack.i.u.bf16.f32 v3;
	v1 =	vadd.f32 v1, v4;
	v4 =	vld [tilespmem:s5+$0xE0];
	(v2sf) =	vpush v20, $0xF  }
0x203: {  	v3 =	vadd.f32 v3, v9;
	v7 =	vadd.f32 v7, v12;
	v9 =	vld [tilespmem:s12+$0xD0]  }
0x204: {  	v2 =	vadd.f32 v2, v11;
	v11 =	vsub.bf16 v19, v14;
	v12 =	vld [tilespmem:s22+$0xE0]  }
0x205: {  	v6 =	vadd.f32 v6, v3;
	v3 =	vsub.bf16 v18, v10;
	v10 =	vld [tilespmem:s22+$0xF0]  }
0x206: {  	v2 =	vadd.f32 v5, v2;
	v8 =	vsub.bf16 v21, v8;
	v5 =	vmul.bf16 v11, v17;
	v11 =	vld [tilespmem:s12+$0xE0]  }
0x207: {  	s6 =	spop (v2sf)  }
0x208: {  	v0 =	vadd.f32 v0, v1;
	v1 =	vadd.f32 v15, v7;
	v3 =	vmul.bf16 v3, v13;
	s8 =	sadd.f32 s6, s26  }
0x209: {  	v7 =	vunpack.i.u.bf16.f32 v5;
	v8 =	vmul.bf16 v8, v9;
	v9 =	vld [tilespmem:s12+$0xF0];
	s6 =	spop (v2sf);
	(xrf2) =	vadd.scan.msk.f32 $0xffff, v2  }
0x20a: {  	v2 =	vunpack.i.u.bf16.f32 v3;
	v3 =	vunpack.i.l.bf16.f32 v3;
	v5 =	vunpack.i.l.bf16.f32 v5;
	s6 =	sadd.f32 s6, s26;
	s8 =	smax.f32 s8, $0.0e+00  }
0x20b: {  	v7 =	vadd.f32 $0.0e+00, v7;
	v10 =	vsub.bf16 v10, v16;
	s7 =	sadd.f32 s8, s7  }
.Ltmp1:
0x20c: {  	v13 =	vadd.f32 v3, v0;
	v0 =	vunpack.i.u.bf16.f32 v8;
	v8 =	vunpack.i.l.bf16.f32 v8;
	s8 =	spop (v2sf);
	(pc) =	sbr.rel @p0 .LBB2_5-.Ltmp1, $4  }
0x20d: {  	v3 =	vadd.f32 v0, v7;
	v0 =	vsub.bf16 v12, v4;
	s8 =	sadd.f32 s8, s26;
	(xrf2) =	vadd.scan.msk.f32 $0xffff, v6  }
0x20e: {  	v1 =	vadd.f32 v2, v1;
	v4 =	vadd.f32 $0.0e+00, v5;
	v2 =	vmul.bf16 v10, v9  }
0x20f: {  	v0 =	vmul.bf16 v0, v11;
	s8 =	smax.f32 s8, $0.0e+00  }
0x210: {  	s5 =	sadd.s32 $0x200, s5;
	v5 =	vadd.f32 v13, v1;
	v6 =	vadd.f32 v8, v4;
	s7 =	sadd.f32 s8, s7;
	v4 =	vunpack.i.u.bf16.f32 v2  }
0x211: {  	v1 =	vunpack.i.u.bf16.f32 v0;
	v0 =	vunpack.i.l.bf16.f32 v0  }
0x212: {  	v0 =	vadd.f32 v0, v6;
	v1 =	vadd.f32 v1, v3  }
0x213: {  	v2 =	vunpack.i.l.bf16.f32 v2  }
0x214: {  	v0 =	vadd.f32 v2, v0;
	v1 =	vadd.f32 v4, v1;
	_ =	sdelay $0x1  }
0x215: {  	v0 =	vadd.f32 v0, v1  }
0x216: {  	(xrf2) =	vadd.scan.msk.f32 $0xffff, v5  }
0x217: {  	(xrf2) =	vadd.scan.msk.f32 $0xffff, v0;
	_ =	sdelay $0x6  }
0x218: {  	v0, _, _ =	vpop (xrf2)  }
0x219: {  	(v2sf) =	vpush v0, $0xF;
	v0, _, _ =	vpop (xrf2)  }
0x21a: {  	(v2sf) =	vpush v0, $0xF;
	v0, _, _ =	vpop (xrf2)  }
0x21b: {  	(v2sf) =	vpush v0, $0xF;
	v0, _, _ =	vpop (xrf2)  }
0x21c: {  	(v2sf) =	vpush v0, $0xF;
	_ =	sdelay $0x5  }
0x21d: {  	s5 =	sadd.s32 $0x140, s31  }
0x21e: {  	[tilespmem:s21], [sflag:$0x2] =	stream.indirect.gather [spmem:s3], $0x40, s5, s17, $0xb8;
	[tilespmem:$0x1C590] =	vst v63  }
0x21f: {  	s12 =	sadd.s32 $0x2850, s31  }
0x220: {  	[tilespmem:s23], [sflag:$0x2] =	stream.indirect.gather [spmem:s3], $0x40, s12, s17, $0xb8;
	[tilespmem:$0x1C590] =	vst v63  }
0x221: {  	s15 =	spop (v2sf);
	s10 =	sadd.s32 $0x4F60, s31  }
0x222: {  	[tilespmem:s25], [sflag:$0x2] =	stream.indirect.gather [spmem:s3], $0x40, s10, s17, $0xb8;
	[tilespmem:$0x1C590] =	vst v63  }
0x223: {  	s9 =	spop (v2sf)  }
0x224: {  	s8 =	spop (v2sf)  }
0x225: {  	s13 =	spop (v2sf)  }
0x226: {  	s5 =	spop (v2sf)  }
0x227: {  	_ =	swait.ge [sflag:s14], $0x1400  }
0x228: {  	[sflag:s14] =	ssyncset.done $0x0  }
0x229: {  	[sflag:s14] =	ssyncadd.s32 $0xFFFFEC00  }
0x22a: {  	_ =	swait.ge [sflag:s14], $0x1400  }
0x22b: {  	[sflag:s14] =	ssyncset.done $0x0  }
0x22c: {  	[sflag:s14] =	ssyncadd.s32 $0xFFFFEC00  }
0x22d: {  	_ =	swait.ge [sflag:s14], $0x1400  }
0x22e: {  	[sflag:s14] =	ssyncset.done $0x0  }
0x22f: {  	s10 =	simm.s32 $0x10230;
	[sflag:s14] =	ssyncadd.s32 $0xFFFFEC00  }
0x230: {  	v1 =	vld [tilespmem:s10+$0x90]  }
0x231: {  	v0 =	vld [tilespmem:s10+$0xA0]  }
0x232: {  	v2 =	vld [tilespmem:s10+$0x70]  }
0x233: {  	s22 =	simm.s32 $0x11630;
	v3 =	vld [tilespmem:s10+$0x30]  }
0x234: {  	v4 =	vld [tilespmem:s22+$0x30]  }
0x235: {  	v6 =	vld [tilespmem:s10+$0x80]  }
0x236: {  	v8 =	vld [tilespmem:s22+$0x80]  }
0x237: {  	v9 =	vld [tilespmem:s10+$0x50]  }
0x238: {  	v10 =	vld [tilespmem:s22+$0x50]  }
0x239: {  	v5 =	vld [tilespmem:s10+$0x20]  }
0x23a: {  	v11 =	vld [tilespmem:s10+$0x40]  }
0x23b: {  	v12 =	vld [tilespmem:s22+$0x40]  }
0x23c: {  	v7 =	vld [tilespmem:s10+$0x10]  }
0x23d: {  	v13 =	vld [tilespmem:s10+$0xFFFFFFD0]  }
0x23e: {  	s12 =	simm.s32 $0xEE30;
	v14 =	vld [tilespmem:s22+$0xFFFFFFD0]  }
0x23f: {  	v15 =	vld [tilespmem:s12+$0xFFFFFF60]  }
0x240: {  	v16 =	vld [tilespmem:s12+$0xFFFFFFB0]  }
0x241: {  	v17 =	vld [tilespmem:s10+$0xFFFFFFB0]  }
0x242: {  	v18 =	vld [tilespmem:s22+$0xFFFFFFB0]  }
0x243: {  	v19 =	vld [tilespmem:s12+$0xFFFFFFA0]  }
0x244: {  	v20 =	vld [tilespmem:s10+$0xFFFFFFA0]  }
0x245: {  	v21 =	vld [tilespmem:s22+$0xFFFFFFA0]  }
0x246: {  	v22 =	vld [tilespmem:s12+$0xFFFFFF90]  }
0x247: {  	v23 =	vld [tilespmem:s10+$0xFFFFFF90]  }
0x248: {  	v24 =	vld [tilespmem:s22+$0xFFFFFF90]  }
0x249: {  	v25 =	vld [tilespmem:s12+$0xFFFFFF80]  }
0x24a: {  	v26 =	vld [tilespmem:s10+$0xFFFFFF60]  }
0x24b: {  	v27 =	vld [tilespmem:s22+$0xFFFFFF60]  }
0x24c: {  	v28 =	vld [tilespmem:s12+$0xFFFFFF50]  }
0x24d: {  	v29 =	vld [tilespmem:s10+$0xFFFFFF30]  }
0x24e: {  	v30 =	vld [tilespmem:s10+$0xFFFFFF80]  }
0x24f: {  	v31 =	vld [tilespmem:s22+$0xFFFFFF80]  }
0x250: {  	v32 =	vld [tilespmem:s10+$0xFFFFFF50]  }
0x251: {  	v33 =	vld [tilespmem:s22+$0xFFFFFF50]  }
0x252: {  	v34 =	vld [tilespmem:s12+$0xFFFFFF40]  }
0x253: {  	v35 =	vld [tilespmem:s10+$0xFFFFFF20]  }
0x254: {  	v54 =	vld [tilespmem:s12+$0xFFFFFF00]  }
0x255: {  	v57 =	vld [tilespmem:s10+$0xFFFFFF40]  }
0x256: {  	v60 =	vld [tilespmem:s22+$0xFFFFFF40]  }
0x257: {  	v61 =	vld [tilespmem:s10+$0xFFFFFF00];
	v3 =	vsub.bf16 v4, v3;
	v4 =	vsub.bf16 v8, v6  }
0x258: {  	v39 =	vld [tilespmem:s22+$0xFFFFFF20];
	v6 =	vsub.bf16 v10, v9;
	v8 =	vsub.bf16 v12, v11  }
0x259: {  	v43 =	vld [tilespmem:s22+$0xFFFFFF30];
	v55 =	vsub.bf16 v18, v17;
	v56 =	vsub.bf16 v31, v30  }
0x25a: {  	v37 =	vld [tilespmem:s22+$0xFFFFFF10];
	v58 =	vsub.bf16 v21, v20;
	v59 =	vsub.bf16 v24, v23  }
0x25b: {  	v41 =	vld [tilespmem:s12+$0xFFFFFF10];
	v13 =	vsub.bf16 v14, v13;
	v27 =	vsub.bf16 v27, v26  }
0x25c: {  	v44 =	vld [tilespmem:s12+$0xFFFFFF20];
	v31 =	vsub.bf16 v33, v32;
	v12 =	vsub.bf16 v60, v57;
	v10 =	vmul.bf16 v55, v16  }
0x25d: {  	v47 =	vld [tilespmem:s12+$0xFFFFFF30];
	v48 =	vsub.bf16 v39, v35;
	v11 =	vmul.bf16 v56, v25;
	v62 =	vmul.bf16 v58, v19  }
0x25e: {  	v30 =	vld [tilespmem:s22+$0xFFFFFF00];
	v53 =	vsub.bf16 v43, v29;
	v63 =	vmul.bf16 v59, v22;
	v15 =	vmul.bf16 v27, v15  }
0x25f: {  	v33 =	vld [tilespmem:s10+$0xFFFFFF10];
	v40 =	vmul.bf16 v31, v28;
	v12 =	vmul.bf16 v12, v34;
	v32 =	vunpack.i.u.bf16.f32 v11  }
0x260: {  	v51 =	vld [tilespmem:s10+$0xFFFFFFC0];
	v11 =	vunpack.i.l.bf16.f32 v11;
	v38 =	vunpack.i.u.bf16.f32 v63;
	v17 =	vunpack.i.l.bf16.f32 v63  }
0x261: {  	v57 =	vld [tilespmem:s10+$0xFFFFFF70];
	v42 =	vunpack.i.u.bf16.f32 v62;
	v16 =	vunpack.i.l.bf16.f32 v62;
	v45 =	vunpack.i.u.bf16.f32 v10  }
0x262: {  	v59 =	vld [tilespmem:s22+$0xFFFFFF70];
	v10 =	vunpack.i.l.bf16.f32 v10;
	v49 =	vunpack.i.u.bf16.f32 v12;
	v12 =	vunpack.i.l.bf16.f32 v12  }
0x263: {  	v27 =	vld [tilespmem:s22+$0x70];
	v56 =	vunpack.i.u.bf16.f32 v15;
	v11 =	vadd.f32 $0.0e+00, v11;
	v36 =	vadd.f32 $0.0e+00, v32  }
0x264: {  	v34 =	vld [tilespmem:s22+$0xFFFFFFE0];
	v60 =	vunpack.i.u.bf16.f32 v40;
	v14 =	vsub.bf16 v30, v61;
	v46 =	vsub.bf16 v37, v33  }
0x265: {  	v31 =	vld [tilespmem:s12+$0x70];
	v20 =	vunpack.i.l.bf16.f32 v40;
	v12 =	vadd.f32 $0.0e+00, v12;
	v23 =	vadd.f32 $0.0e+00, v49  }
0x266: {  	v63 =	vld [tilespmem:s10+$0xFFFFFFE0];
	v15 =	vunpack.i.l.bf16.f32 v15;
	v18 =	vadd.f32 v38, v36;
	v11 =	vadd.f32 v17, v11  }
0x267: {  	v61 =	vld [tilespmem:s12+$0xFFFFFFD0];
	v9 =	vmul.bf16 v14, v54;
	v22 =	vadd.f32 v60, v23;
	v12 =	vadd.f32 v20, v12  }
0x268: {  	v37 =	vld [tilespmem:s12+$0xFFFFFF70];
	v52 =	vmul.bf16 v46, v41;
	v41 =	vsub.bf16 v59, v57;
	v2 =	vsub.bf16 v27, v2  }
0x269: {  	v32 =	vld [tilespmem:s22+$0x90];
	v14 =	vmul.bf16 v53, v47;
	v17 =	vadd.f32 v42, v18;
	v11 =	vadd.f32 v16, v11  }
0x26a: {  	v24 =	vld [tilespmem:s10+$0xFFFFFFF0];
	v50 =	vunpack.i.u.bf16.f32 v9;
	v9 =	vunpack.i.l.bf16.f32 v9;
	v58 =	vunpack.i.u.bf16.f32 v52  }
0x26b: {  	v30 =	vld [tilespmem:s12+$0x80];
	v16 =	vmul.bf16 v48, v44;
	v33 =	vunpack.i.u.bf16.f32 v14;
	v22 =	vadd.f32 v56, v22  }
0x26c: {  	v54 =	vld [tilespmem:s22+$0xFFFFFFC0];
	v12 =	vadd.f32 v15, v12;
	v14 =	vunpack.i.l.bf16.f32 v14;
	v26 =	vsub.bf16 v34, v63  }
0x26d: {  	v43 =	vld [tilespmem:s12+$0xFFFFFFF0];
	v2 =	vmul.bf16 v2, v31;
	v25 =	vadd.f32 $0.0e+00, v50;
	v9 =	vadd.f32 $0.0e+00, v9  }
0x26e: {  	v38 =	vld [tilespmem:s12+$0xFFFFFFE0];
	v13 =	vmul.bf16 v13, v61;
	v15 =	vmul.bf16 v41, v37;
	v1 =	vsub.bf16 v32, v1  }
0x26f: {  	v55 =	vld [tilespmem:s12+$0xFFFFFFC0];
	v17 =	vadd.f32 v45, v17;
	v10 =	vadd.f32 v10, v11;
	v11 =	vunpack.i.l.bf16.f32 v52  }
0x270: {  	v40 =	vld [tilespmem:s10+$0x0];
	v4 =	vmul.bf16 v4, v30;
	v25 =	vadd.f32 v58, v25;
	v9 =	vadd.f32 v11, v9  }
0x271: {  	v53 =	vld [tilespmem:s12+$0x40];
	v62 =	vunpack.i.u.bf16.f32 v16;
	v16 =	vunpack.i.l.bf16.f32 v16;
	v19 =	vsub.bf16 v54, v51  }
0x272: {  	v36 =	vld [tilespmem:s22+$0xFFFFFFF0];
	v44 =	vunpack.i.u.bf16.f32 v13;
	v23 =	vadd.f32 v62, v25;
	v9 =	vadd.f32 v16, v9  }
0x273: {  	v60 =	vld [tilespmem:s12+$0x50];
	v13 =	vunpack.i.l.bf16.f32 v13;
	v49 =	vmul.bf16 v26, v38;
	v52 =	vunpack.i.u.bf16.f32 v15  }
0x274: {  	v42 =	vld [tilespmem:s22+$0x0];
	v15 =	vunpack.i.l.bf16.f32 v15;
	v9 =	vadd.f32 v14, v9;
	v46 =	vadd.f32 v33, v23  }
0x275: {  	v28 =	vld [tilespmem:s12+$0x60];
	v10 =	vadd.f32 v10, v17;
	v12 =	vadd.f32 v15, v12;
	v35 =	vmul.bf16 v19, v55  }
0x276: {  	v34 =	vld [tilespmem:s22+$0xA0];
	v8 =	vmul.bf16 v8, v53;
	v54 =	vadd.f32 v52, v22;
	v9 =	vadd.f32 v9, v46  }
0x277: {  	v47 =	vld [tilespmem:s12+$0x0];
	v19 =	vsub.bf16 v36, v24;
	v39 =	vunpack.i.u.bf16.f32 v35;
	v11 =	vunpack.i.l.bf16.f32 v35  }
0x278: {  	v63 =	vld [tilespmem:s10+$0x60];
	v6 =	vmul.bf16 v6, v60;
	v11 =	vadd.f32 $0.0e+00, v11;
	v16 =	vadd.f32 $0.0e+00, v39;
	(xrf2) =	vadd.scan.msk.f32 $0xffff, v9  }
0x279: {  	v45 =	vld [tilespmem:s22+$0x10];
	v18 =	vsub.bf16 v42, v40;
	v56 =	vunpack.i.l.bf16.f32 v49;
	v12 =	vadd.f32 v12, v54  }
0x27a: {  	v51 =	vld [tilespmem:s22+$0x20];
	v61 =	vunpack.i.u.bf16.f32 v49;
	v11 =	vadd.f32 v13, v11;
	v48 =	vadd.f32 v44, v16  }
0x27b: {  	v26 =	vld [tilespmem:s22+$0x60];
	v29 =	vunpack.i.u.bf16.f32 v8;
	v0 =	vsub.bf16 v34, v0;
	v55 =	vmul.bf16 v19, v43;
	(xrf2) =	vadd.scan.msk.f32 $0xffff, v10  }
0x27c: {  	v38 =	vld [tilespmem:s12+$0x30];
	v8 =	vunpack.i.l.bf16.f32 v8;
	v58 =	vadd.f32 v56, v11;
	v24 =	vadd.f32 v61, v48;
	(xrf2) =	vadd.scan.msk.f32 $0xffff, v12  }
0x27d: {  	v50 =	vld [tilespmem:s12+$0x10];
	v8 =	vadd.f32 $0.0e+00, v8;
	v62 =	vunpack.i.l.bf16.f32 v55;
	v17 =	vunpack.i.u.bf16.f32 v55  }
0x27e: {  	v57 =	vld [tilespmem:s12+$0x20];
	v54 =	vunpack.i.l.bf16.f32 v2;
	v9 =	vadd.f32 v62, v58;
	v10 =	vadd.f32 v17, v24  }
0x27f: {  	v7 =	vsub.bf16 v45, v7;
	v59 =	vmul.bf16 v18, v47;
	v33 =	vunpack.i.u.bf16.f32 v6  }
0x280: {  	v6 =	vunpack.i.l.bf16.f32 v6;
	v5 =	vsub.bf16 v51, v5;
	v9 =	vadd.f32 v9, v10  }
0x281: {  	v15 =	vsub.bf16 v26, v63;
	v3 =	vmul.bf16 v3, v38;
	v25 =	vunpack.i.u.bf16.f32 v59  }
0x282: {  	v60 =	vld [tilespmem:s22+$0xE0];
	v6 =	vadd.f32 v6, v8;
	v7 =	vmul.bf16 v7, v50;
	v13 =	vadd.f32 $0.0e+00, v25;
	v37, _, _ =	vpop (xrf2);
	(xrf2) =	vadd.scan.msk.f32 $0xffff, v9  }
0x283: {  	v35 =	vld [tilespmem:s12+$0x90];
	v5 =	vmul.bf16 v5, v57;
	v14 =	vmul.bf16 v15, v28;
	v44 =	vunpack.i.u.bf16.f32 v4  }
0x284: {  	v39 =	vld [tilespmem:s12+$0xA0];
	v4 =	vunpack.i.l.bf16.f32 v4;
	v51 =	vunpack.i.l.bf16.f32 v3;
	v3 =	vunpack.i.u.bf16.f32 v3  }
0x285: {  	v8 =	vld [tilespmem:s10+$0xC0];
	v20 =	vunpack.i.u.bf16.f32 v7;
	v46 =	vadd.f32 $0.0e+00, v44;
	(v2sf) =	vpush v37, $0xF;
	v40, _, _ =	vpop (xrf2)  }
0x286: {  	v50 =	vld [tilespmem:s22+$0xC0];
	v7 =	vunpack.i.l.bf16.f32 v7;
	v4 =	vadd.f32 $0.0e+00, v4;
	(v2sf) =	vpush v40, $0xF;
	v43, _, _ =	vpop (xrf2)  }
0x287: {  	v52 =	vld [tilespmem:s12+$0xB0];
	v11 =	vunpack.i.l.bf16.f32 v59;
	v36 =	vunpack.i.u.bf16.f32 v5;
	(v2sf) =	vpush v43, $0xF  }
0x288: {  	v42 =	vld [tilespmem:s10+$0xF0];
	v5 =	vunpack.i.l.bf16.f32 v5;
	v49 =	vunpack.i.l.bf16.f32 v14;
	v11 =	vadd.f32 $0.0e+00, v11  }
0x289: {  	s6 =	smax.f32 s6, $0.0e+00;
	s15 =	sadd.f32 s15, s26;
	v45 =	vld [tilespmem:s10+$0xD0];
	v41 =	vunpack.i.u.bf16.f32 v14;
	v13 =	vadd.f32 v20, v13;
	v6 =	vadd.f32 v49, v6  }
0x28a: {  	s6 =	sadd.f32 s6, s7;
	v47 =	vld [tilespmem:s22+$0xB0];
	v1 =	vmul.bf16 v1, v35;
	v7 =	vadd.f32 v7, v11;
	v11 =	vadd.f32 $0.0e+00, v29  }
0x28b: {  	s15 =	smax.f32 s15, $0.0e+00;
	v59 =	vld [tilespmem:s22+$0xF0];
	v0 =	vmul.bf16 v0, v39;
	v12 =	vadd.f32 v36, v13;
	v8 =	vsub.bf16 v50, v8  }
0x28c: {  	s6 =	sadd.f32 s15, s6;
	v55 =	vld [tilespmem:s12+$0xC0];
	v48 =	vunpack.i.u.bf16.f32 v1;
	v6 =	vadd.f32 v54, v6;
	v11 =	vadd.f32 v33, v11;
	v57, _, _ =	vpop (xrf2)  }
0x28d: {  	s9 =	sadd.f32 s9, s26;
	v1 =	vunpack.i.l.bf16.f32 v1;
	v5 =	vadd.f32 v5, v7;
	v7 =	vld [tilespmem:s10+$0xB0];
	(v2sf) =	vpush v57, $0xF  }
0x28e: {  	s8 =	sadd.f32 s8, s26;
	v56 =	vld [tilespmem:s22+$0xD0];
	v53 =	vunpack.i.u.bf16.f32 v0;
	v1 =	vadd.f32 v1, v4;
	v3 =	vadd.f32 v3, v12  }
0x28f: {  	s9 =	smax.f32 s9, $0.0e+00;
	s15 =	sadd.f32 s13, s26;
	v58 =	vld [tilespmem:s10+$0xE0];
	v0 =	vunpack.i.l.bf16.f32 v0;
	v11 =	vadd.f32 v41, v11;
	v5 =	vadd.f32 v51, v5  }
0x290: {  	s6 =	sadd.f32 s9, s6;
	v2 =	vunpack.i.u.bf16.f32 v2;
	v4 =	vld [tilespmem:s12+$0xD0];
	v0 =	vadd.f32 v0, v1;
	v10 =	vsub.bf16 v59, v42  }
0x291: {  	s5 =	sadd.f32 s5, s26;
	s10 =	smax.f32 s8, $0.0e+00;
	v2 =	vadd.f32 v2, v11;
	v3 =	vadd.f32 v5, v3  }
0x292: {  	s6 =	sadd.f32 s10, s6;
	v9 =	vadd.f32 v48, v46;
	v7 =	vsub.bf16 v47, v7  }
0x293: {  	s9 =	smax.f32 s15, $0.0e+00;
	s5 =	smax.f32 s5, $0.0e+00;
	v5 =	vsub.bf16 v56, v45;
	v6 =	vadd.f32 v6, v2;
	v2 =	vmul.bf16 v8, v55;
	v8 =	vld [tilespmem:s12+$0xF0];
	(xrf2) =	vadd.scan.msk.f32 $0xffff, v3  }
0x294: {  	v61 =	vld [tilespmem:s12+$0xE0];
	s6 =	sadd.f32 s9, s6;
	v11 =	vsub.bf16 v60, v58;
	v1 =	vadd.f32 v53, v9;
	v7 =	vmul.bf16 v7, v52;
	s10 =	spop (v2sf)  }
0x295: {  	v4 =	vmul.bf16 v5, v4;
	v62 =	vunpack.i.u.bf16.f32 v2;
	v2 =	vunpack.i.l.bf16.f32 v2;
	s7 =	sadd.f32 s10, s26;
	s13 =	spop (v2sf)  }
0x296: {  	s5 =	sadd.f32 s5, s6;
	v5 =	vunpack.i.u.bf16.f32 v7;
	v7 =	vunpack.i.l.bf16.f32 v7;
	v9 =	vadd.f32 $0.0e+00, v62;
	s15 =	spop (v2sf)  }
0x297: {  	v63 =	vadd.f32 $0.0e+00, v2;
	v7 =	vadd.f32 v7, v0;
	(xrf2) =	vadd.scan.msk.f32 $0xffff, v6;
	s7 =	smax.f32 s7, $0.0e+00;
	s6 =	sadd.f32 s15, s26  }
0x298: {  	v0 =	vunpack.i.u.bf16.f32 v4;
	v1 =	vadd.f32 v5, v1;
	v2 =	vmul.bf16 v10, v8;
	s5 =	sadd.f32 s7, s5  }
0x299: {  	v4 =	vunpack.i.l.bf16.f32 v4;
	v3 =	vadd.f32 v0, v9;
	v0 =	vmul.bf16 v11, v61;
	s7 =	sadd.f32 s13, s26;
	s6 =	smax.f32 s6, $0.0e+00  }
0x29a: {  	v5 =	vadd.f32 v7, v1;
	v6 =	vadd.f32 v4, v63;
	v4 =	vunpack.i.u.bf16.f32 v2;
	s13 =	simm.s32 $0x0;
	s6 =	sadd.f32 s6, s5;
	s5 =	simm.s32 $0x10430  }
.LBB2_7:
0x29b: {  	v1 =	vld [tilespmem:s5+$0x90];
	s13 =	sadd.s32 $0x8, s13;
	v7 =	vunpack.i.u.bf16.f32 v0;
	v8 =	vunpack.i.l.bf16.f32 v0;
	s12 =	sadd.s32 $0x200, s12;
	s22 =	sadd.s32 $0x200, s22  }
0x29c: {  	s7 =	smax.f32 s7, $0.0e+00;
	v0 =	vld [tilespmem:s5+$0xA0];
	p0 =	slt.u32 s13, $0x48;
	v6 =	vadd.f32 v8, v6;
	v7 =	vadd.f32 v7, v3;
	s8 =	spop (v2sf);
	(xrf2) =	vadd.scan.msk.f32 $0xffff, v5  }
0x29d: {  	s6 =	sadd.f32 s7, s6;
	v3 =	vld [tilespmem:s5+$0x70];
	v5, _, _ =	vpop (xrf2)  }
0x29e: {  	v2 =	vunpack.i.l.bf16.f32 v2;
	s7 =	sadd.f32 s8, s26;
	v8 =	vld [tilespmem:s5+$0x30];
	(v2sf) =	vpush v5, $0xF  }
0x29f: {  	v2 =	vadd.f32 v2, v6;
	v5 =	vadd.f32 v4, v7;
	v9 =	vld [tilespmem:s22+$0x30]  }
0x2a0: {  	s7 =	smax.f32 s7, $0.0e+00;
	v6 =	vld [tilespmem:s5+$0x80]  }
0x2a1: {  	s6 =	sadd.f32 s7, s6;
	v2 =	vadd.f32 v2, v5;
	v7 =	vld [tilespmem:s22+$0x80];
	v4, _, _ =	vpop (xrf2)  }
0x2a2: {  	v10 =	vld [tilespmem:s5+$0x50]  }
0x2a3: {  	v11 =	vld [tilespmem:s22+$0x50];
	(xrf2) =	vadd.scan.msk.f32 $0xffff, v2  }
0x2a4: {  	v5 =	vld [tilespmem:s5+$0x20];
	v2 =	vsub.bf16 v9, v8  }
0x2a5: {  	v12 =	vld [tilespmem:s5+$0x40];
	(v2sf) =	vpush v4, $0xF  }
0x2a6: {  	v13 =	vld [tilespmem:s22+$0x40];
	v4 =	vsub.bf16 v7, v6;
	v6, _, _ =	vpop (xrf2)  }
0x2a7: {  	v8 =	vld [tilespmem:s5+$0x10];
	(v2sf) =	vpush v6, $0xF  }
0x2a8: {  	v9 =	vld [tilespmem:s5+$0xFFFFFFF0];
	v6 =	vsub.bf16 v11, v10  }
0x2a9: {  	v10 =	vld [tilespmem:s5+$0xFFFFFFD0]  }
0x2aa: {  	v11 =	vld [tilespmem:s22+$0xFFFFFFD0]  }
0x2ab: {  	v14 =	vld [tilespmem:s12+$0xFFFFFF60];
	v7 =	vsub.bf16 v13, v12  }
0x2ac: {  	v12 =	vld [tilespmem:s12+$0xFFFFFFB0]  }
0x2ad: {  	v13 =	vld [tilespmem:s5+$0xFFFFFFB0];
	s7 =	spop (v2sf);
	v15, _, _ =	vpop (xrf2)  }
0x2ae: {  	v16 =	vld [tilespmem:s22+$0xFFFFFFB0];
	s7 =	sadd.f32 s7, s26;
	(v2sf) =	vpush v15, $0xF  }
0x2af: {  	v15 =	vld [tilespmem:s12+$0xFFFFFFA0];
	v10 =	vsub.bf16 v11, v10  }
0x2b0: {  	v11 =	vld [tilespmem:s5+$0xFFFFFFA0];
	s7 =	smax.f32 s7, $0.0e+00  }
0x2b1: {  	v17 =	vld [tilespmem:s22+$0xFFFFFFA0];
	s6 =	sadd.f32 s7, s6  }
0x2b2: {  	v18 =	vld [tilespmem:s12+$0xFFFFFF90]  }
0x2b3: {  	v19 =	vld [tilespmem:s5+$0xFFFFFF90];
	v13 =	vsub.bf16 v16, v13  }
0x2b4: {  	v16 =	vld [tilespmem:s22+$0xFFFFFF90];
	s7 =	spop (v2sf)  }
0x2b5: {  	v20 =	vld [tilespmem:s12+$0xFFFFFF80];
	v12 =	vmul.bf16 v13, v12;
	s7 =	sadd.f32 s7, s26  }
0x2b6: {  	v13 =	vld [tilespmem:s5+$0xFFFFFF60];
	v11 =	vsub.bf16 v17, v11;
	s8 =	spop (v2sf)  }
0x2b7: {  	v17 =	vld [tilespmem:s22+$0xFFFFFF60];
	s7 =	smax.f32 s7, $0.0e+00;
	s8 =	sadd.f32 s8, s26  }
0x2b8: {  	v21 =	vld [tilespmem:s12+$0xFFFFFF50];
	v11 =	vmul.bf16 v11, v15;
	s6 =	sadd.f32 s7, s6  }
0x2b9: {  	v15 =	vld [tilespmem:s5+$0xFFFFFF30];
	v16 =	vsub.bf16 v16, v19;
	s7 =	smax.f32 s8, $0.0e+00  }
0x2ba: {  	v19 =	vld [tilespmem:s5+$0xFFFFFF80];
	s6 =	sadd.f32 s7, s6  }
0x2bb: {  	v22 =	vld [tilespmem:s22+$0xFFFFFF80];
	v16 =	vmul.bf16 v16, v18  }
0x2bc: {  	v18 =	vld [tilespmem:s5+$0xFFFFFF50];
	v13 =	vsub.bf16 v17, v13  }
0x2bd: {  	v17 =	vld [tilespmem:s22+$0xFFFFFF50];
	s7 =	spop (v2sf)  }
0x2be: {  	v23 =	vld [tilespmem:s12+$0xFFFFFF40];
	v13 =	vmul.bf16 v13, v14;
	s7 =	sadd.f32 s7, s26  }
0x2bf: {  	v14 =	vld [tilespmem:s5+$0xFFFFFF20]  }
0x2c0: {  	v24 =	vld [tilespmem:s12+$0xFFFFFF00];
	v19 =	vsub.bf16 v22, v19;
	s7 =	smax.f32 s7, $0.0e+00  }
0x2c1: {  	v22 =	vld [tilespmem:s5+$0xFFFFFF40];
	s6 =	sadd.f32 s7, s6  }
0x2c2: {  	v25 =	vld [tilespmem:s22+$0xFFFFFF40];
	v17 =	vsub.bf16 v17, v18;
	v18 =	vmul.bf16 v19, v20  }
0x2c3: {  	v19 =	vld [tilespmem:s5+$0xFFFFFF00]  }
0x2c4: {  	v20 =	vld [tilespmem:s22+$0xFFFFFF00];
	v17 =	vmul.bf16 v17, v21;
	v21 =	vunpack.i.u.bf16.f32 v18;
	v18 =	vunpack.i.l.bf16.f32 v18  }
0x2c5: {  	v26 =	vld [tilespmem:s5+$0xFFFFFF10];
	v18 =	vadd.f32 $0.0e+00, v18;
	v21 =	vadd.f32 $0.0e+00, v21  }
0x2c6: {  	v28 =	vunpack.i.u.bf16.f32 v16;
	v27 =	vld [tilespmem:s22+$0xFFFFFF10]  }
0x2c7: {  	v16 =	vunpack.i.l.bf16.f32 v16;
	v29 =	vld [tilespmem:s22+$0xFFFFFF20];
	v22 =	vsub.bf16 v25, v22;
	v21 =	vadd.f32 v28, v21  }
0x2c8: {  	v16 =	vadd.f32 v16, v18;
	v18 =	vunpack.i.u.bf16.f32 v11;
	v11 =	vunpack.i.l.bf16.f32 v11;
	v25 =	vld [tilespmem:s12+$0xFFFFFF10]  }
0x2c9: {  	v19 =	vsub.bf16 v20, v19;
	v20 =	vld [tilespmem:s22+$0xFFFFFF30];
	v22 =	vmul.bf16 v22, v23;
	v18 =	vadd.f32 v18, v21  }
0x2ca: {  	v11 =	vadd.f32 v11, v16;
	v16 =	vunpack.i.u.bf16.f32 v12;
	v12 =	vunpack.i.l.bf16.f32 v12;
	v21 =	vld [tilespmem:s12+$0xFFFFFF20]  }
0x2cb: {  	v19 =	vmul.bf16 v19, v24;
	v23 =	vsub.bf16 v27, v26;
	v24 =	vld [tilespmem:s12+$0xFFFFFF30];
	v16 =	vadd.f32 v16, v18  }
0x2cc: {  	v18 =	vunpack.i.u.bf16.f32 v22;
	v22 =	vunpack.i.l.bf16.f32 v22;
	v14 =	vsub.bf16 v29, v14;
	v26 =	vld [tilespmem:s12+$0xFFFFFFC0]  }
0x2cd: {  	v11 =	vadd.f32 v12, v11;
	v27 =	vunpack.i.u.bf16.f32 v19;
	v19 =	vunpack.i.l.bf16.f32 v19;
	v12 =	vld [tilespmem:s5+$0xFFFFFFC0]  }
0x2ce: {  	v23 =	vmul.bf16 v23, v25;
	v15 =	vsub.bf16 v20, v15;
	v20 =	vadd.f32 $0.0e+00, v22;
	v22 =	vld [tilespmem:s22+$0xFFFFFFC0]  }
0x2cf: {  	v18 =	vadd.f32 $0.0e+00, v18;
	v25 =	vadd.f32 $0.0e+00, v27;
	v27 =	vunpack.i.u.bf16.f32 v13;
	v28 =	vld [tilespmem:s5+$0xFFFFFF70]  }
0x2d0: {  	v29 =	vunpack.i.u.bf16.f32 v23;
	v14 =	vmul.bf16 v14, v21;
	v15 =	vmul.bf16 v15, v24;
	v21 =	vld [tilespmem:s22+$0xFFFFFF70]  }
0x2d1: {  	v23 =	vunpack.i.l.bf16.f32 v23;
	v24 =	vadd.f32 v29, v25;
	v25 =	vunpack.i.u.bf16.f32 v17;
	v29 =	vld [tilespmem:s12+$0xFFFFFFD0]  }
0x2d2: {  	v30 =	vunpack.i.u.bf16.f32 v14;
	v14 =	vunpack.i.l.bf16.f32 v14;
	v18 =	vadd.f32 v25, v18;
	v25 =	vld [tilespmem:s12+$0xFFFFFF70]  }
0x2d3: {  	v19 =	vadd.f32 $0.0e+00, v19;
	v17 =	vunpack.i.l.bf16.f32 v17;
	v12 =	vsub.bf16 v22, v12;
	v22 =	vld [tilespmem:s5+$0xFFFFFFE0]  }
0x2d4: {  	v31 =	vunpack.i.u.bf16.f32 v15;
	v15 =	vunpack.i.l.bf16.f32 v15;
	v18 =	vadd.f32 v27, v18;
	v27 =	vld [tilespmem:s22+$0xFFFFFFE0]  }
0x2d5: {  	v19 =	vadd.f32 v23, v19;
	v23 =	vadd.f32 v30, v24;
	v12 =	vmul.bf16 v12, v26;
	v24 =	vld [tilespmem:s22+$0xFFFFFFF0]  }
0x2d6: {  	v13 =	vunpack.i.l.bf16.f32 v13;
	v17 =	vadd.f32 v17, v20;
	v10 =	vmul.bf16 v10, v29;
	v20 =	vld [tilespmem:s12+$0xFFFFFFE0]  }
0x2d7: {  	v14 =	vadd.f32 v14, v19;
	v19 =	vunpack.i.u.bf16.f32 v12;
	v12 =	vunpack.i.l.bf16.f32 v12;
	v26 =	vld [tilespmem:s5+$0x0]  }
0x2d8: {  	v13 =	vadd.f32 v13, v17;
	v17 =	vsub.bf16 v21, v28;
	v21 =	vld [tilespmem:s12+$0xFFFFFFF0]  }
0x2d9: {  	v12 =	vadd.f32 $0.0e+00, v12;
	v19 =	vadd.f32 $0.0e+00, v19;
	v28 =	vunpack.i.u.bf16.f32 v10;
	v29 =	vld [tilespmem:s22+$0x0]  }
0x2da: {  	v10 =	vunpack.i.l.bf16.f32 v10;
	v22 =	vsub.bf16 v27, v22;
	v9 =	vsub.bf16 v24, v9;
	v24 =	vld [tilespmem:s22+$0x10]  }
0x2db: {  	v14 =	vadd.f32 v15, v14;
	v15 =	vadd.f32 v31, v23;
	v17 =	vmul.bf16 v17, v25;
	v23 =	vld [tilespmem:s12+$0x0]  }
0x2dc: {  	v10 =	vadd.f32 v10, v12;
	v12 =	vadd.f32 v28, v19;
	v19 =	vmul.bf16 v22, v20;
	v20 =	vld [tilespmem:s12+$0x10]  }
0x2dd: {  	v11 =	vadd.f32 v11, v16;
	v14 =	vadd.f32 v14, v15;
	v9 =	vmul.bf16 v9, v21;
	v15 =	vld [tilespmem:s22+$0x20]  }
0x2de: {  	v16 =	vunpack.i.u.bf16.f32 v17;
	v17 =	vunpack.i.l.bf16.f32 v17;
	v21 =	vsub.bf16 v29, v26;
	v22 =	vld [tilespmem:s12+$0x40]  }
0x2df: {  	v13 =	vadd.f32 v17, v13;
	v17 =	vunpack.i.l.bf16.f32 v19;
	v8 =	vsub.bf16 v24, v8;
	v24 =	vld [tilespmem:s12+$0x20];
	(xrf2) =	vadd.scan.msk.f32 $0xffff, v14  }
0x2e0: {  	v10 =	vadd.f32 v17, v10;
	v14 =	vadd.f32 v16, v18;
	v16 =	vmul.bf16 v21, v23;
	v17 =	vld [tilespmem:s12+$0x50]  }
0x2e1: {  	v18 =	vunpack.i.u.bf16.f32 v19;
	v19 =	vunpack.i.l.bf16.f32 v9;
	v8 =	vmul.bf16 v8, v20;
	v20 =	vld [tilespmem:s5+$0x60]  }
0x2e2: {  	v12 =	vadd.f32 v18, v12;
	v18 =	vunpack.i.u.bf16.f32 v16;
	v16 =	vunpack.i.l.bf16.f32 v16;
	v21 =	vld [tilespmem:s22+$0x60];
	(xrf2) =	vadd.scan.msk.f32 $0xffff, v11  }
0x2e3: {  	v11 =	vadd.f32 v13, v14;
	v13 =	vadd.f32 $0.0e+00, v16;
	v7 =	vmul.bf16 v7, v22;
	v14 =	vld [tilespmem:s22+$0x70]  }
0x2e4: {  	v5 =	vsub.bf16 v15, v5;
	v16 =	vunpack.i.u.bf16.f32 v8;
	v8 =	vunpack.i.l.bf16.f32 v8;
	v15 =	vld [tilespmem:s12+$0x60]  }
0x2e5: {  	v10 =	vadd.f32 v19, v10;
	v8 =	vadd.f32 v8, v13;
	v13 =	vunpack.i.u.bf16.f32 v7;
	v19 =	vld [tilespmem:s12+$0x80];
	(xrf2) =	vadd.scan.msk.f32 $0xffff, v11  }
0x2e6: {  	v9 =	vunpack.i.u.bf16.f32 v9;
	v11 =	vadd.f32 $0.0e+00, v18;
	v6 =	vmul.bf16 v6, v17;
	v17 =	vld [tilespmem:s12+$0x70]  }
0x2e7: {  	v9 =	vadd.f32 v9, v12;
	v5 =	vmul.bf16 v5, v24;
	v7 =	vunpack.i.l.bf16.f32 v7;
	v12 =	vld [tilespmem:s22+$0x90]  }
0x2e8: {  	v13 =	vadd.f32 $0.0e+00, v13;
	v18 =	vunpack.i.u.bf16.f32 v6;
	v20 =	vsub.bf16 v21, v20;
	v21 =	vld [tilespmem:s22+$0xA0]  }
0x2e9: {  	v9 =	vadd.f32 v10, v9;
	v6 =	vunpack.i.l.bf16.f32 v6;
	v3 =	vsub.bf16 v14, v3;
	v10 =	vld [tilespmem:s12+$0x90];
	v14, _, _ =	vpop (xrf2)  }
0x2ea: {  	v22 =	vunpack.i.u.bf16.f32 v5;
	v13 =	vadd.f32 v18, v13;
	v15 =	vmul.bf16 v20, v15;
	v23 =	vld [tilespmem:s12+$0x30]  }
0x2eb: {  	v5 =	vunpack.i.l.bf16.f32 v5;
	v7 =	vadd.f32 $0.0e+00, v7;
	v4 =	vmul.bf16 v4, v19;
	v18 =	vld [tilespmem:s12+$0xA0];
	(xrf2) =	vadd.scan.msk.f32 $0xffff, v9  }
0x2ec: {  	v9 =	vunpack.i.u.bf16.f32 v15;
	v1 =	vsub.bf16 v12, v1;
	(v2sf) =	vpush v14, $0xF;
	v12, _, _ =	vpop (xrf2)  }
0x2ed: {  	v11 =	vadd.f32 v16, v11;
	v19 =	vunpack.i.u.bf16.f32 v4;
	v16 =	vld [tilespmem:s5+$0xF0];
	(v2sf) =	vpush v12, $0xF  }
0x2ee: {  	v5 =	vadd.f32 v5, v8;
	v4 =	vunpack.i.l.bf16.f32 v4;
	v0 =	vsub.bf16 v21, v0;
	v8 =	vld [tilespmem:s5+$0xD0]  }
0x2ef: {  	v12 =	vadd.f32 $0.0e+00, v19;
	v1 =	vmul.bf16 v1, v10;
	v2 =	vmul.bf16 v2, v23;
	v10 =	vld [tilespmem:s5+$0xB0];
	v14, _, _ =	vpop (xrf2)  }
0x2f0: {  	v11 =	vadd.f32 v22, v11;
	v0 =	vmul.bf16 v0, v18;
	v18 =	vld [tilespmem:s22+$0xB0];
	(v2sf) =	vpush v14, $0xF  }
0x2f1: {  	v6 =	vadd.f32 v6, v7;
	v3 =	vmul.bf16 v3, v17;
	v7 =	vunpack.i.u.bf16.f32 v1;
	v14 =	vld [tilespmem:s5+$0xC0]  }
0x2f2: {  	v15 =	vunpack.i.l.bf16.f32 v15;
	v9 =	vadd.f32 v9, v13;
	v17 =	vunpack.i.l.bf16.f32 v2;
	v13 =	vld [tilespmem:s12+$0xB0]  }
0x2f3: {  	v6 =	vadd.f32 v15, v6;
	v4 =	vadd.f32 $0.0e+00, v4;
	v15 =	vunpack.i.u.bf16.f32 v0;
	v19 =	vld [tilespmem:s22+$0xC0]  }
0x2f4: {  	v22 =	vunpack.i.l.bf16.f32 v3;
	v1 =	vunpack.i.l.bf16.f32 v1;
	v0 =	vunpack.i.l.bf16.f32 v0;
	v21 =	vld [tilespmem:s22+$0xD0]  }
0x2f5: {  	v6 =	vadd.f32 v22, v6;
	v2 =	vunpack.i.u.bf16.f32 v2;
	v5 =	vadd.f32 v17, v5;
	v17 =	vld [tilespmem:s12+$0xC0];
	v20, _, _ =	vpop (xrf2)  }
0x2f6: {  	v3 =	vunpack.i.u.bf16.f32 v3;
	v1 =	vadd.f32 v1, v4;
	v4 =	vld [tilespmem:s5+$0xE0];
	(v2sf) =	vpush v20, $0xF  }
0x2f7: {  	v3 =	vadd.f32 v3, v9;
	v7 =	vadd.f32 v7, v12;
	v9 =	vld [tilespmem:s12+$0xD0]  }
0x2f8: {  	v2 =	vadd.f32 v2, v11;
	v11 =	vsub.bf16 v19, v14;
	v12 =	vld [tilespmem:s22+$0xE0]  }
0x2f9: {  	v6 =	vadd.f32 v6, v3;
	v3 =	vsub.bf16 v18, v10;
	v10 =	vld [tilespmem:s22+$0xF0]  }
0x2fa: {  	v2 =	vadd.f32 v5, v2;
	v8 =	vsub.bf16 v21, v8;
	v5 =	vmul.bf16 v11, v17;
	v11 =	vld [tilespmem:s12+$0xE0]  }
0x2fb: {  	s7 =	spop (v2sf)  }
0x2fc: {  	v0 =	vadd.f32 v0, v1;
	v1 =	vadd.f32 v15, v7;
	v3 =	vmul.bf16 v3, v13;
	s8 =	sadd.f32 s7, s26  }
0x2fd: {  	v7 =	vunpack.i.u.bf16.f32 v5;
	v8 =	vmul.bf16 v8, v9;
	v9 =	vld [tilespmem:s12+$0xF0];
	s7 =	spop (v2sf);
	(xrf2) =	vadd.scan.msk.f32 $0xffff, v2  }
0x2fe: {  	v2 =	vunpack.i.u.bf16.f32 v3;
	v3 =	vunpack.i.l.bf16.f32 v3;
	v5 =	vunpack.i.l.bf16.f32 v5;
	s7 =	sadd.f32 s7, s26;
	s8 =	smax.f32 s8, $0.0e+00  }
0x2ff: {  	v7 =	vadd.f32 $0.0e+00, v7;
	v10 =	vsub.bf16 v10, v16;
	s6 =	sadd.f32 s8, s6  }
.Ltmp2:
0x300: {  	v13 =	vadd.f32 v3, v0;
	v0 =	vunpack.i.u.bf16.f32 v8;
	v8 =	vunpack.i.l.bf16.f32 v8;
	s8 =	spop (v2sf);
	(pc) =	sbr.rel @p0 .LBB2_7-.Ltmp2, $4  }
0x301: {  	v3 =	vadd.f32 v0, v7;
	v0 =	vsub.bf16 v12, v4;
	s8 =	sadd.f32 s8, s26;
	(xrf2) =	vadd.scan.msk.f32 $0xffff, v6  }
0x302: {  	v1 =	vadd.f32 v2, v1;
	v4 =	vadd.f32 $0.0e+00, v5;
	v2 =	vmul.bf16 v10, v9  }
0x303: {  	v0 =	vmul.bf16 v0, v11;
	s8 =	smax.f32 s8, $0.0e+00  }
0x304: {  	s5 =	sadd.s32 $0x200, s5;
	v5 =	vadd.f32 v13, v1;
	v6 =	vadd.f32 v8, v4;
	s6 =	sadd.f32 s8, s6;
	v4 =	vunpack.i.u.bf16.f32 v2  }
0x305: {  	v1 =	vunpack.i.u.bf16.f32 v0;
	v59 =	vunpack.i.l.bf16.f32 v0  }
0x306: {  	v0 =	vadd.f32 v59, v6;
	v1 =	vadd.f32 v1, v3  }
0x307: {  	v2 =	vunpack.i.l.bf16.f32 v2  }
0x308: {  	v0 =	vadd.f32 v2, v0;
	v1 =	vadd.f32 v4, v1;
	_ =	sdelay $0x1  }
0x309: {  	(xrf2) =	vadd.scan.msk.f32 $0xffff, v5;
	v0 =	vadd.f32 v0, v1;
	_ =	sdelay $0x1  }
0x30a: {  	(xrf2) =	vadd.scan.msk.f32 $0xffff, v0;
	_ =	sdelay $0x1  }
0x30b: {  	v60, _, _ =	vpop (xrf2)  }
0x30c: {  	(v2sf) =	vpush v60, $0xF  }
0x30d: {  	v61, _, _ =	vpop (xrf2)  }
0x30e: {  	(v2sf) =	vpush v61, $0xF;
	_ =	sdelay $0x2  }
0x30f: {  	v62, _, _ =	vpop (xrf2)  }
0x310: {  	(v2sf) =	vpush v62, $0xF  }
0x311: {  	v63, _, _ =	vpop (xrf2)  }
0x312: {  	(v2sf) =	vpush v63, $0xF;
	_ =	sdelay $0x4  }
0x313: {  	s5 =	spop (v2sf)  }
0x314: {  	s7 =	smax.f32 s7, $0.0e+00;
	s5 =	sadd.f32 s5, s26  }
0x315: {  	s6 =	sadd.f32 s7, s6;
	s12 =	spop (v2sf)  }
0x316: {  	s5 =	smax.f32 s5, $0.0e+00;
	s7 =	sadd.f32 s12, s26  }
0x317: {  	s5 =	sadd.f32 s5, s6;
	s13 =	spop (v2sf)  }
0x318: {  	s7 =	smax.f32 s7, $0.0e+00;
	s6 =	sadd.f32 s13, s26  }
0x319: {  	s5 =	sadd.f32 s7, s5  }
0x31a: {  	s6 =	smax.f32 s6, $0.0e+00  }
0x31b: {  	s5 =	sadd.f32 s6, s5;
	s15 =	spop (v2sf)  }
0x31c: {  	p0 =	seq.s32 s29, $0x28;
	s7 =	sadd.f32 s15, s26  }
.Ltmp3:
0x31d: {  	s22 =	spop (v2sf);
	(pc) =	sbr.rel @p0 .LBB2_10-.Ltmp3, $4  }
0x31e: {  	s7 =	smax.f32 s7, $0.0e+00;
	s6 =	sadd.f32 s22, s26  }
0x31f: {  	s5 =	sadd.f32 s7, s5  }
0x320: {  	s6 =	smax.f32 s6, $0.0e+00  }
0x321: {  	s13 =	sadd.f32 s6, s5  }
0x322: {  	s5 =	sadd.s32 $0x190, s31  }
0x323: {  	[tilespmem:s28], [sflag:$0x3] =	stream.indirect.gather [spmem:s3], $0x40, s5, s17, $0xb8;
	[tilespmem:$0x1C590] =	vst v63  }
.Ltmp4:
0x324: {  	_ = 	snop;
	(pc) =	sbr.rel .LBB2_2-.Ltmp4, $4  }
0x325: {  	s22 =	sadd.s32 $0x28A0, s31  }
0x326: {  	[tilespmem:s30], [sflag:$0x3] =	stream.indirect.gather [spmem:s3], $0x40, s22, s17, $0xb8;
	[tilespmem:$0x1C590] =	vst v63  }
0x327: {  	s31 =	sadd.s32 $0x4FB0, s31;
	s29 =	sadd.s32 $0x1, s29  }
0x328: {  	[tilespmem:s0], [sflag:$0x3] =	stream.indirect.gather [spmem:s3], $0x40, s31, s17, $0xb8;
	[tilespmem:$0x1C590] =	vst v63  }
.LBB2_10:
0x329: {  	_ =	swait.ge [sflag:s2], $0x1400  }
0x32a: {  	[sflag:s2] =	ssyncset.done $0x0  }
0x32b: {  	[sflag:s2] =	ssyncadd.s32 $0xFFFFEC00  }
0x32c: {  	_ =	swait.ge [sflag:s2], $0x1400  }
0x32d: {  	[sflag:s2] =	ssyncset.done $0x0  }
0x32e: {  	[sflag:s2] =	ssyncadd.s32 $0xFFFFEC00  }
0x32f: {  	_ =	swait.ge [sflag:s2], $0x1400  }
0x330: {  	[sflag:s2] =	ssyncset.done $0x0  }
0x331: {  	s5 =	simm.s32 $0x8A30;
	[sflag:s2] =	ssyncadd.s32 $0xFFFFEC00  }
0x332: {  	v1 =	vld [tilespmem:s5+$0x90]  }
0x333: {  	v0 =	vld [tilespmem:s5+$0xA0]  }
0x334: {  	v2 =	vld [tilespmem:s5+$0x70]  }
0x335: {  	s12 =	simm.s32 $0x9E30;
	v3 =	vld [tilespmem:s5+$0x30]  }
0x336: {  	v4 =	vld [tilespmem:s12+$0x30]  }
0x337: {  	v6 =	vld [tilespmem:s5+$0x80]  }
0x338: {  	v8 =	vld [tilespmem:s12+$0x80]  }
0x339: {  	v9 =	vld [tilespmem:s5+$0x50]  }
0x33a: {  	v10 =	vld [tilespmem:s12+$0x50]  }
0x33b: {  	v11 =	vld [tilespmem:s5+$0x40]  }
0x33c: {  	v12 =	vld [tilespmem:s12+$0x40]  }
0x33d: {  	v13 =	vld [tilespmem:s5+$0xFFFFFFD0]  }
0x33e: {  	s22 =	simm.s32 $0x7630;
	v14 =	vld [tilespmem:s12+$0xFFFFFFD0]  }
0x33f: {  	v15 =	vld [tilespmem:s22+$0xFFFFFF60]  }
0x340: {  	v16 =	vld [tilespmem:s22+$0xFFFFFFB0]  }
0x341: {  	v17 =	vld [tilespmem:s5+$0xFFFFFFB0]  }
0x342: {  	v18 =	vld [tilespmem:s12+$0xFFFFFFB0]  }
0x343: {  	v19 =	vld [tilespmem:s22+$0xFFFFFFA0]  }
0x344: {  	v20 =	vld [tilespmem:s5+$0xFFFFFFA0]  }
0x345: {  	v21 =	vld [tilespmem:s12+$0xFFFFFFA0]  }
0x346: {  	v22 =	vld [tilespmem:s22+$0xFFFFFF90]  }
0x347: {  	v23 =	vld [tilespmem:s5+$0xFFFFFF90]  }
0x348: {  	v24 =	vld [tilespmem:s12+$0xFFFFFF90]  }
0x349: {  	v25 =	vld [tilespmem:s22+$0xFFFFFF80]  }
0x34a: {  	v26 =	vld [tilespmem:s5+$0xFFFFFF60]  }
0x34b: {  	v27 =	vld [tilespmem:s12+$0xFFFFFF60]  }
0x34c: {  	v28 =	vld [tilespmem:s22+$0xFFFFFF50]  }
0x34d: {  	v29 =	vld [tilespmem:s5+$0xFFFFFF30]  }
0x34e: {  	v30 =	vld [tilespmem:s5+$0xFFFFFF80]  }
0x34f: {  	v31 =	vld [tilespmem:s12+$0xFFFFFF80]  }
0x350: {  	v32 =	vld [tilespmem:s5+$0xFFFFFF50]  }
0x351: {  	v33 =	vld [tilespmem:s12+$0xFFFFFF50]  }
0x352: {  	v34 =	vld [tilespmem:s22+$0xFFFFFF40]  }
0x353: {  	v35 =	vld [tilespmem:s5+$0xFFFFFF20]  }
0x354: {  	v52 =	vld [tilespmem:s22+$0xFFFFFF00]  }
0x355: {  	v55 =	vld [tilespmem:s5+$0xFFFFFF40]  }
0x356: {  	v58 =	vld [tilespmem:s12+$0xFFFFFF40];
	v3 =	vsub.bf16 v4, v3  }
0x357: {  	v59 =	vld [tilespmem:s5+$0xFFFFFF00];
	v4 =	vsub.bf16 v8, v6;
	v6 =	vsub.bf16 v10, v9  }
0x358: {  	v63 =	vld [tilespmem:s12+$0xFFFFFF00];
	v8 =	vsub.bf16 v12, v11;
	v53 =	vsub.bf16 v18, v17  }
0x359: {  	v36 =	vld [tilespmem:s12+$0xFFFFFF10];
	v54 =	vsub.bf16 v31, v30;
	v56 =	vsub.bf16 v21, v20  }
0x35a: {  	v38 =	vld [tilespmem:s12+$0xFFFFFF20];
	v57 =	vsub.bf16 v24, v23;
	v13 =	vsub.bf16 v14, v13  }
0x35b: {  	v42 =	vld [tilespmem:s12+$0xFFFFFF30];
	v62 =	vsub.bf16 v27, v26;
	v30 =	vsub.bf16 v33, v32  }
0x35c: {  	v40 =	vld [tilespmem:s22+$0xFFFFFF10];
	v12 =	vsub.bf16 v58, v55;
	v10 =	vmul.bf16 v53, v16;
	v11 =	vmul.bf16 v54, v25  }
0x35d: {  	v43 =	vld [tilespmem:s22+$0xFFFFFF20];
	v14 =	vsub.bf16 v63, v59;
	v60 =	vmul.bf16 v56, v19;
	v61 =	vmul.bf16 v57, v22  }
0x35e: {  	v46 =	vld [tilespmem:s22+$0xFFFFFF30];
	v15 =	vmul.bf16 v62, v15;
	v39 =	vmul.bf16 v30, v28  }
0x35f: {  	v50 =	vld [tilespmem:s5+$0xFFFFFFC0];
	v47 =	vsub.bf16 v38, v35;
	v12 =	vmul.bf16 v12, v34;
	v9 =	vmul.bf16 v14, v52  }
0x360: {  	v32 =	vld [tilespmem:s5+$0xFFFFFF10];
	v52 =	vsub.bf16 v42, v29;
	v31 =	vunpack.i.u.bf16.f32 v11;
	v11 =	vunpack.i.l.bf16.f32 v11  }
0x361: {  	v24 =	vld [tilespmem:s5+$0xFFFFFFF0];
	v37 =	vunpack.i.u.bf16.f32 v61;
	v17 =	vunpack.i.l.bf16.f32 v61;
	v41 =	vunpack.i.u.bf16.f32 v60  }
0x362: {  	v58 =	vld [tilespmem:s12+$0xFFFFFF70];
	v16 =	vunpack.i.l.bf16.f32 v60;
	v44 =	vunpack.i.u.bf16.f32 v10;
	v10 =	vunpack.i.l.bf16.f32 v10  }
0x363: {  	v35 =	vld [tilespmem:s12+$0xFFFFFFF0];
	v48 =	vunpack.i.u.bf16.f32 v12;
	v12 =	vunpack.i.l.bf16.f32 v12;
	v49 =	vunpack.i.u.bf16.f32 v9  }
0x364: {  	v53 =	vld [tilespmem:s12+$0xFFFFFFC0];
	v9 =	vunpack.i.l.bf16.f32 v9;
	v55 =	vunpack.i.u.bf16.f32 v15;
	v14 =	vmul.bf16 v52, v46  }
0x365: {  	v56 =	vld [tilespmem:s5+$0xFFFFFF70];
	v59 =	vunpack.i.u.bf16.f32 v39;
	v11 =	vadd.f32 $0.0e+00, v11;
	v33 =	vadd.f32 $0.0e+00, v31  }
0x366: {  	v29 =	vld [tilespmem:s22+$0x80];
	v20 =	vunpack.i.l.bf16.f32 v39;
	v45 =	vsub.bf16 v36, v32;
	v12 =	vadd.f32 $0.0e+00, v12  }
0x367: {  	v54 =	vld [tilespmem:s22+$0xFFFFFFC0];
	v15 =	vunpack.i.l.bf16.f32 v15;
	v25 =	vadd.f32 $0.0e+00, v49;
	v23 =	vadd.f32 $0.0e+00, v48  }
0x368: {  	v60 =	vld [tilespmem:s22+$0xFFFFFFD0];
	v9 =	vadd.f32 $0.0e+00, v9;
	v63 =	vunpack.i.u.bf16.f32 v14;
	v18 =	vadd.f32 v37, v33  }
0x369: {  	v52 =	vld [tilespmem:s22+$0x40];
	v14 =	vunpack.i.l.bf16.f32 v14;
	v11 =	vadd.f32 v17, v11;
	v22 =	vadd.f32 v59, v23  }
0x36a: {  	v36 =	vld [tilespmem:s22+$0xFFFFFF70];
	v51 =	vmul.bf16 v45, v40;
	v19 =	vsub.bf16 v53, v50;
	v12 =	vadd.f32 v20, v12  }
0x36b: {  	v31 =	vld [tilespmem:s12+$0x90];
	v40 =	vsub.bf16 v58, v56;
	v4 =	vmul.bf16 v4, v29;
	v17 =	vadd.f32 v41, v18  }
0x36c: {  	v5 =	vld [tilespmem:s5+$0x20];
	v11 =	vadd.f32 v16, v11;
	v57 =	vunpack.i.u.bf16.f32 v51;
	v16 =	vmul.bf16 v47, v43  }
0x36d: {  	v7 =	vld [tilespmem:s5+$0x10];
	v22 =	vadd.f32 v55, v22;
	v34 =	vmul.bf16 v19, v54;
	v13 =	vmul.bf16 v13, v60  }
0x36e: {  	v62 =	vld [tilespmem:s5+$0xFFFFFFE0];
	v12 =	vadd.f32 v15, v12;
	v19 =	vsub.bf16 v35, v24;
	v8 =	vmul.bf16 v8, v52  }
0x36f: {  	v33 =	vld [tilespmem:s12+$0xFFFFFFE0];
	v25 =	vadd.f32 v57, v25;
	v10 =	vadd.f32 v10, v11;
	v11 =	vunpack.i.l.bf16.f32 v51  }
0x370: {  	v50 =	vld [tilespmem:s12+$0x20];
	v15 =	vmul.bf16 v40, v36;
	v1 =	vsub.bf16 v31, v1;
	v9 =	vadd.f32 v11, v9  }
0x371: {  	v27 =	vld [tilespmem:s22+$0x60];
	v17 =	vadd.f32 v44, v17;
	v61 =	vunpack.i.u.bf16.f32 v16;
	v16 =	vunpack.i.l.bf16.f32 v16  }
0x372: {  	v42 =	vld [tilespmem:s22+$0xFFFFFFF0];
	v38 =	vunpack.i.u.bf16.f32 v34;
	v23 =	vadd.f32 v61, v25;
	v9 =	vadd.f32 v16, v9  }
0x373: {  	v39 =	vld [tilespmem:s5+$0x0];
	v43 =	vunpack.i.u.bf16.f32 v13;
	v28 =	vunpack.i.u.bf16.f32 v8;
	v8 =	vunpack.i.l.bf16.f32 v8  }
0x374: {  	v37 =	vld [tilespmem:s22+$0xFFFFFFE0];
	v11 =	vunpack.i.l.bf16.f32 v34;
	v45 =	vadd.f32 v63, v23;
	v9 =	vadd.f32 v14, v9  }
0x375: {  	v59 =	vld [tilespmem:s22+$0x50];
	v26 =	vsub.bf16 v33, v62;
	v51 =	vunpack.i.u.bf16.f32 v15;
	v5 =	vsub.bf16 v50, v5  }
0x376: {  	v46 =	vld [tilespmem:s22+$0x0];
	v15 =	vunpack.i.l.bf16.f32 v15;
	v8 =	vadd.f32 $0.0e+00, v8;
	v9 =	vadd.f32 v9, v45  }
0x377: {  	v56 =	vld [tilespmem:s22+$0x20];
	v13 =	vunpack.i.l.bf16.f32 v13;
	v11 =	vadd.f32 $0.0e+00, v11;
	v12 =	vadd.f32 v15, v12  }
0x378: {  	v41 =	vld [tilespmem:s12+$0x0];
	v54 =	vmul.bf16 v19, v42;
	v53 =	vadd.f32 v51, v22;
	v16 =	vadd.f32 $0.0e+00, v38;
	(xrf2) =	vadd.scan.msk.f32 $0xffff, v9  }
0x379: {  	v44 =	vld [tilespmem:s12+$0x10];
	v10 =	vadd.f32 v10, v17;
	v48 =	vmul.bf16 v26, v37;
	v11 =	vadd.f32 v13, v11  }
0x37a: {  	v62 =	vld [tilespmem:s5+$0x60];
	v6 =	vmul.bf16 v6, v59;
	v12 =	vadd.f32 v12, v53;
	v47 =	vadd.f32 v43, v16  }
0x37b: {  	v25 =	vld [tilespmem:s12+$0x60];
	v61 =	vunpack.i.l.bf16.f32 v54;
	v55 =	vunpack.i.l.bf16.f32 v48;
	v60 =	vunpack.i.u.bf16.f32 v48;
	(xrf2) =	vadd.scan.msk.f32 $0xffff, v10  }
0x37c: {  	v33 =	vld [tilespmem:s12+$0xA0];
	v17 =	vunpack.i.u.bf16.f32 v54;
	v57 =	vadd.f32 v55, v11;
	v63 =	vadd.f32 v60, v47;
	(xrf2) =	vadd.scan.msk.f32 $0xffff, v12  }
0x37d: {  	v34 =	vld [tilespmem:s22+$0x90];
	v18 =	vsub.bf16 v41, v39;
	v5 =	vmul.bf16 v5, v56;
	v32 =	vunpack.i.u.bf16.f32 v6  }
0x37e: {  	v30 =	vld [tilespmem:s22+$0x70];
	v6 =	vunpack.i.l.bf16.f32 v6;
	v9 =	vadd.f32 v61, v57;
	v10 =	vadd.f32 v17, v63  }
0x37f: {  	v49 =	vld [tilespmem:s22+$0x10];
	v6 =	vadd.f32 v6, v8;
	v7 =	vsub.bf16 v44, v7;
	v58 =	vmul.bf16 v18, v46  }
0x380: {  	v26 =	vld [tilespmem:s12+$0x70];
	v35 =	vunpack.i.u.bf16.f32 v5;
	v5 =	vunpack.i.l.bf16.f32 v5;
	v9 =	vadd.f32 v9, v10  }
0x381: {  	v59 =	vld [tilespmem:s12+$0xE0];
	v43 =	vunpack.i.u.bf16.f32 v4;
	v4 =	vunpack.i.l.bf16.f32 v4;
	v15 =	vsub.bf16 v25, v62  }
0x382: {  	v51 =	vld [tilespmem:s22+$0xB0];
	v0 =	vsub.bf16 v33, v0;
	v1 =	vmul.bf16 v1, v34;
	v4 =	vadd.f32 $0.0e+00, v4;
	v36, _, _ =	vpop (xrf2);
	(xrf2) =	vadd.scan.msk.f32 $0xffff, v9  }
0x383: {  	v38 =	vld [tilespmem:s22+$0xA0];
	v24 =	vunpack.i.u.bf16.f32 v58;
	v11 =	vunpack.i.l.bf16.f32 v58;
	v45 =	vadd.f32 $0.0e+00, v43  }
0x384: {  	v37 =	vld [tilespmem:s22+$0x30];
	v7 =	vmul.bf16 v7, v49;
	v11 =	vadd.f32 $0.0e+00, v11;
	v13 =	vadd.f32 $0.0e+00, v24  }
0x385: {  	v54 =	vld [tilespmem:s22+$0xC0];
	v2 =	vsub.bf16 v26, v2;
	v14 =	vmul.bf16 v15, v27;
	(v2sf) =	vpush v36, $0xF;
	v39, _, _ =	vpop (xrf2)  }
0x386: {  	v41 =	vld [tilespmem:s5+$0xF0];
	v47 =	vunpack.i.u.bf16.f32 v1;
	v1 =	vunpack.i.l.bf16.f32 v1;
	(v2sf) =	vpush v39, $0xF;
	v42, _, _ =	vpop (xrf2)  }
0x387: {  	v8 =	vld [tilespmem:s5+$0xC0];
	v20 =	vunpack.i.u.bf16.f32 v7;
	v7 =	vunpack.i.l.bf16.f32 v7;
	(v2sf) =	vpush v42, $0xF  }
0x388: {  	v44 =	vld [tilespmem:s5+$0xD0];
	v0 =	vmul.bf16 v0, v38;
	v1 =	vadd.f32 v1, v4;
	v7 =	vadd.f32 v7, v11  }
0x389: {  	v49 =	vld [tilespmem:s12+$0xC0];
	v3 =	vmul.bf16 v3, v37;
	v11 =	vadd.f32 $0.0e+00, v28;
	v13 =	vadd.f32 v20, v13  }
0x38a: {  	v46 =	vld [tilespmem:s12+$0xB0];
	v48 =	vunpack.i.l.bf16.f32 v14;
	v52 =	vunpack.i.u.bf16.f32 v0;
	v0 =	vunpack.i.l.bf16.f32 v0  }
0x38b: {  	v58 =	vld [tilespmem:s12+$0xF0];
	v40 =	vunpack.i.u.bf16.f32 v14;
	v6 =	vadd.f32 v48, v6;
	v0 =	vadd.f32 v0, v1  }
0x38c: {  	v55 =	vld [tilespmem:s12+$0xD0];
	v2 =	vmul.bf16 v2, v30;
	v11 =	vadd.f32 v32, v11;
	v5 =	vadd.f32 v5, v7;
	v56, _, _ =	vpop (xrf2)  }
0x38d: {  	v50 =	vunpack.i.l.bf16.f32 v3;
	v7 =	vld [tilespmem:s5+$0xB0];
	v12 =	vadd.f32 v35, v13;
	(v2sf) =	vpush v56, $0xF  }
0x38e: {  	v4 =	vld [tilespmem:s5+$0xE0];
	v3 =	vunpack.i.u.bf16.f32 v3;
	v8 =	vsub.bf16 v49, v8;
	v11 =	vadd.f32 v40, v11  }
0x38f: {  	v57 =	vld [tilespmem:s22+$0xD0];
	v53 =	vunpack.i.l.bf16.f32 v2;
	v5 =	vadd.f32 v50, v5;
	v3 =	vadd.f32 v3, v12  }
0x390: {  	v2 =	vunpack.i.u.bf16.f32 v2;
	v10 =	vsub.bf16 v58, v41;
	v6 =	vadd.f32 v53, v6  }
0x391: {  	v2 =	vadd.f32 v2, v11;
	v3 =	vadd.f32 v5, v3  }
0x392: {  	v5 =	vsub.bf16 v55, v44;
	v7 =	vsub.bf16 v46, v7  }
0x393: {  	v6 =	vadd.f32 v6, v2;
	v2 =	vmul.bf16 v8, v54;
	v8 =	vld [tilespmem:s22+$0xF0];
	v9 =	vadd.f32 v47, v45;
	(xrf2) =	vadd.scan.msk.f32 $0xffff, v3  }
0x394: {  	v60 =	vld [tilespmem:s22+$0xE0];
	v4 =	vsub.bf16 v59, v4;
	v5 =	vmul.bf16 v5, v57;
	v7 =	vmul.bf16 v7, v51;
	s31 =	spop (v2sf)  }
0x395: {  	v61 =	vunpack.i.u.bf16.f32 v2;
	v2 =	vunpack.i.l.bf16.f32 v2;
	v1 =	vadd.f32 v52, v9;
	s5 =	sadd.f32 s31, s26;
	s6 =	spop (v2sf)  }
0x396: {  	v62 =	vunpack.i.u.bf16.f32 v7;
	v7 =	vunpack.i.l.bf16.f32 v7;
	v9 =	vadd.f32 $0.0e+00, v61;
	s7 =	spop (v2sf)  }
0x397: {  	v63 =	vadd.f32 $0.0e+00, v2;
	v7 =	vadd.f32 v7, v0;
	(xrf2) =	vadd.scan.msk.f32 $0xffff, v6;
	s5 =	smax.f32 s5, $0.0e+00;
	s7 =	sadd.f32 s7, s26  }
0x398: {  	v0 =	vunpack.i.u.bf16.f32 v5;
	v1 =	vadd.f32 v62, v1;
	v2 =	vmul.bf16 v10, v8;
	s5 =	sadd.f32 s5, s13  }
0x399: {  	v8 =	vunpack.i.l.bf16.f32 v5;
	v3 =	vadd.f32 v0, v9;
	v0 =	vmul.bf16 v4, v60;
	s6 =	sadd.f32 s6, s26;
	s7 =	smax.f32 s7, $0.0e+00  }
0x39a: {  	v5 =	vadd.f32 v7, v1;
	v4 =	vunpack.i.u.bf16.f32 v2;
	v6 =	vadd.f32 v8, v63;
	s13 =	simm.s32 $0x0;
	s7 =	sadd.f32 s7, s5;
	s5 =	simm.s32 $0x8C30  }
.LBB2_11:
0x39b: {  	v1 =	vld [tilespmem:s5+$0x90];
	s13 =	sadd.s32 $0x8, s13;
	v7 =	vunpack.i.u.bf16.f32 v0;
	v8 =	vunpack.i.l.bf16.f32 v0;
	s22 =	sadd.s32 $0x200, s22;
	s12 =	sadd.s32 $0x200, s12  }
0x39c: {  	s6 =	smax.f32 s6, $0.0e+00;
	v0 =	vld [tilespmem:s5+$0xA0];
	p0 =	slt.u32 s13, $0x48;
	v6 =	vadd.f32 v8, v6;
	v7 =	vadd.f32 v7, v3;
	s8 =	spop (v2sf);
	(xrf2) =	vadd.scan.msk.f32 $0xffff, v5  }
0x39d: {  	s6 =	sadd.f32 s6, s7;
	v3 =	vld [tilespmem:s5+$0x70];
	v5, _, _ =	vpop (xrf2)  }
0x39e: {  	v2 =	vunpack.i.l.bf16.f32 v2;
	s7 =	sadd.f32 s8, s26;
	v8 =	vld [tilespmem:s5+$0x30];
	(v2sf) =	vpush v5, $0xF  }
0x39f: {  	v2 =	vadd.f32 v2, v6;
	v5 =	vadd.f32 v4, v7;
	v9 =	vld [tilespmem:s12+$0x30]  }
0x3a0: {  	s7 =	smax.f32 s7, $0.0e+00;
	v6 =	vld [tilespmem:s5+$0x80]  }
0x3a1: {  	s6 =	sadd.f32 s7, s6;
	v2 =	vadd.f32 v2, v5;
	v7 =	vld [tilespmem:s12+$0x80];
	v4, _, _ =	vpop (xrf2)  }
0x3a2: {  	v10 =	vld [tilespmem:s5+$0x50]  }
0x3a3: {  	v11 =	vld [tilespmem:s12+$0x50];
	(xrf2) =	vadd.scan.msk.f32 $0xffff, v2  }
0x3a4: {  	v5 =	vld [tilespmem:s5+$0x20];
	v2 =	vsub.bf16 v9, v8  }
0x3a5: {  	v12 =	vld [tilespmem:s5+$0x40];
	(v2sf) =	vpush v4, $0xF  }
0x3a6: {  	v13 =	vld [tilespmem:s12+$0x40];
	v4 =	vsub.bf16 v7, v6;
	v6, _, _ =	vpop (xrf2)  }
0x3a7: {  	v8 =	vld [tilespmem:s5+$0x10];
	(v2sf) =	vpush v6, $0xF  }
0x3a8: {  	v9 =	vld [tilespmem:s5+$0xFFFFFFF0];
	v6 =	vsub.bf16 v11, v10  }
0x3a9: {  	v10 =	vld [tilespmem:s5+$0xFFFFFFD0]  }
0x3aa: {  	v11 =	vld [tilespmem:s12+$0xFFFFFFD0]  }
0x3ab: {  	v14 =	vld [tilespmem:s22+$0xFFFFFF60];
	v7 =	vsub.bf16 v13, v12  }
0x3ac: {  	v12 =	vld [tilespmem:s22+$0xFFFFFFB0]  }
0x3ad: {  	v13 =	vld [tilespmem:s5+$0xFFFFFFB0];
	s7 =	spop (v2sf);
	v15, _, _ =	vpop (xrf2)  }
0x3ae: {  	v16 =	vld [tilespmem:s12+$0xFFFFFFB0];
	s7 =	sadd.f32 s7, s26;
	(v2sf) =	vpush v15, $0xF  }
0x3af: {  	v15 =	vld [tilespmem:s22+$0xFFFFFFA0];
	v10 =	vsub.bf16 v11, v10  }
0x3b0: {  	v11 =	vld [tilespmem:s5+$0xFFFFFFA0];
	s7 =	smax.f32 s7, $0.0e+00  }
0x3b1: {  	v17 =	vld [tilespmem:s12+$0xFFFFFFA0];
	s6 =	sadd.f32 s7, s6  }
0x3b2: {  	v18 =	vld [tilespmem:s22+$0xFFFFFF90]  }
0x3b3: {  	v19 =	vld [tilespmem:s5+$0xFFFFFF90];
	v13 =	vsub.bf16 v16, v13  }
0x3b4: {  	v16 =	vld [tilespmem:s12+$0xFFFFFF90];
	s7 =	spop (v2sf)  }
0x3b5: {  	v20 =	vld [tilespmem:s22+$0xFFFFFF80];
	v12 =	vmul.bf16 v13, v12;
	s7 =	sadd.f32 s7, s26  }
0x3b6: {  	v13 =	vld [tilespmem:s5+$0xFFFFFF60];
	v11 =	vsub.bf16 v17, v11;
	s8 =	spop (v2sf)  }
0x3b7: {  	v17 =	vld [tilespmem:s12+$0xFFFFFF60];
	s7 =	smax.f32 s7, $0.0e+00;
	s8 =	sadd.f32 s8, s26  }
0x3b8: {  	v21 =	vld [tilespmem:s22+$0xFFFFFF50];
	v11 =	vmul.bf16 v11, v15;
	s6 =	sadd.f32 s7, s6  }
0x3b9: {  	v15 =	vld [tilespmem:s5+$0xFFFFFF30];
	v16 =	vsub.bf16 v16, v19;
	s7 =	smax.f32 s8, $0.0e+00  }
0x3ba: {  	v19 =	vld [tilespmem:s5+$0xFFFFFF80];
	s6 =	sadd.f32 s7, s6  }
0x3bb: {  	v22 =	vld [tilespmem:s12+$0xFFFFFF80];
	v16 =	vmul.bf16 v16, v18  }
0x3bc: {  	v18 =	vld [tilespmem:s5+$0xFFFFFF50];
	v13 =	vsub.bf16 v17, v13  }
0x3bd: {  	v17 =	vld [tilespmem:s12+$0xFFFFFF50];
	s7 =	spop (v2sf)  }
0x3be: {  	v23 =	vld [tilespmem:s22+$0xFFFFFF40];
	v13 =	vmul.bf16 v13, v14;
	s7 =	sadd.f32 s7, s26  }
0x3bf: {  	v14 =	vld [tilespmem:s5+$0xFFFFFF20]  }
0x3c0: {  	v24 =	vld [tilespmem:s22+$0xFFFFFF00];
	v19 =	vsub.bf16 v22, v19;
	s7 =	smax.f32 s7, $0.0e+00  }
0x3c1: {  	v22 =	vld [tilespmem:s5+$0xFFFFFF40];
	s7 =	sadd.f32 s7, s6  }
0x3c2: {  	v25 =	vld [tilespmem:s12+$0xFFFFFF40];
	v17 =	vsub.bf16 v17, v18;
	v18 =	vmul.bf16 v19, v20  }
0x3c3: {  	v19 =	vld [tilespmem:s5+$0xFFFFFF00]  }
0x3c4: {  	v20 =	vld [tilespmem:s12+$0xFFFFFF00];
	v17 =	vmul.bf16 v17, v21;
	v21 =	vunpack.i.u.bf16.f32 v18;
	v18 =	vunpack.i.l.bf16.f32 v18  }
0x3c5: {  	v26 =	vld [tilespmem:s5+$0xFFFFFF10];
	v18 =	vadd.f32 $0.0e+00, v18;
	v21 =	vadd.f32 $0.0e+00, v21  }
0x3c6: {  	v28 =	vunpack.i.u.bf16.f32 v16;
	v27 =	vld [tilespmem:s12+$0xFFFFFF10]  }
0x3c7: {  	v16 =	vunpack.i.l.bf16.f32 v16;
	v29 =	vld [tilespmem:s12+$0xFFFFFF20];
	v22 =	vsub.bf16 v25, v22;
	v21 =	vadd.f32 v28, v21  }
0x3c8: {  	v16 =	vadd.f32 v16, v18;
	v18 =	vunpack.i.u.bf16.f32 v11;
	v11 =	vunpack.i.l.bf16.f32 v11;
	v25 =	vld [tilespmem:s22+$0xFFFFFF10]  }
0x3c9: {  	v19 =	vsub.bf16 v20, v19;
	v20 =	vld [tilespmem:s12+$0xFFFFFF30];
	v22 =	vmul.bf16 v22, v23;
	v18 =	vadd.f32 v18, v21  }
0x3ca: {  	v11 =	vadd.f32 v11, v16;
	v16 =	vunpack.i.u.bf16.f32 v12;
	v12 =	vunpack.i.l.bf16.f32 v12;
	v21 =	vld [tilespmem:s22+$0xFFFFFF20]  }
0x3cb: {  	v19 =	vmul.bf16 v19, v24;
	v23 =	vsub.bf16 v27, v26;
	v24 =	vld [tilespmem:s22+$0xFFFFFF30];
	v16 =	vadd.f32 v16, v18  }
0x3cc: {  	v18 =	vunpack.i.u.bf16.f32 v22;
	v22 =	vunpack.i.l.bf16.f32 v22;
	v14 =	vsub.bf16 v29, v14;
	v26 =	vld [tilespmem:s22+$0xFFFFFFC0]  }
0x3cd: {  	v11 =	vadd.f32 v12, v11;
	v27 =	vunpack.i.u.bf16.f32 v19;
	v19 =	vunpack.i.l.bf16.f32 v19;
	v12 =	vld [tilespmem:s5+$0xFFFFFFC0]  }
0x3ce: {  	v23 =	vmul.bf16 v23, v25;
	v15 =	vsub.bf16 v20, v15;
	v20 =	vadd.f32 $0.0e+00, v22;
	v22 =	vld [tilespmem:s12+$0xFFFFFFC0]  }
0x3cf: {  	v18 =	vadd.f32 $0.0e+00, v18;
	v25 =	vadd.f32 $0.0e+00, v27;
	v27 =	vunpack.i.u.bf16.f32 v13;
	v28 =	vld [tilespmem:s5+$0xFFFFFF70]  }
0x3d0: {  	v29 =	vunpack.i.u.bf16.f32 v23;
	v14 =	vmul.bf16 v14, v21;
	v15 =	vmul.bf16 v15, v24;
	v21 =	vld [tilespmem:s12+$0xFFFFFF70]  }
0x3d1: {  	v23 =	vunpack.i.l.bf16.f32 v23;
	v24 =	vadd.f32 v29, v25;
	v25 =	vunpack.i.u.bf16.f32 v17;
	v29 =	vld [tilespmem:s22+$0xFFFFFFD0]  }
0x3d2: {  	v30 =	vunpack.i.u.bf16.f32 v14;
	v14 =	vunpack.i.l.bf16.f32 v14;
	v18 =	vadd.f32 v25, v18;
	v25 =	vld [tilespmem:s22+$0xFFFFFF70]  }
0x3d3: {  	v19 =	vadd.f32 $0.0e+00, v19;
	v17 =	vunpack.i.l.bf16.f32 v17;
	v12 =	vsub.bf16 v22, v12;
	v22 =	vld [tilespmem:s5+$0xFFFFFFE0]  }
0x3d4: {  	v31 =	vunpack.i.u.bf16.f32 v15;
	v15 =	vunpack.i.l.bf16.f32 v15;
	v18 =	vadd.f32 v27, v18;
	v27 =	vld [tilespmem:s12+$0xFFFFFFE0]  }
0x3d5: {  	v19 =	vadd.f32 v23, v19;
	v23 =	vadd.f32 v30, v24;
	v12 =	vmul.bf16 v12, v26;
	v24 =	vld [tilespmem:s12+$0xFFFFFFF0]  }
0x3d6: {  	v13 =	vunpack.i.l.bf16.f32 v13;
	v17 =	vadd.f32 v17, v20;
	v10 =	vmul.bf16 v10, v29;
	v20 =	vld [tilespmem:s22+$0xFFFFFFE0]  }
0x3d7: {  	v14 =	vadd.f32 v14, v19;
	v19 =	vunpack.i.u.bf16.f32 v12;
	v12 =	vunpack.i.l.bf16.f32 v12;
	v26 =	vld [tilespmem:s5+$0x0]  }
0x3d8: {  	v13 =	vadd.f32 v13, v17;
	v17 =	vsub.bf16 v21, v28;
	v21 =	vld [tilespmem:s22+$0xFFFFFFF0]  }
0x3d9: {  	v12 =	vadd.f32 $0.0e+00, v12;
	v19 =	vadd.f32 $0.0e+00, v19;
	v28 =	vunpack.i.u.bf16.f32 v10;
	v29 =	vld [tilespmem:s12+$0x0]  }
0x3da: {  	v10 =	vunpack.i.l.bf16.f32 v10;
	v22 =	vsub.bf16 v27, v22;
	v9 =	vsub.bf16 v24, v9;
	v24 =	vld [tilespmem:s12+$0x10]  }
0x3db: {  	v14 =	vadd.f32 v15, v14;
	v15 =	vadd.f32 v31, v23;
	v17 =	vmul.bf16 v17, v25;
	v23 =	vld [tilespmem:s22+$0x0]  }
0x3dc: {  	v10 =	vadd.f32 v10, v12;
	v12 =	vadd.f32 v28, v19;
	v19 =	vmul.bf16 v22, v20;
	v20 =	vld [tilespmem:s22+$0x10]  }
0x3dd: {  	v11 =	vadd.f32 v11, v16;
	v14 =	vadd.f32 v14, v15;
	v9 =	vmul.bf16 v9, v21;
	v15 =	vld [tilespmem:s12+$0x20]  }
0x3de: {  	v16 =	vunpack.i.u.bf16.f32 v17;
	v17 =	vunpack.i.l.bf16.f32 v17;
	v21 =	vsub.bf16 v29, v26;
	v22 =	vld [tilespmem:s22+$0x40]  }
0x3df: {  	v13 =	vadd.f32 v17, v13;
	v17 =	vunpack.i.l.bf16.f32 v19;
	v8 =	vsub.bf16 v24, v8;
	v24 =	vld [tilespmem:s22+$0x20];
	(xrf2) =	vadd.scan.msk.f32 $0xffff, v14  }
0x3e0: {  	v10 =	vadd.f32 v17, v10;
	v14 =	vadd.f32 v16, v18;
	v16 =	vmul.bf16 v21, v23;
	v17 =	vld [tilespmem:s22+$0x50]  }
0x3e1: {  	v18 =	vunpack.i.u.bf16.f32 v19;
	v19 =	vunpack.i.l.bf16.f32 v9;
	v8 =	vmul.bf16 v8, v20;
	v20 =	vld [tilespmem:s5+$0x60]  }
0x3e2: {  	v12 =	vadd.f32 v18, v12;
	v18 =	vunpack.i.u.bf16.f32 v16;
	v16 =	vunpack.i.l.bf16.f32 v16;
	v21 =	vld [tilespmem:s12+$0x60];
	(xrf2) =	vadd.scan.msk.f32 $0xffff, v11  }
0x3e3: {  	v11 =	vadd.f32 v13, v14;
	v13 =	vadd.f32 $0.0e+00, v16;
	v7 =	vmul.bf16 v7, v22;
	v14 =	vld [tilespmem:s12+$0x70]  }
0x3e4: {  	v5 =	vsub.bf16 v15, v5;
	v16 =	vunpack.i.u.bf16.f32 v8;
	v8 =	vunpack.i.l.bf16.f32 v8;
	v15 =	vld [tilespmem:s22+$0x60]  }
0x3e5: {  	v10 =	vadd.f32 v19, v10;
	v8 =	vadd.f32 v8, v13;
	v13 =	vunpack.i.u.bf16.f32 v7;
	v19 =	vld [tilespmem:s22+$0x80];
	(xrf2) =	vadd.scan.msk.f32 $0xffff, v11  }
0x3e6: {  	v9 =	vunpack.i.u.bf16.f32 v9;
	v11 =	vadd.f32 $0.0e+00, v18;
	v6 =	vmul.bf16 v6, v17;
	v17 =	vld [tilespmem:s22+$0x70]  }
0x3e7: {  	v9 =	vadd.f32 v9, v12;
	v5 =	vmul.bf16 v5, v24;
	v7 =	vunpack.i.l.bf16.f32 v7;
	v12 =	vld [tilespmem:s12+$0x90]  }
0x3e8: {  	v13 =	vadd.f32 $0.0e+00, v13;
	v18 =	vunpack.i.u.bf16.f32 v6;
	v20 =	vsub.bf16 v21, v20;
	v21 =	vld [tilespmem:s12+$0xA0]  }
0x3e9: {  	v9 =	vadd.f32 v10, v9;
	v6 =	vunpack.i.l.bf16.f32 v6;
	v3 =	vsub.bf16 v14, v3;
	v10 =	vld [tilespmem:s22+$0x90];
	v14, _, _ =	vpop (xrf2)  }
0x3ea: {  	v22 =	vunpack.i.u.bf16.f32 v5;
	v13 =	vadd.f32 v18, v13;
	v15 =	vmul.bf16 v20, v15;
	v23 =	vld [tilespmem:s22+$0x30]  }
0x3eb: {  	v5 =	vunpack.i.l.bf16.f32 v5;
	v7 =	vadd.f32 $0.0e+00, v7;
	v4 =	vmul.bf16 v4, v19;
	v18 =	vld [tilespmem:s22+$0xA0];
	(xrf2) =	vadd.scan.msk.f32 $0xffff, v9  }
0x3ec: {  	v9 =	vunpack.i.u.bf16.f32 v15;
	v1 =	vsub.bf16 v12, v1;
	(v2sf) =	vpush v14, $0xF;
	v12, _, _ =	vpop (xrf2)  }
0x3ed: {  	v11 =	vadd.f32 v16, v11;
	v19 =	vunpack.i.u.bf16.f32 v4;
	v16 =	vld [tilespmem:s5+$0xF0];
	(v2sf) =	vpush v12, $0xF  }
0x3ee: {  	v5 =	vadd.f32 v5, v8;
	v4 =	vunpack.i.l.bf16.f32 v4;
	v0 =	vsub.bf16 v21, v0;
	v8 =	vld [tilespmem:s5+$0xD0]  }
0x3ef: {  	v12 =	vadd.f32 $0.0e+00, v19;
	v1 =	vmul.bf16 v1, v10;
	v2 =	vmul.bf16 v2, v23;
	v10 =	vld [tilespmem:s5+$0xB0];
	v14, _, _ =	vpop (xrf2)  }
0x3f0: {  	v11 =	vadd.f32 v22, v11;
	v0 =	vmul.bf16 v0, v18;
	v18 =	vld [tilespmem:s12+$0xB0];
	(v2sf) =	vpush v14, $0xF  }
0x3f1: {  	v6 =	vadd.f32 v6, v7;
	v3 =	vmul.bf16 v3, v17;
	v7 =	vunpack.i.u.bf16.f32 v1;
	v14 =	vld [tilespmem:s5+$0xC0]  }
0x3f2: {  	v15 =	vunpack.i.l.bf16.f32 v15;
	v9 =	vadd.f32 v9, v13;
	v17 =	vunpack.i.l.bf16.f32 v2;
	v13 =	vld [tilespmem:s22+$0xB0]  }
0x3f3: {  	v6 =	vadd.f32 v15, v6;
	v4 =	vadd.f32 $0.0e+00, v4;
	v15 =	vunpack.i.u.bf16.f32 v0;
	v19 =	vld [tilespmem:s12+$0xC0]  }
0x3f4: {  	v22 =	vunpack.i.l.bf16.f32 v3;
	v1 =	vunpack.i.l.bf16.f32 v1;
	v0 =	vunpack.i.l.bf16.f32 v0;
	v21 =	vld [tilespmem:s12+$0xD0]  }
0x3f5: {  	v6 =	vadd.f32 v22, v6;
	v2 =	vunpack.i.u.bf16.f32 v2;
	v5 =	vadd.f32 v17, v5;
	v17 =	vld [tilespmem:s22+$0xC0];
	v20, _, _ =	vpop (xrf2)  }
0x3f6: {  	v3 =	vunpack.i.u.bf16.f32 v3;
	v1 =	vadd.f32 v1, v4;
	v4 =	vld [tilespmem:s5+$0xE0];
	(v2sf) =	vpush v20, $0xF  }
0x3f7: {  	v3 =	vadd.f32 v3, v9;
	v7 =	vadd.f32 v7, v12;
	v9 =	vld [tilespmem:s22+$0xD0]  }
0x3f8: {  	v2 =	vadd.f32 v2, v11;
	v11 =	vsub.bf16 v19, v14;
	v12 =	vld [tilespmem:s12+$0xE0]  }
0x3f9: {  	v6 =	vadd.f32 v6, v3;
	v3 =	vsub.bf16 v18, v10;
	v10 =	vld [tilespmem:s12+$0xF0]  }
0x3fa: {  	v2 =	vadd.f32 v5, v2;
	v8 =	vsub.bf16 v21, v8;
	v5 =	vmul.bf16 v11, v17;
	v11 =	vld [tilespmem:s22+$0xE0]  }
0x3fb: {  	s6 =	spop (v2sf)  }
0x3fc: {  	v0 =	vadd.f32 v0, v1;
	v1 =	vadd.f32 v15, v7;
	v3 =	vmul.bf16 v3, v13;
	s8 =	sadd.f32 s6, s26  }
0x3fd: {  	v7 =	vunpack.i.u.bf16.f32 v5;
	v8 =	vmul.bf16 v8, v9;
	v9 =	vld [tilespmem:s22+$0xF0];
	s6 =	spop (v2sf);
	(xrf2) =	vadd.scan.msk.f32 $0xffff, v2  }
0x3fe: {  	v2 =	vunpack.i.u.bf16.f32 v3;
	v3 =	vunpack.i.l.bf16.f32 v3;
	v5 =	vunpack.i.l.bf16.f32 v5;
	s6 =	sadd.f32 s6, s26;
	s8 =	smax.f32 s8, $0.0e+00  }
0x3ff: {  	v7 =	vadd.f32 $0.0e+00, v7;
	v10 =	vsub.bf16 v10, v16;
	s7 =	sadd.f32 s8, s7  }
.Ltmp5:
0x400: {  	v13 =	vadd.f32 v3, v0;
	v0 =	vunpack.i.u.bf16.f32 v8;
	v8 =	vunpack.i.l.bf16.f32 v8;
	s8 =	spop (v2sf);
	(pc) =	sbr.rel @p0 .LBB2_11-.Ltmp5, $4  }
0x401: {  	v3 =	vadd.f32 v0, v7;
	v0 =	vsub.bf16 v12, v4;
	s8 =	sadd.f32 s8, s26;
	(xrf2) =	vadd.scan.msk.f32 $0xffff, v6  }
0x402: {  	v1 =	vadd.f32 v2, v1;
	v4 =	vadd.f32 $0.0e+00, v5;
	v2 =	vmul.bf16 v10, v9  }
0x403: {  	v0 =	vmul.bf16 v0, v11;
	s8 =	smax.f32 s8, $0.0e+00  }
0x404: {  	s5 =	sadd.s32 $0x200, s5;
	v5 =	vadd.f32 v13, v1;
	v6 =	vadd.f32 v8, v4;
	s7 =	sadd.f32 s8, s7;
	v4 =	vunpack.i.u.bf16.f32 v2  }
0x405: {  	v1 =	vunpack.i.u.bf16.f32 v0;
	v0 =	vunpack.i.l.bf16.f32 v0  }
0x406: {  	v0 =	vadd.f32 v0, v6;
	v1 =	vadd.f32 v1, v3  }
0x407: {  	v2 =	vunpack.i.l.bf16.f32 v2  }
0x408: {  	v0 =	vadd.f32 v2, v0;
	v1 =	vadd.f32 v4, v1;
	_ =	sdelay $0x1  }
0x409: {  	v0 =	vadd.f32 v0, v1  }
0x40a: {  	(xrf2) =	vadd.scan.msk.f32 $0xffff, v5  }
0x40b: {  	(xrf2) =	vadd.scan.msk.f32 $0xffff, v0;
	_ =	sdelay $0x6  }
0x40c: {  	v0, _, _ =	vpop (xrf2)  }
0x40d: {  	(v2sf) =	vpush v0, $0xF;
	v0, _, _ =	vpop (xrf2)  }
0x40e: {  	(v2sf) =	vpush v0, $0xF;
	v0, _, _ =	vpop (xrf2)  }
0x40f: {  	(v2sf) =	vpush v0, $0xF;
	v0, _, _ =	vpop (xrf2)  }
0x410: {  	(v2sf) =	vpush v0, $0xF;
	_ =	sdelay $0xa  }
0x411: {  	s15 =	spop (v2sf)  }
0x412: {  	s10 =	spop (v2sf)  }
0x413: {  	s8 =	spop (v2sf)  }
0x414: {  	s13 =	spop (v2sf)  }
0x415: {  	s5 =	spop (v2sf)  }
0x416: {  	_ =	swait.ge [sflag:s1], $0x1400  }
0x417: {  	[sflag:s1] =	ssyncset.done $0x0  }
0x418: {  	[sflag:s1] =	ssyncadd.s32 $0xFFFFEC00  }
0x419: {  	_ =	swait.ge [sflag:s1], $0x1400  }
0x41a: {  	[sflag:s1] =	ssyncset.done $0x0  }
0x41b: {  	[sflag:s1] =	ssyncadd.s32 $0xFFFFEC00  }
0x41c: {  	_ =	swait.ge [sflag:s1], $0x1400  }
0x41d: {  	[sflag:s1] =	ssyncset.done $0x0  }
0x41e: {  	s9 =	simm.s32 $0xC630;
	[sflag:s1] =	ssyncadd.s32 $0xFFFFEC00  }
0x41f: {  	v1 =	vld [tilespmem:s9+$0x90]  }
0x420: {  	v0 =	vld [tilespmem:s9+$0xA0]  }
0x421: {  	v2 =	vld [tilespmem:s9+$0x70]  }
0x422: {  	s22 =	simm.s32 $0xDA30;
	v3 =	vld [tilespmem:s9+$0x30]  }
0x423: {  	v4 =	vld [tilespmem:s22+$0x30]  }
0x424: {  	v6 =	vld [tilespmem:s9+$0x80]  }
0x425: {  	v8 =	vld [tilespmem:s22+$0x80]  }
0x426: {  	v9 =	vld [tilespmem:s9+$0x50]  }
0x427: {  	v10 =	vld [tilespmem:s22+$0x50]  }
0x428: {  	v5 =	vld [tilespmem:s9+$0x20]  }
0x429: {  	v11 =	vld [tilespmem:s9+$0x40]  }
0x42a: {  	v12 =	vld [tilespmem:s22+$0x40]  }
0x42b: {  	v7 =	vld [tilespmem:s9+$0x10]  }
0x42c: {  	v13 =	vld [tilespmem:s9+$0xFFFFFFD0]  }
0x42d: {  	s12 =	simm.s32 $0xB230;
	v14 =	vld [tilespmem:s22+$0xFFFFFFD0]  }
0x42e: {  	v15 =	vld [tilespmem:s12+$0xFFFFFF60]  }
0x42f: {  	v16 =	vld [tilespmem:s12+$0xFFFFFFB0]  }
0x430: {  	v17 =	vld [tilespmem:s9+$0xFFFFFFB0]  }
0x431: {  	v18 =	vld [tilespmem:s22+$0xFFFFFFB0]  }
0x432: {  	v19 =	vld [tilespmem:s12+$0xFFFFFFA0]  }
0x433: {  	v20 =	vld [tilespmem:s9+$0xFFFFFFA0]  }
0x434: {  	v21 =	vld [tilespmem:s22+$0xFFFFFFA0]  }
0x435: {  	v22 =	vld [tilespmem:s12+$0xFFFFFF90]  }
0x436: {  	v23 =	vld [tilespmem:s9+$0xFFFFFF90]  }
0x437: {  	v24 =	vld [tilespmem:s22+$0xFFFFFF90]  }
0x438: {  	v25 =	vld [tilespmem:s12+$0xFFFFFF80]  }
0x439: {  	v26 =	vld [tilespmem:s9+$0xFFFFFF60]  }
0x43a: {  	v27 =	vld [tilespmem:s22+$0xFFFFFF60]  }
0x43b: {  	v28 =	vld [tilespmem:s12+$0xFFFFFF50]  }
0x43c: {  	v29 =	vld [tilespmem:s9+$0xFFFFFF30]  }
0x43d: {  	v30 =	vld [tilespmem:s9+$0xFFFFFF80]  }
0x43e: {  	v31 =	vld [tilespmem:s22+$0xFFFFFF80]  }
0x43f: {  	v32 =	vld [tilespmem:s9+$0xFFFFFF50]  }
0x440: {  	v33 =	vld [tilespmem:s22+$0xFFFFFF50]  }
0x441: {  	v34 =	vld [tilespmem:s12+$0xFFFFFF40]  }
0x442: {  	v35 =	vld [tilespmem:s9+$0xFFFFFF20]  }
0x443: {  	v54 =	vld [tilespmem:s12+$0xFFFFFF00]  }
0x444: {  	v57 =	vld [tilespmem:s9+$0xFFFFFF40]  }
0x445: {  	v60 =	vld [tilespmem:s22+$0xFFFFFF40]  }
0x446: {  	v61 =	vld [tilespmem:s9+$0xFFFFFF00];
	v3 =	vsub.bf16 v4, v3;
	v4 =	vsub.bf16 v8, v6  }
0x447: {  	v39 =	vld [tilespmem:s22+$0xFFFFFF20];
	v6 =	vsub.bf16 v10, v9;
	v8 =	vsub.bf16 v12, v11  }
0x448: {  	v43 =	vld [tilespmem:s22+$0xFFFFFF30];
	v55 =	vsub.bf16 v18, v17;
	v56 =	vsub.bf16 v31, v30  }
0x449: {  	v37 =	vld [tilespmem:s22+$0xFFFFFF10];
	v58 =	vsub.bf16 v21, v20;
	v59 =	vsub.bf16 v24, v23  }
0x44a: {  	v41 =	vld [tilespmem:s12+$0xFFFFFF10];
	v13 =	vsub.bf16 v14, v13;
	v27 =	vsub.bf16 v27, v26  }
0x44b: {  	v44 =	vld [tilespmem:s12+$0xFFFFFF20];
	v31 =	vsub.bf16 v33, v32;
	v12 =	vsub.bf16 v60, v57;
	v10 =	vmul.bf16 v55, v16  }
0x44c: {  	v47 =	vld [tilespmem:s12+$0xFFFFFF30];
	v48 =	vsub.bf16 v39, v35;
	v11 =	vmul.bf16 v56, v25;
	v62 =	vmul.bf16 v58, v19  }
0x44d: {  	v30 =	vld [tilespmem:s22+$0xFFFFFF00];
	v53 =	vsub.bf16 v43, v29;
	v63 =	vmul.bf16 v59, v22;
	v15 =	vmul.bf16 v27, v15  }
0x44e: {  	v33 =	vld [tilespmem:s9+$0xFFFFFF10];
	v40 =	vmul.bf16 v31, v28;
	v12 =	vmul.bf16 v12, v34;
	v32 =	vunpack.i.u.bf16.f32 v11  }
0x44f: {  	v51 =	vld [tilespmem:s9+$0xFFFFFFC0];
	v11 =	vunpack.i.l.bf16.f32 v11;
	v38 =	vunpack.i.u.bf16.f32 v63;
	v17 =	vunpack.i.l.bf16.f32 v63  }
0x450: {  	v57 =	vld [tilespmem:s9+$0xFFFFFF70];
	v42 =	vunpack.i.u.bf16.f32 v62;
	v16 =	vunpack.i.l.bf16.f32 v62;
	v45 =	vunpack.i.u.bf16.f32 v10  }
0x451: {  	v59 =	vld [tilespmem:s22+$0xFFFFFF70];
	v10 =	vunpack.i.l.bf16.f32 v10;
	v49 =	vunpack.i.u.bf16.f32 v12;
	v12 =	vunpack.i.l.bf16.f32 v12  }
0x452: {  	v27 =	vld [tilespmem:s22+$0x70];
	v56 =	vunpack.i.u.bf16.f32 v15;
	v11 =	vadd.f32 $0.0e+00, v11;
	v36 =	vadd.f32 $0.0e+00, v32  }
0x453: {  	v34 =	vld [tilespmem:s22+$0xFFFFFFE0];
	v60 =	vunpack.i.u.bf16.f32 v40;
	v14 =	vsub.bf16 v30, v61;
	v46 =	vsub.bf16 v37, v33  }
0x454: {  	v31 =	vld [tilespmem:s12+$0x70];
	v20 =	vunpack.i.l.bf16.f32 v40;
	v12 =	vadd.f32 $0.0e+00, v12;
	v23 =	vadd.f32 $0.0e+00, v49  }
0x455: {  	v63 =	vld [tilespmem:s9+$0xFFFFFFE0];
	v15 =	vunpack.i.l.bf16.f32 v15;
	v18 =	vadd.f32 v38, v36;
	v11 =	vadd.f32 v17, v11  }
0x456: {  	v61 =	vld [tilespmem:s12+$0xFFFFFFD0];
	v9 =	vmul.bf16 v14, v54;
	v22 =	vadd.f32 v60, v23;
	v12 =	vadd.f32 v20, v12  }
0x457: {  	v37 =	vld [tilespmem:s12+$0xFFFFFF70];
	v52 =	vmul.bf16 v46, v41;
	v41 =	vsub.bf16 v59, v57;
	v2 =	vsub.bf16 v27, v2  }
0x458: {  	v32 =	vld [tilespmem:s22+$0x90];
	v14 =	vmul.bf16 v53, v47;
	v17 =	vadd.f32 v42, v18;
	v11 =	vadd.f32 v16, v11  }
0x459: {  	v24 =	vld [tilespmem:s9+$0xFFFFFFF0];
	v50 =	vunpack.i.u.bf16.f32 v9;
	v9 =	vunpack.i.l.bf16.f32 v9;
	v58 =	vunpack.i.u.bf16.f32 v52  }
0x45a: {  	v30 =	vld [tilespmem:s12+$0x80];
	v16 =	vmul.bf16 v48, v44;
	v33 =	vunpack.i.u.bf16.f32 v14;
	v22 =	vadd.f32 v56, v22  }
0x45b: {  	v54 =	vld [tilespmem:s22+$0xFFFFFFC0];
	v12 =	vadd.f32 v15, v12;
	v14 =	vunpack.i.l.bf16.f32 v14;
	v26 =	vsub.bf16 v34, v63  }
0x45c: {  	v43 =	vld [tilespmem:s12+$0xFFFFFFF0];
	v2 =	vmul.bf16 v2, v31;
	v25 =	vadd.f32 $0.0e+00, v50;
	v9 =	vadd.f32 $0.0e+00, v9  }
0x45d: {  	v38 =	vld [tilespmem:s12+$0xFFFFFFE0];
	v13 =	vmul.bf16 v13, v61;
	v15 =	vmul.bf16 v41, v37;
	v1 =	vsub.bf16 v32, v1  }
0x45e: {  	v55 =	vld [tilespmem:s12+$0xFFFFFFC0];
	v17 =	vadd.f32 v45, v17;
	v10 =	vadd.f32 v10, v11;
	v11 =	vunpack.i.l.bf16.f32 v52  }
0x45f: {  	v40 =	vld [tilespmem:s9+$0x0];
	v4 =	vmul.bf16 v4, v30;
	v25 =	vadd.f32 v58, v25;
	v9 =	vadd.f32 v11, v9  }
0x460: {  	v53 =	vld [tilespmem:s12+$0x40];
	v62 =	vunpack.i.u.bf16.f32 v16;
	v16 =	vunpack.i.l.bf16.f32 v16;
	v19 =	vsub.bf16 v54, v51  }
0x461: {  	v36 =	vld [tilespmem:s22+$0xFFFFFFF0];
	v44 =	vunpack.i.u.bf16.f32 v13;
	v23 =	vadd.f32 v62, v25;
	v9 =	vadd.f32 v16, v9  }
0x462: {  	v60 =	vld [tilespmem:s12+$0x50];
	v13 =	vunpack.i.l.bf16.f32 v13;
	v49 =	vmul.bf16 v26, v38;
	v52 =	vunpack.i.u.bf16.f32 v15  }
0x463: {  	v42 =	vld [tilespmem:s22+$0x0];
	v15 =	vunpack.i.l.bf16.f32 v15;
	v9 =	vadd.f32 v14, v9;
	v46 =	vadd.f32 v33, v23  }
0x464: {  	v28 =	vld [tilespmem:s12+$0x60];
	v10 =	vadd.f32 v10, v17;
	v12 =	vadd.f32 v15, v12;
	v35 =	vmul.bf16 v19, v55  }
0x465: {  	v34 =	vld [tilespmem:s22+$0xA0];
	v8 =	vmul.bf16 v8, v53;
	v54 =	vadd.f32 v52, v22;
	v9 =	vadd.f32 v9, v46  }
0x466: {  	v47 =	vld [tilespmem:s12+$0x0];
	v19 =	vsub.bf16 v36, v24;
	v39 =	vunpack.i.u.bf16.f32 v35;
	v11 =	vunpack.i.l.bf16.f32 v35  }
0x467: {  	v63 =	vld [tilespmem:s9+$0x60];
	v6 =	vmul.bf16 v6, v60;
	v11 =	vadd.f32 $0.0e+00, v11;
	v16 =	vadd.f32 $0.0e+00, v39;
	(xrf2) =	vadd.scan.msk.f32 $0xffff, v9  }
0x468: {  	v45 =	vld [tilespmem:s22+$0x10];
	v18 =	vsub.bf16 v42, v40;
	v56 =	vunpack.i.l.bf16.f32 v49;
	v12 =	vadd.f32 v12, v54  }
0x469: {  	v51 =	vld [tilespmem:s22+$0x20];
	v61 =	vunpack.i.u.bf16.f32 v49;
	v11 =	vadd.f32 v13, v11;
	v48 =	vadd.f32 v44, v16  }
0x46a: {  	v26 =	vld [tilespmem:s22+$0x60];
	v29 =	vunpack.i.u.bf16.f32 v8;
	v0 =	vsub.bf16 v34, v0;
	v55 =	vmul.bf16 v19, v43;
	(xrf2) =	vadd.scan.msk.f32 $0xffff, v10  }
0x46b: {  	v38 =	vld [tilespmem:s12+$0x30];
	v8 =	vunpack.i.l.bf16.f32 v8;
	v58 =	vadd.f32 v56, v11;
	v24 =	vadd.f32 v61, v48;
	(xrf2) =	vadd.scan.msk.f32 $0xffff, v12  }
0x46c: {  	v50 =	vld [tilespmem:s12+$0x10];
	v8 =	vadd.f32 $0.0e+00, v8;
	v62 =	vunpack.i.l.bf16.f32 v55;
	v17 =	vunpack.i.u.bf16.f32 v55  }
0x46d: {  	v57 =	vld [tilespmem:s12+$0x20];
	v54 =	vunpack.i.l.bf16.f32 v2;
	v9 =	vadd.f32 v62, v58;
	v10 =	vadd.f32 v17, v24  }
0x46e: {  	v7 =	vsub.bf16 v45, v7;
	v59 =	vmul.bf16 v18, v47;
	v33 =	vunpack.i.u.bf16.f32 v6  }
0x46f: {  	v6 =	vunpack.i.l.bf16.f32 v6;
	v5 =	vsub.bf16 v51, v5;
	v9 =	vadd.f32 v9, v10  }
0x470: {  	v15 =	vsub.bf16 v26, v63;
	v3 =	vmul.bf16 v3, v38;
	v25 =	vunpack.i.u.bf16.f32 v59  }
0x471: {  	v60 =	vld [tilespmem:s22+$0xE0];
	v6 =	vadd.f32 v6, v8;
	v7 =	vmul.bf16 v7, v50;
	v13 =	vadd.f32 $0.0e+00, v25;
	v37, _, _ =	vpop (xrf2);
	(xrf2) =	vadd.scan.msk.f32 $0xffff, v9  }
0x472: {  	v35 =	vld [tilespmem:s12+$0x90];
	v5 =	vmul.bf16 v5, v57;
	v14 =	vmul.bf16 v15, v28;
	v44 =	vunpack.i.u.bf16.f32 v4  }
0x473: {  	v39 =	vld [tilespmem:s12+$0xA0];
	v4 =	vunpack.i.l.bf16.f32 v4;
	v51 =	vunpack.i.l.bf16.f32 v3;
	v3 =	vunpack.i.u.bf16.f32 v3  }
0x474: {  	v8 =	vld [tilespmem:s9+$0xC0];
	v20 =	vunpack.i.u.bf16.f32 v7;
	v46 =	vadd.f32 $0.0e+00, v44;
	(v2sf) =	vpush v37, $0xF;
	v40, _, _ =	vpop (xrf2)  }
0x475: {  	v50 =	vld [tilespmem:s22+$0xC0];
	v7 =	vunpack.i.l.bf16.f32 v7;
	v4 =	vadd.f32 $0.0e+00, v4;
	(v2sf) =	vpush v40, $0xF;
	v43, _, _ =	vpop (xrf2)  }
0x476: {  	v52 =	vld [tilespmem:s12+$0xB0];
	v11 =	vunpack.i.l.bf16.f32 v59;
	v36 =	vunpack.i.u.bf16.f32 v5;
	(v2sf) =	vpush v43, $0xF  }
0x477: {  	v42 =	vld [tilespmem:s9+$0xF0];
	v5 =	vunpack.i.l.bf16.f32 v5;
	v49 =	vunpack.i.l.bf16.f32 v14;
	v11 =	vadd.f32 $0.0e+00, v11  }
0x478: {  	s6 =	smax.f32 s6, $0.0e+00;
	s15 =	sadd.f32 s15, s26;
	v45 =	vld [tilespmem:s9+$0xD0];
	v41 =	vunpack.i.u.bf16.f32 v14;
	v13 =	vadd.f32 v20, v13;
	v6 =	vadd.f32 v49, v6  }
0x479: {  	s6 =	sadd.f32 s6, s7;
	v47 =	vld [tilespmem:s22+$0xB0];
	v1 =	vmul.bf16 v1, v35;
	v7 =	vadd.f32 v7, v11;
	v11 =	vadd.f32 $0.0e+00, v29  }
0x47a: {  	s29 =	smax.f32 s15, $0.0e+00;
	v59 =	vld [tilespmem:s22+$0xF0];
	v0 =	vmul.bf16 v0, v39;
	v12 =	vadd.f32 v36, v13;
	v8 =	vsub.bf16 v50, v8  }
0x47b: {  	s6 =	sadd.f32 s29, s6;
	v55 =	vld [tilespmem:s12+$0xC0];
	v48 =	vunpack.i.u.bf16.f32 v1;
	v6 =	vadd.f32 v54, v6;
	v11 =	vadd.f32 v33, v11;
	v57, _, _ =	vpop (xrf2)  }
0x47c: {  	s10 =	sadd.f32 s10, s26;
	v1 =	vunpack.i.l.bf16.f32 v1;
	v5 =	vadd.f32 v5, v7;
	v7 =	vld [tilespmem:s9+$0xB0];
	(v2sf) =	vpush v57, $0xF  }
0x47d: {  	s8 =	sadd.f32 s8, s26;
	v56 =	vld [tilespmem:s22+$0xD0];
	v53 =	vunpack.i.u.bf16.f32 v0;
	v1 =	vadd.f32 v1, v4;
	v3 =	vadd.f32 v3, v12  }
0x47e: {  	s31 =	smax.f32 s10, $0.0e+00;
	s10 =	sadd.f32 s13, s26;
	v58 =	vld [tilespmem:s9+$0xE0];
	v0 =	vunpack.i.l.bf16.f32 v0;
	v11 =	vadd.f32 v41, v11;
	v5 =	vadd.f32 v51, v5  }
0x47f: {  	s6 =	sadd.f32 s31, s6;
	v2 =	vunpack.i.u.bf16.f32 v2;
	v4 =	vld [tilespmem:s12+$0xD0];
	v0 =	vadd.f32 v0, v1;
	v10 =	vsub.bf16 v59, v42  }
0x480: {  	s5 =	sadd.f32 s5, s26;
	s9 =	smax.f32 s8, $0.0e+00;
	v2 =	vadd.f32 v2, v11;
	v3 =	vadd.f32 v5, v3  }
0x481: {  	s6 =	sadd.f32 s9, s6;
	v9 =	vadd.f32 v48, v46;
	v7 =	vsub.bf16 v47, v7  }
0x482: {  	s13 =	smax.f32 s10, $0.0e+00;
	s5 =	smax.f32 s5, $0.0e+00;
	v5 =	vsub.bf16 v56, v45;
	v6 =	vadd.f32 v6, v2;
	v2 =	vmul.bf16 v8, v55;
	v8 =	vld [tilespmem:s12+$0xF0];
	(xrf2) =	vadd.scan.msk.f32 $0xffff, v3  }
0x483: {  	v61 =	vld [tilespmem:s12+$0xE0];
	s6 =	sadd.f32 s13, s6;
	v11 =	vsub.bf16 v60, v58;
	v1 =	vadd.f32 v53, v9;
	v7 =	vmul.bf16 v7, v52;
	s15 =	spop (v2sf)  }
0x484: {  	v4 =	vmul.bf16 v5, v4;
	v62 =	vunpack.i.u.bf16.f32 v2;
	v2 =	vunpack.i.l.bf16.f32 v2;
	s7 =	sadd.f32 s15, s26;
	s29 =	spop (v2sf)  }
0x485: {  	s5 =	sadd.f32 s5, s6;
	v5 =	vunpack.i.u.bf16.f32 v7;
	v7 =	vunpack.i.l.bf16.f32 v7;
	v9 =	vadd.f32 $0.0e+00, v62;
	s31 =	spop (v2sf)  }
0x486: {  	v63 =	vadd.f32 $0.0e+00, v2;
	v7 =	vadd.f32 v7, v0;
	(xrf2) =	vadd.scan.msk.f32 $0xffff, v6;
	s7 =	smax.f32 s7, $0.0e+00;
	s6 =	sadd.f32 s31, s26  }
0x487: {  	v0 =	vunpack.i.u.bf16.f32 v4;
	v1 =	vadd.f32 v5, v1;
	v2 =	vmul.bf16 v10, v8;
	s5 =	sadd.f32 s7, s5  }
0x488: {  	v4 =	vunpack.i.l.bf16.f32 v4;
	v3 =	vadd.f32 v0, v9;
	v0 =	vmul.bf16 v11, v61;
	s7 =	sadd.f32 s29, s26;
	s6 =	smax.f32 s6, $0.0e+00  }
0x489: {  	s13 =	simm.s32 $0x0;
	v5 =	vadd.f32 v7, v1;
	v6 =	vadd.f32 v4, v63;
	v4 =	vunpack.i.u.bf16.f32 v2;
	s6 =	sadd.f32 s6, s5;
	s5 =	simm.s32 $0xC830  }
.LBB2_13:
0x48a: {  	v1 =	vld [tilespmem:s5+$0x90];
	s13 =	sadd.s32 $0x8, s13;
	v7 =	vunpack.i.u.bf16.f32 v0;
	v8 =	vunpack.i.l.bf16.f32 v0;
	s12 =	sadd.s32 $0x200, s12;
	s22 =	sadd.s32 $0x200, s22  }
0x48b: {  	s7 =	smax.f32 s7, $0.0e+00;
	v0 =	vld [tilespmem:s5+$0xA0];
	p0 =	slt.u32 s13, $0x48;
	v6 =	vadd.f32 v8, v6;
	v7 =	vadd.f32 v7, v3;
	s8 =	spop (v2sf);
	(xrf2) =	vadd.scan.msk.f32 $0xffff, v5  }
0x48c: {  	s6 =	sadd.f32 s7, s6;
	v3 =	vld [tilespmem:s5+$0x70];
	v5, _, _ =	vpop (xrf2)  }
0x48d: {  	v2 =	vunpack.i.l.bf16.f32 v2;
	s7 =	sadd.f32 s8, s26;
	v8 =	vld [tilespmem:s5+$0x30];
	(v2sf) =	vpush v5, $0xF  }
0x48e: {  	v2 =	vadd.f32 v2, v6;
	v5 =	vadd.f32 v4, v7;
	v9 =	vld [tilespmem:s22+$0x30]  }
0x48f: {  	s7 =	smax.f32 s7, $0.0e+00;
	v6 =	vld [tilespmem:s5+$0x80]  }
0x490: {  	s6 =	sadd.f32 s7, s6;
	v2 =	vadd.f32 v2, v5;
	v7 =	vld [tilespmem:s22+$0x80];
	v4, _, _ =	vpop (xrf2)  }
0x491: {  	v10 =	vld [tilespmem:s5+$0x50]  }
0x492: {  	v11 =	vld [tilespmem:s22+$0x50];
	(xrf2) =	vadd.scan.msk.f32 $0xffff, v2  }
0x493: {  	v5 =	vld [tilespmem:s5+$0x20];
	v2 =	vsub.bf16 v9, v8  }
0x494: {  	v12 =	vld [tilespmem:s5+$0x40];
	(v2sf) =	vpush v4, $0xF  }
0x495: {  	v13 =	vld [tilespmem:s22+$0x40];
	v4 =	vsub.bf16 v7, v6;
	v6, _, _ =	vpop (xrf2)  }
0x496: {  	v8 =	vld [tilespmem:s5+$0x10];
	(v2sf) =	vpush v6, $0xF  }
0x497: {  	v9 =	vld [tilespmem:s5+$0xFFFFFFF0];
	v6 =	vsub.bf16 v11, v10  }
0x498: {  	v10 =	vld [tilespmem:s5+$0xFFFFFFD0]  }
0x499: {  	v11 =	vld [tilespmem:s22+$0xFFFFFFD0]  }
0x49a: {  	v14 =	vld [tilespmem:s12+$0xFFFFFF60];
	v7 =	vsub.bf16 v13, v12  }
0x49b: {  	v12 =	vld [tilespmem:s12+$0xFFFFFFB0]  }
0x49c: {  	v13 =	vld [tilespmem:s5+$0xFFFFFFB0];
	s7 =	spop (v2sf);
	v15, _, _ =	vpop (xrf2)  }
0x49d: {  	v16 =	vld [tilespmem:s22+$0xFFFFFFB0];
	s7 =	sadd.f32 s7, s26;
	(v2sf) =	vpush v15, $0xF  }
0x49e: {  	v15 =	vld [tilespmem:s12+$0xFFFFFFA0];
	v10 =	vsub.bf16 v11, v10  }
0x49f: {  	v11 =	vld [tilespmem:s5+$0xFFFFFFA0];
	s7 =	smax.f32 s7, $0.0e+00  }
0x4a0: {  	v17 =	vld [tilespmem:s22+$0xFFFFFFA0];
	s6 =	sadd.f32 s7, s6  }
0x4a1: {  	v18 =	vld [tilespmem:s12+$0xFFFFFF90]  }
0x4a2: {  	v19 =	vld [tilespmem:s5+$0xFFFFFF90];
	v13 =	vsub.bf16 v16, v13  }
0x4a3: {  	v16 =	vld [tilespmem:s22+$0xFFFFFF90];
	s7 =	spop (v2sf)  }
0x4a4: {  	v20 =	vld [tilespmem:s12+$0xFFFFFF80];
	v12 =	vmul.bf16 v13, v12;
	s7 =	sadd.f32 s7, s26  }
0x4a5: {  	v13 =	vld [tilespmem:s5+$0xFFFFFF60];
	v11 =	vsub.bf16 v17, v11;
	s8 =	spop (v2sf)  }
0x4a6: {  	v17 =	vld [tilespmem:s22+$0xFFFFFF60];
	s7 =	smax.f32 s7, $0.0e+00;
	s8 =	sadd.f32 s8, s26  }
0x4a7: {  	v21 =	vld [tilespmem:s12+$0xFFFFFF50];
	v11 =	vmul.bf16 v11, v15;
	s6 =	sadd.f32 s7, s6  }
0x4a8: {  	v15 =	vld [tilespmem:s5+$0xFFFFFF30];
	v16 =	vsub.bf16 v16, v19;
	s7 =	smax.f32 s8, $0.0e+00  }
0x4a9: {  	v19 =	vld [tilespmem:s5+$0xFFFFFF80];
	s6 =	sadd.f32 s7, s6  }
0x4aa: {  	v22 =	vld [tilespmem:s22+$0xFFFFFF80];
	v16 =	vmul.bf16 v16, v18  }
0x4ab: {  	v18 =	vld [tilespmem:s5+$0xFFFFFF50];
	v13 =	vsub.bf16 v17, v13  }
0x4ac: {  	v17 =	vld [tilespmem:s22+$0xFFFFFF50];
	s7 =	spop (v2sf)  }
0x4ad: {  	v23 =	vld [tilespmem:s12+$0xFFFFFF40];
	v13 =	vmul.bf16 v13, v14;
	s7 =	sadd.f32 s7, s26  }
0x4ae: {  	v14 =	vld [tilespmem:s5+$0xFFFFFF20]  }
0x4af: {  	v24 =	vld [tilespmem:s12+$0xFFFFFF00];
	v19 =	vsub.bf16 v22, v19;
	s7 =	smax.f32 s7, $0.0e+00  }
0x4b0: {  	v22 =	vld [tilespmem:s5+$0xFFFFFF40];
	s6 =	sadd.f32 s7, s6  }
0x4b1: {  	v25 =	vld [tilespmem:s22+$0xFFFFFF40];
	v17 =	vsub.bf16 v17, v18;
	v18 =	vmul.bf16 v19, v20  }
0x4b2: {  	v19 =	vld [tilespmem:s5+$0xFFFFFF00]  }
0x4b3: {  	v20 =	vld [tilespmem:s22+$0xFFFFFF00];
	v17 =	vmul.bf16 v17, v21;
	v21 =	vunpack.i.u.bf16.f32 v18;
	v18 =	vunpack.i.l.bf16.f32 v18  }
0x4b4: {  	v26 =	vld [tilespmem:s5+$0xFFFFFF10];
	v18 =	vadd.f32 $0.0e+00, v18;
	v21 =	vadd.f32 $0.0e+00, v21  }
0x4b5: {  	v28 =	vunpack.i.u.bf16.f32 v16;
	v27 =	vld [tilespmem:s22+$0xFFFFFF10]  }
0x4b6: {  	v16 =	vunpack.i.l.bf16.f32 v16;
	v29 =	vld [tilespmem:s22+$0xFFFFFF20];
	v22 =	vsub.bf16 v25, v22;
	v21 =	vadd.f32 v28, v21  }
0x4b7: {  	v16 =	vadd.f32 v16, v18;
	v18 =	vunpack.i.u.bf16.f32 v11;
	v11 =	vunpack.i.l.bf16.f32 v11;
	v25 =	vld [tilespmem:s12+$0xFFFFFF10]  }
0x4b8: {  	v19 =	vsub.bf16 v20, v19;
	v20 =	vld [tilespmem:s22+$0xFFFFFF30];
	v22 =	vmul.bf16 v22, v23;
	v18 =	vadd.f32 v18, v21  }
0x4b9: {  	v11 =	vadd.f32 v11, v16;
	v16 =	vunpack.i.u.bf16.f32 v12;
	v12 =	vunpack.i.l.bf16.f32 v12;
	v21 =	vld [tilespmem:s12+$0xFFFFFF20]  }
0x4ba: {  	v19 =	vmul.bf16 v19, v24;
	v23 =	vsub.bf16 v27, v26;
	v24 =	vld [tilespmem:s12+$0xFFFFFF30];
	v16 =	vadd.f32 v16, v18  }
0x4bb: {  	v18 =	vunpack.i.u.bf16.f32 v22;
	v22 =	vunpack.i.l.bf16.f32 v22;
	v14 =	vsub.bf16 v29, v14;
	v26 =	vld [tilespmem:s12+$0xFFFFFFC0]  }
0x4bc: {  	v11 =	vadd.f32 v12, v11;
	v27 =	vunpack.i.u.bf16.f32 v19;
	v19 =	vunpack.i.l.bf16.f32 v19;
	v12 =	vld [tilespmem:s5+$0xFFFFFFC0]  }
0x4bd: {  	v23 =	vmul.bf16 v23, v25;
	v15 =	vsub.bf16 v20, v15;
	v20 =	vadd.f32 $0.0e+00, v22;
	v22 =	vld [tilespmem:s22+$0xFFFFFFC0]  }
0x4be: {  	v18 =	vadd.f32 $0.0e+00, v18;
	v25 =	vadd.f32 $0.0e+00, v27;
	v27 =	vunpack.i.u.bf16.f32 v13;
	v28 =	vld [tilespmem:s5+$0xFFFFFF70]  }
0x4bf: {  	v29 =	vunpack.i.u.bf16.f32 v23;
	v14 =	vmul.bf16 v14, v21;
	v15 =	vmul.bf16 v15, v24;
	v21 =	vld [tilespmem:s22+$0xFFFFFF70]  }
0x4c0: {  	v23 =	vunpack.i.l.bf16.f32 v23;
	v24 =	vadd.f32 v29, v25;
	v25 =	vunpack.i.u.bf16.f32 v17;
	v29 =	vld [tilespmem:s12+$0xFFFFFFD0]  }
0x4c1: {  	v30 =	vunpack.i.u.bf16.f32 v14;
	v14 =	vunpack.i.l.bf16.f32 v14;
	v18 =	vadd.f32 v25, v18;
	v25 =	vld [tilespmem:s12+$0xFFFFFF70]  }
0x4c2: {  	v19 =	vadd.f32 $0.0e+00, v19;
	v17 =	vunpack.i.l.bf16.f32 v17;
	v12 =	vsub.bf16 v22, v12;
	v22 =	vld [tilespmem:s5+$0xFFFFFFE0]  }
0x4c3: {  	v31 =	vunpack.i.u.bf16.f32 v15;
	v15 =	vunpack.i.l.bf16.f32 v15;
	v18 =	vadd.f32 v27, v18;
	v27 =	vld [tilespmem:s22+$0xFFFFFFE0]  }
0x4c4: {  	v19 =	vadd.f32 v23, v19;
	v23 =	vadd.f32 v30, v24;
	v12 =	vmul.bf16 v12, v26;
	v24 =	vld [tilespmem:s22+$0xFFFFFFF0]  }
0x4c5: {  	v13 =	vunpack.i.l.bf16.f32 v13;
	v17 =	vadd.f32 v17, v20;
	v10 =	vmul.bf16 v10, v29;
	v20 =	vld [tilespmem:s12+$0xFFFFFFE0]  }
0x4c6: {  	v14 =	vadd.f32 v14, v19;
	v19 =	vunpack.i.u.bf16.f32 v12;
	v12 =	vunpack.i.l.bf16.f32 v12;
	v26 =	vld [tilespmem:s5+$0x0]  }
0x4c7: {  	v13 =	vadd.f32 v13, v17;
	v17 =	vsub.bf16 v21, v28;
	v21 =	vld [tilespmem:s12+$0xFFFFFFF0]  }
0x4c8: {  	v12 =	vadd.f32 $0.0e+00, v12;
	v19 =	vadd.f32 $0.0e+00, v19;
	v28 =	vunpack.i.u.bf16.f32 v10;
	v29 =	vld [tilespmem:s22+$0x0]  }
0x4c9: {  	v10 =	vunpack.i.l.bf16.f32 v10;
	v22 =	vsub.bf16 v27, v22;
	v9 =	vsub.bf16 v24, v9;
	v24 =	vld [tilespmem:s22+$0x10]  }
0x4ca: {  	v14 =	vadd.f32 v15, v14;
	v15 =	vadd.f32 v31, v23;
	v17 =	vmul.bf16 v17, v25;
	v23 =	vld [tilespmem:s12+$0x0]  }
0x4cb: {  	v10 =	vadd.f32 v10, v12;
	v12 =	vadd.f32 v28, v19;
	v19 =	vmul.bf16 v22, v20;
	v20 =	vld [tilespmem:s12+$0x10]  }
0x4cc: {  	v11 =	vadd.f32 v11, v16;
	v14 =	vadd.f32 v14, v15;
	v9 =	vmul.bf16 v9, v21;
	v15 =	vld [tilespmem:s22+$0x20]  }
0x4cd: {  	v16 =	vunpack.i.u.bf16.f32 v17;
	v17 =	vunpack.i.l.bf16.f32 v17;
	v21 =	vsub.bf16 v29, v26;
	v22 =	vld [tilespmem:s12+$0x40]  }
0x4ce: {  	v13 =	vadd.f32 v17, v13;
	v17 =	vunpack.i.l.bf16.f32 v19;
	v8 =	vsub.bf16 v24, v8;
	v24 =	vld [tilespmem:s12+$0x20];
	(xrf2) =	vadd.scan.msk.f32 $0xffff, v14  }
0x4cf: {  	v10 =	vadd.f32 v17, v10;
	v14 =	vadd.f32 v16, v18;
	v16 =	vmul.bf16 v21, v23;
	v17 =	vld [tilespmem:s12+$0x50]  }
0x4d0: {  	v18 =	vunpack.i.u.bf16.f32 v19;
	v19 =	vunpack.i.l.bf16.f32 v9;
	v8 =	vmul.bf16 v8, v20;
	v20 =	vld [tilespmem:s5+$0x60]  }
0x4d1: {  	v12 =	vadd.f32 v18, v12;
	v18 =	vunpack.i.u.bf16.f32 v16;
	v16 =	vunpack.i.l.bf16.f32 v16;
	v21 =	vld [tilespmem:s22+$0x60];
	(xrf2) =	vadd.scan.msk.f32 $0xffff, v11  }
0x4d2: {  	v11 =	vadd.f32 v13, v14;
	v13 =	vadd.f32 $0.0e+00, v16;
	v7 =	vmul.bf16 v7, v22;
	v14 =	vld [tilespmem:s22+$0x70]  }
0x4d3: {  	v5 =	vsub.bf16 v15, v5;
	v16 =	vunpack.i.u.bf16.f32 v8;
	v8 =	vunpack.i.l.bf16.f32 v8;
	v15 =	vld [tilespmem:s12+$0x60]  }
0x4d4: {  	v10 =	vadd.f32 v19, v10;
	v8 =	vadd.f32 v8, v13;
	v13 =	vunpack.i.u.bf16.f32 v7;
	v19 =	vld [tilespmem:s12+$0x80];
	(xrf2) =	vadd.scan.msk.f32 $0xffff, v11  }
0x4d5: {  	v9 =	vunpack.i.u.bf16.f32 v9;
	v11 =	vadd.f32 $0.0e+00, v18;
	v6 =	vmul.bf16 v6, v17;
	v17 =	vld [tilespmem:s12+$0x70]  }
0x4d6: {  	v9 =	vadd.f32 v9, v12;
	v5 =	vmul.bf16 v5, v24;
	v7 =	vunpack.i.l.bf16.f32 v7;
	v12 =	vld [tilespmem:s22+$0x90]  }
0x4d7: {  	v13 =	vadd.f32 $0.0e+00, v13;
	v18 =	vunpack.i.u.bf16.f32 v6;
	v20 =	vsub.bf16 v21, v20;
	v21 =	vld [tilespmem:s22+$0xA0]  }
0x4d8: {  	v9 =	vadd.f32 v10, v9;
	v6 =	vunpack.i.l.bf16.f32 v6;
	v3 =	vsub.bf16 v14, v3;
	v10 =	vld [tilespmem:s12+$0x90];
	v14, _, _ =	vpop (xrf2)  }
0x4d9: {  	v22 =	vunpack.i.u.bf16.f32 v5;
	v13 =	vadd.f32 v18, v13;
	v15 =	vmul.bf16 v20, v15;
	v23 =	vld [tilespmem:s12+$0x30]  }
0x4da: {  	v5 =	vunpack.i.l.bf16.f32 v5;
	v7 =	vadd.f32 $0.0e+00, v7;
	v4 =	vmul.bf16 v4, v19;
	v18 =	vld [tilespmem:s12+$0xA0];
	(xrf2) =	vadd.scan.msk.f32 $0xffff, v9  }
0x4db: {  	v9 =	vunpack.i.u.bf16.f32 v15;
	v1 =	vsub.bf16 v12, v1;
	(v2sf) =	vpush v14, $0xF;
	v12, _, _ =	vpop (xrf2)  }
0x4dc: {  	v11 =	vadd.f32 v16, v11;
	v19 =	vunpack.i.u.bf16.f32 v4;
	v16 =	vld [tilespmem:s5+$0xF0];
	(v2sf) =	vpush v12, $0xF  }
0x4dd: {  	v5 =	vadd.f32 v5, v8;
	v4 =	vunpack.i.l.bf16.f32 v4;
	v0 =	vsub.bf16 v21, v0;
	v8 =	vld [tilespmem:s5+$0xD0]  }
0x4de: {  	v12 =	vadd.f32 $0.0e+00, v19;
	v1 =	vmul.bf16 v1, v10;
	v2 =	vmul.bf16 v2, v23;
	v10 =	vld [tilespmem:s5+$0xB0];
	v14, _, _ =	vpop (xrf2)  }
0x4df: {  	v11 =	vadd.f32 v22, v11;
	v0 =	vmul.bf16 v0, v18;
	v18 =	vld [tilespmem:s22+$0xB0];
	(v2sf) =	vpush v14, $0xF  }
0x4e0: {  	v6 =	vadd.f32 v6, v7;
	v3 =	vmul.bf16 v3, v17;
	v7 =	vunpack.i.u.bf16.f32 v1;
	v14 =	vld [tilespmem:s5+$0xC0]  }
0x4e1: {  	v15 =	vunpack.i.l.bf16.f32 v15;
	v9 =	vadd.f32 v9, v13;
	v17 =	vunpack.i.l.bf16.f32 v2;
	v13 =	vld [tilespmem:s12+$0xB0]  }
0x4e2: {  	v6 =	vadd.f32 v15, v6;
	v4 =	vadd.f32 $0.0e+00, v4;
	v15 =	vunpack.i.u.bf16.f32 v0;
	v19 =	vld [tilespmem:s22+$0xC0]  }
0x4e3: {  	v22 =	vunpack.i.l.bf16.f32 v3;
	v1 =	vunpack.i.l.bf16.f32 v1;
	v0 =	vunpack.i.l.bf16.f32 v0;
	v21 =	vld [tilespmem:s22+$0xD0]  }
0x4e4: {  	v6 =	vadd.f32 v22, v6;
	v2 =	vunpack.i.u.bf16.f32 v2;
	v5 =	vadd.f32 v17, v5;
	v17 =	vld [tilespmem:s12+$0xC0];
	v20, _, _ =	vpop (xrf2)  }
0x4e5: {  	v3 =	vunpack.i.u.bf16.f32 v3;
	v1 =	vadd.f32 v1, v4;
	v4 =	vld [tilespmem:s5+$0xE0];
	(v2sf) =	vpush v20, $0xF  }
0x4e6: {  	v3 =	vadd.f32 v3, v9;
	v7 =	vadd.f32 v7, v12;
	v9 =	vld [tilespmem:s12+$0xD0]  }
0x4e7: {  	v2 =	vadd.f32 v2, v11;
	v11 =	vsub.bf16 v19, v14;
	v12 =	vld [tilespmem:s22+$0xE0]  }
0x4e8: {  	v6 =	vadd.f32 v6, v3;
	v3 =	vsub.bf16 v18, v10;
	v10 =	vld [tilespmem:s22+$0xF0]  }
0x4e9: {  	v2 =	vadd.f32 v5, v2;
	v8 =	vsub.bf16 v21, v8;
	v5 =	vmul.bf16 v11, v17;
	v11 =	vld [tilespmem:s12+$0xE0]  }
0x4ea: {  	s7 =	spop (v2sf)  }
0x4eb: {  	v0 =	vadd.f32 v0, v1;
	v1 =	vadd.f32 v15, v7;
	v3 =	vmul.bf16 v3, v13;
	s8 =	sadd.f32 s7, s26  }
0x4ec: {  	v7 =	vunpack.i.u.bf16.f32 v5;
	v8 =	vmul.bf16 v8, v9;
	v9 =	vld [tilespmem:s12+$0xF0];
	s7 =	spop (v2sf);
	(xrf2) =	vadd.scan.msk.f32 $0xffff, v2  }
0x4ed: {  	v2 =	vunpack.i.u.bf16.f32 v3;
	v3 =	vunpack.i.l.bf16.f32 v3;
	v5 =	vunpack.i.l.bf16.f32 v5;
	s7 =	sadd.f32 s7, s26;
	s8 =	smax.f32 s8, $0.0e+00  }
0x4ee: {  	v7 =	vadd.f32 $0.0e+00, v7;
	v10 =	vsub.bf16 v10, v16;
	s6 =	sadd.f32 s8, s6  }
.Ltmp6:
0x4ef: {  	v13 =	vadd.f32 v3, v0;
	v0 =	vunpack.i.u.bf16.f32 v8;
	v8 =	vunpack.i.l.bf16.f32 v8;
	s8 =	spop (v2sf);
	(pc) =	sbr.rel @p0 .LBB2_13-.Ltmp6, $4  }
0x4f0: {  	v3 =	vadd.f32 v0, v7;
	v0 =	vsub.bf16 v12, v4;
	s8 =	sadd.f32 s8, s26;
	(xrf2) =	vadd.scan.msk.f32 $0xffff, v6  }
0x4f1: {  	v1 =	vadd.f32 v2, v1;
	v4 =	vadd.f32 $0.0e+00, v5;
	v2 =	vmul.bf16 v10, v9  }
0x4f2: {  	v0 =	vmul.bf16 v0, v11;
	s8 =	smax.f32 s8, $0.0e+00  }
0x4f3: {  	s5 =	sadd.s32 $0x200, s5;
	v5 =	vadd.f32 v13, v1;
	v6 =	vadd.f32 v8, v4;
	s6 =	sadd.f32 s8, s6;
	v4 =	vunpack.i.u.bf16.f32 v2  }
0x4f4: {  	v1 =	vunpack.i.u.bf16.f32 v0;
	v58 =	vunpack.i.l.bf16.f32 v0  }
0x4f5: {  	v0 =	vadd.f32 v58, v6;
	v1 =	vadd.f32 v1, v3  }
0x4f6: {  	v2 =	vunpack.i.l.bf16.f32 v2  }
0x4f7: {  	v0 =	vadd.f32 v2, v0;
	v1 =	vadd.f32 v4, v1;
	_ =	sdelay $0x1  }
0x4f8: {  	(xrf2) =	vadd.scan.msk.f32 $0xffff, v5;
	v0 =	vadd.f32 v0, v1;
	_ =	sdelay $0x1  }
0x4f9: {  	(xrf2) =	vadd.scan.msk.f32 $0xffff, v0;
	_ =	sdelay $0x3  }
0x4fa: {  	v59, _, _ =	vpop (xrf2)  }
0x4fb: {  	(v2sf) =	vpush v59, $0xF  }
0x4fc: {  	v60, _, _ =	vpop (xrf2)  }
0x4fd: {  	(v2sf) =	vpush v60, $0xF  }
0x4fe: {  	v61, _, _ =	vpop (xrf2)  }
0x4ff: {  	(v2sf) =	vpush v61, $0xF  }
0x500: {  	v62, _, _ =	vpop (xrf2)  }
0x501: {  	(v2sf) =	vpush v62, $0xF;
	_ =	sdelay $0x6  }
0x502: {  	s5 =	spop (v2sf)  }
0x503: {  	s7 =	smax.f32 s7, $0.0e+00;
	s5 =	sadd.f32 s5, s26  }
0x504: {  	s6 =	sadd.f32 s7, s6;
	s12 =	spop (v2sf)  }
0x505: {  	s5 =	smax.f32 s5, $0.0e+00;
	s7 =	sadd.f32 s12, s26  }
0x506: {  	s5 =	sadd.f32 s5, s6;
	s13 =	spop (v2sf)  }
0x507: {  	s7 =	smax.f32 s7, $0.0e+00;
	s6 =	sadd.f32 s13, s26  }
0x508: {  	s5 =	sadd.f32 s7, s5;
	s15 =	spop (v2sf)  }
0x509: {  	s6 =	smax.f32 s6, $0.0e+00;
	s7 =	sadd.f32 s15, s26  }
0x50a: {  	s5 =	sadd.f32 s6, s5;
	s22 =	spop (v2sf)  }
0x50b: {  	s7 =	smax.f32 s7, $0.0e+00;
	s6 =	sadd.f32 s22, s26  }
0x50c: {  	s5 =	sadd.f32 s7, s5  }
0x50d: {  	s6 =	smax.f32 s6, $0.0e+00  }
0x50e: {  	s5 =	sadd.f32 s6, s5;
	_ =	sdelay $0x1  }
0x50f: {  	v63 =	vmov s5  }
0x510: {  	s29 =	simm.s32 $0x12940;
	s26 =	rddreg [dreg:$0xb];
	[tilespmem:$0x12940] =	vst v63  }
0x511: {  	[hbm4b:s26+s4] =	stream.linear.scatter [tilespmem:s29], [sflag:$0x4], $0x10, $0x38;
	[tilespmem:$0x1C590] =	vst v63  }
0x512: {  	_ =	swait.ge [sflag:s11], $0x10  }
0x513: {  	s24 =	sadd.s32 $0x1, s24;
	s31 =	rddreg [dreg:$0xc]  }
0x514: {  	p0 =	sne.s32 s24, s31  }
.Ltmp7:
0x515: {  	_ = 	snop;
	(pc) =	sbr.rel @p0 .LBB2_1-.Ltmp7, $3  }
0x516: {  	_ =	sdelay $0x1  }
0x517: {  	[sflag:s11] =	ssyncset.done $0x0  }
0x518: {  	[sflag:s11] =	ssyncadd.s32 $0xFFFFFFF0  }
0x519: {  	_ =	sfence.sel $0x180000  }
0x51a: {  	[bflag:$0x0] =	sbarrier.arrive $0xFFFF  }
0x51b: {  	_ =	strace $0x90000047  }
0x51c: {  	s0 =	stileid.u32;
	[bflag:$0x2] =	sbarrier.arrive $0xFFFF  }
0x51d: {  	p0 =	sne.s32 s0, $0x0;
	s0 =	rddreg [dreg:$0x6]  }
0x51e: {  	s0 =	sadd.s32 @!p0 $0x100000, s0  }
0x51f: {  	[sflag:s0] =	ssyncadd.tile.s32 @!p0 $0x1;
	_ =	shalt  }
.Lfunc_end2:
_tile_overlayer_lowered:
.L_overlay_start_2:
0x520: {  	(tag) =	ssettag $0x2  }
0x521: {  	s0 =	rddreg [dreg:$0x0];
	s2 =	stileid.u32  }
0x522: {  	s1 =	rddreg [dreg:$0x1];
	p0 =	sne.s32 s2, $0x0  }
0x523: {  	s3 =	rddreg [dreg:$0x2];
	[bflag:$0x3] =	sbarrier.arrive $0xFFFF;
	s2 =	simm.s32 @!p0 $0x1C04  }
0x524: {  	[timem:s3], [sflag:s2] =	dma.local @!p0 [hbm:s0], s1  }
0x525: {  	s0 =	simm.s32 @!p0 $0x4  }
0x526: {  	_ =	swait.ge @!p0 [sflag:s0], s1  }
0x527: {  	s1 =	ssub.s32 @!p0 $0x0, s1;
	[sflag:s0] =	ssyncset.done @!p0 $0x0  }
0x528: {  	[sflag:s0] =	ssyncadd.s32 @!p0 s1  }
0x529: {  	[bflag:$0x3] =	sbarrier.arrive $0xFFFF  }
0x52a: {  	_ =	shalt  }

</sc_bundles>
